<compile_context>
chip_gen: v7x
topology: tpu7x:2x2x1
jax: 0.10.2.dev20260603
libtpu: 0.0.44.dev20260713+nightly
codegen_flags: <defaults>
</compile_context>

<pallas_src>
import functools

import jax
import jax.numpy as jnp
from jax import lax
from jax.experimental import pallas as pl
from jax.experimental.pallas import tpu as pltpu
from jax.experimental.pallas import tpu_sc as plsc

NUM_ROWS = 1000001
HIDDEN = 64
BATCH = 16384

NC = 2
NS = 16
NW = NC * NS
B_PER_W = BATCH // NW
PANEL = 128
NBUF = 11
GROUP = 32


def _gather_body(labels_hbm, tablet_hbm, outt_hbm, idx_v, panels, cols_v, sems):
    wid = lax.axis_index("s") * NC + lax.axis_index("c")
    base = wid * B_PER_W
    pltpu.sync_copy(labels_hbm.at[pl.ds(base, B_PER_W)], idx_v)

    lanes16 = lax.iota(jnp.int32, 16)

    def fetch(lbl, k):
        pan = pl.multiple_of((lbl >> 7) * PANEL, PANEL)
        return pltpu.make_async_copy(
            tablet_hbm.at[:, pl.ds(pan, PANEL)],
            panels[k % NBUF],
            sems[k % NBUF],
        )

    def extract(lbl, j, k):
        buf = panels[k % NBUF]
        lane = jnp.broadcast_to(lbl & 127, (16,))
        jvec = jnp.broadcast_to(j, (16,))
        for c in range(HIDDEN // 16):
            fvec = lanes16 + (16 * c)
            vals = plsc.load_gather(buf, [fvec, lane])
            plsc.store_scatter(cols_v, [fvec, jvec], vals)

    def group_body(g, carry):
        jj = g * GROUP
        vec0 = idx_v[pl.ds(jj, 16)]
        vec1 = idx_v[pl.ds(jj + 16, 16)]
        vecs = (vec0, vec1)
        for k in range(NBUF):
            fetch(vecs[k // 16][k % 16], k).start()
        for k in range(GROUP):
            lbl = vecs[k // 16][k % 16]
            fetch(lbl, k).wait()
            extract(lbl, jj + k, k)
            kn = k + NBUF
            if kn < GROUP:
                fetch(vecs[kn // 16][kn % 16], kn).start()
        return carry

    lax.fori_loop(0, B_PER_W // GROUP, group_body, 0)

    pltpu.sync_copy(cols_v, outt_hbm.at[:, pl.ds(base, B_PER_W)])


@functools.partial(
    pl.kernel,
    out_type=jax.ShapeDtypeStruct((HIDDEN, BATCH), jnp.float32),
    mesh=plsc.VectorSubcoreMesh(core_axis_name="c", subcore_axis_name="s"),
    scratch_types=[
        pltpu.VMEM((B_PER_W,), jnp.int32),
        [pltpu.VMEM((HIDDEN, PANEL), jnp.float32) for _ in range(NBUF)],
        pltpu.VMEM((HIDDEN, B_PER_W), jnp.float32),
        [pltpu.SemaphoreType.DMA for _ in range(NBUF)],
    ],
    compiler_params=pltpu.CompilerParams(needs_layout_passes=False),
)
def _embed_lookup(labels_hbm, tablet_hbm, outt_hbm, idx_v, panels, cols_v, sems):
    _gather_body(labels_hbm, tablet_hbm, outt_hbm, idx_v, panels, cols_v, sems)


def kernel(labels, train, table):
    out_t = _embed_lookup(labels.astype(jnp.int32), table.T)
    return (out_t.T, labels)

# --- scband reference (transcript-rebuilt; emitter-appended) ---
"""Pipeline reference for scband-label-embedder-24318104830332 (READ-ONLY COPY).

The authoritative reference and input builder live on the scoring server;
editing this copy changes nothing except your own understanding.
"""

import jax, jax.numpy as jnp
import numpy as np

NUM_CLASSES = 1000000
HIDDEN_SIZE = 64
BATCH = 16384


def setup_inputs(seed: int = 0) -> dict:
    key = jax.random.key(seed)
    k1, k2 = jax.random.split(key)
    labels = jax.random.randint(k1, (BATCH,), 0, NUM_CLASSES, dtype=jnp.int64 if jax.config.jax_enable_x64 else jnp.int32)
    # embedding table has num_classes + 1 rows (extra row for CFG null label)
    table = jax.random.normal(k2, (NUM_CLASSES + 1, HIDDEN_SIZE), dtype=jnp.float32) * 0.02
    train = 0
    return {"labels": labels, "train": train, "table": table}


def reference(labels, train, table):
    # nn.Embedding lookup: embeddings = embedding_table(labels)
    embeddings = jnp.take(table, labels, axis=0)
    return (embeddings, labels)

if __name__ == "__main__":
    import jax
    _d = setup_inputs()
    print(jax.jit(kernel)(*tuple(_d.values())))

</pallas_src>

<mosaic_0001>
#map = affine_map<(d0, d1) -> (0)>
#map1 = affine_map<(d0, d1) -> (0, 0)>
module attributes {stable_mosaic.version = 14 : i64} {
  func.func @_embed_lookup(%arg0: i32, %arg1: i32, %arg2: memref<16384xi32, #tpu.memory_space<hbm>>, %arg3: memref<64x1000001xf32, #tpu.memory_space<hbm>>, %arg4: memref<64x16384xf32, #tpu.memory_space<hbm>>, %arg5: memref<512xi32, #tpu.memory_space<vmem>>, %arg6: memref<64x128xf32, #tpu.memory_space<vmem>>, %arg7: memref<64x128xf32, #tpu.memory_space<vmem>>, %arg8: memref<64x128xf32, #tpu.memory_space<vmem>>, %arg9: memref<64x128xf32, #tpu.memory_space<vmem>>, %arg10: memref<64x128xf32, #tpu.memory_space<vmem>>, %arg11: memref<64x128xf32, #tpu.memory_space<vmem>>, %arg12: memref<64x128xf32, #tpu.memory_space<vmem>>, %arg13: memref<64x128xf32, #tpu.memory_space<vmem>>, %arg14: memref<64x128xf32, #tpu.memory_space<vmem>>, %arg15: memref<64x128xf32, #tpu.memory_space<vmem>>, %arg16: memref<64x128xf32, #tpu.memory_space<vmem>>, %arg17: memref<64x512xf32, #tpu.memory_space<vmem>>, %arg18: memref<!tpu.dma_semaphore, #tpu.memory_space<semaphore_mem>>, %arg19: memref<!tpu.dma_semaphore, #tpu.memory_space<semaphore_mem>>, %arg20: memref<!tpu.dma_semaphore, #tpu.memory_space<semaphore_mem>>, %arg21: memref<!tpu.dma_semaphore, #tpu.memory_space<semaphore_mem>>, %arg22: memref<!tpu.dma_semaphore, #tpu.memory_space<semaphore_mem>>, %arg23: memref<!tpu.dma_semaphore, #tpu.memory_space<semaphore_mem>>, %arg24: memref<!tpu.dma_semaphore, #tpu.memory_space<semaphore_mem>>, %arg25: memref<!tpu.dma_semaphore, #tpu.memory_space<semaphore_mem>>, %arg26: memref<!tpu.dma_semaphore, #tpu.memory_space<semaphore_mem>>, %arg27: memref<!tpu.dma_semaphore, #tpu.memory_space<semaphore_mem>>, %arg28: memref<!tpu.dma_semaphore, #tpu.memory_space<semaphore_mem>>) attributes {dimension_semantics = [#tpu.dimension_semantics<core_parallel>, #tpu.dimension_semantics<subcore_parallel>], iteration_bounds = array<i64: 2, 16>, scalar_prefetch = 0 : i64, scratch_operands = 24 : i64, tpu.core_type = #tpu.core_type<sc_vector_subcore>, window_params = [{transform_indices = #map}, {transform_indices = #map1}, {transform_indices = #map1}]} {
    %mul3A = arith.constant 2 : i32
    %mul3A_0 = arith.muli %arg1, %mul3A : i32
    %add3A = arith.addi %mul3A_0, %arg0 : i32
    %mul3A_1 = arith.constant 512 : i32
    %mul3A_2 = arith.muli %add3A, %mul3A_1 : i32
    "tpu.region"() ({
      %run_scoped3A = tpu.sem_alloc : memref<!tpu.dma_semaphore, #tpu.memory_space<semaphore_mem>>
      %dma_start3A = tpu.memref_slice %arg2[%mul3A_2] : memref<16384xi32, #tpu.memory_space<hbm>> -> memref<512xi32, #tpu.memory_space<hbm>>
      %dma_start3A_8 = tpu.memref_slice %arg2[%mul3A_2] : memref<16384xi32, #tpu.memory_space<hbm>> -> memref<512xi32, #tpu.memory_space<hbm>>
      tpu.enqueue_dma source(%dma_start3A_8 : memref<512xi32, #tpu.memory_space<hbm>>) target(%arg5 : memref<512xi32, #tpu.memory_space<vmem>>) target_semaphore(%run_scoped3A : memref<!tpu.dma_semaphore, #tpu.memory_space<semaphore_mem>>)
      %dma_wait3A = tpu.memref_slice %arg2[%mul3A_2] : memref<16384xi32, #tpu.memory_space<hbm>> -> memref<512xi32, #tpu.memory_space<hbm>>
      %dma_wait3A_9 = tpu.memref_slice %arg2[%mul3A_2] : memref<16384xi32, #tpu.memory_space<hbm>> -> memref<512xi32, #tpu.memory_space<hbm>>
      tpu.wait_dma2 semaphore(%run_scoped3A : memref<!tpu.dma_semaphore, #tpu.memory_space<semaphore_mem>>) src(%dma_wait3A_9 : memref<512xi32, #tpu.memory_space<hbm>>) dst(%arg5 : memref<512xi32, #tpu.memory_space<vmem>>)
      tpu.yield
    }) : () -> ()
    %iota3A = tpu.iota {dimensions = array<i32: 0>} : vector<16xi32>
    %scan3A = arith.constant 0 : i32
    %scan3A_3 = arith.constant 0 : i32
    %scan3A_4 = arith.constant 16 : i32
    %scan3A_5 = arith.addi %scan3A_3, %scan3A_4 : i32
    %scan3A_6 = arith.constant 1 : i32
    scf.for %scan3A_8 = %scan3A_3 to %scan3A_5 step %scan3A_6  : i32 {
      %mul3A_9 = arith.constant 32 : i32
      %mul3A_10 = arith.muli %scan3A_8, %mul3A_9 : i32
      %get3A = arith.index_cast %mul3A_10 : i32 to index
      %get3A_11 = tpu.vector_load %arg5[%get3A] {strides = array<i32>} : memref<512xi32, #tpu.memory_space<vmem>>, vector<16xi32>,
      %add3A_12 = arith.constant 16 : i32
      %add3A_13 = arith.addi %mul3A_10, %add3A_12 : i32
      %get3A_14 = arith.index_cast %add3A_13 : i32 to index
      %get3A_15 = tpu.vector_load %arg5[%get3A_14] {strides = array<i32>} : memref<512xi32, #tpu.memory_space<vmem>>, vector<16xi32>,
      %slice3A = vector.extract_strided_slice %get3A_11 {offsets = [0], sizes = [1], strides = [1]} : vector<16xi32> to vector<1xi32>
      %squeeze3A = vector.extract %slice3A[0] : i32 from vector<1xi32>
      %shift_right_arithmetic3A = arith.constant 7 : i32
      %shift_right_arithmetic3A_16 = arith.shrsi %squeeze3A, %shift_right_arithmetic3A : i32
      %mul3A_17 = arith.constant 128 : i32
      %mul3A_18 = arith.muli %shift_right_arithmetic3A_16, %mul3A_17 : i32
      %multiple_of3A = tpu.assume_multiple %mul3A_18, 128 : i32
      %dma_start3A = arith.constant 0 : i32
      %dma_start3A_19 = tpu.memref_slice %arg3[%dma_start3A, %multiple_of3A] : memref<64x1000001xf32, #tpu.memory_space<hbm>> -> memref<64x128xf32, #tpu.memory_space<hbm>>
      %dma_start3A_20 = arith.constant 0 : i32
      %dma_start3A_21 = tpu.memref_slice %arg3[%dma_start3A_20, %multiple_of3A] : memref<64x1000001xf32, #tpu.memory_space<hbm>> -> memref<64x128xf32, #tpu.memory_space<hbm>>
      tpu.enqueue_dma source(%dma_start3A_21 : memref<64x128xf32, #tpu.memory_space<hbm>>) target(%arg6 : memref<64x128xf32, #tpu.memory_space<vmem>>) target_semaphore(%arg18 : memref<!tpu.dma_semaphore, #tpu.memory_space<semaphore_mem>>)
      %slice3A_22 = vector.extract_strided_slice %get3A_11 {offsets = [1], sizes = [1], strides = [1]} : vector<16xi32> to vector<1xi32>
      %squeeze3A_23 = vector.extract %slice3A_22[0] : i32 from vector<1xi32>
      %shift_right_arithmetic3A_24 = arith.constant 7 : i32
      %shift_right_arithmetic3A_25 = arith.shrsi %squeeze3A_23, %shift_right_arithmetic3A_24 : i32
      %mul3A_26 = arith.constant 128 : i32
      %mul3A_27 = arith.muli %shift_right_arithmetic3A_25, %mul3A_26 : i32
      %multiple_of3A_28 = tpu.assume_multiple %mul3A_27, 128 : i32
      %dma_start3A_29 = arith.constant 0 : i32
      %dma_start3A_30 = tpu.memref_slice %arg3[%dma_start3A_29, %multiple_of3A_28] : memref<64x1000001xf32, #tpu.memory_space<hbm>> -> memref<64x128xf32, #tpu.memory_space<hbm>>
      %dma_start3A_31 = arith.constant 0 : i32
      %dma_start3A_32 = tpu.memref_slice %arg3[%dma_start3A_31, %multiple_of3A_28] : memref<64x1000001xf32, #tpu.memory_space<hbm>> -> memref<64x128xf32, #tpu.memory_space<hbm>>
      tpu.enqueue_dma source(%dma_start3A_32 : memref<64x128xf32, #tpu.memory_space<hbm>>) target(%arg7 : memref<64x128xf32, #tpu.memory_space<vmem>>) target_semaphore(%arg19 : memref<!tpu.dma_semaphore, #tpu.memory_space<semaphore_mem>>)
      %slice3A_33 = vector.extract_strided_slice %get3A_11 {offsets = [2], sizes = [1], strides = [1]} : vector<16xi32> to vector<1xi32>
      %squeeze3A_34 = vector.extract %slice3A_33[0] : i32 from vector<1xi32>
      %shift_right_arithmetic3A_35 = arith.constant 7 : i32
      %shift_right_arithmetic3A_36 = arith.shrsi %squeeze3A_34, %shift_right_arithmetic3A_35 : i32
      %mul3A_37 = arith.constant 128 : i32
      %mul3A_38 = arith.muli %shift_right_arithmetic3A_36, %mul3A_37 : i32
      %multiple_of3A_39 = tpu.assume_multiple %mul3A_38, 128 : i32
      %dma_start3A_40 = arith.constant 0 : i32
      %dma_start3A_41 = tpu.memref_slice %arg3[%dma_start3A_40, %multiple_of3A_39] : memref<64x1000001xf32, #tpu.memory_space<hbm>> -> memref<64x128xf32, #tpu.memory_space<hbm>>
      %dma_start3A_42 = arith.constant 0 : i32
      %dma_start3A_43 = tpu.memref_slice %arg3[%dma_start3A_42, %multiple_of3A_39] : memref<64x1000001xf32, #tpu.memory_space<hbm>> -> memref<64x128xf32, #tpu.memory_space<hbm>>
      tpu.enqueue_dma source(%dma_start3A_43 : memref<64x128xf32, #tpu.memory_space<hbm>>) target(%arg8 : memref<64x128xf32, #tpu.memory_space<vmem>>) target_semaphore(%arg20 : memref<!tpu.dma_semaphore, #tpu.memory_space<semaphore_mem>>)
      %slice3A_44 = vector.extract_strided_slice %get3A_11 {offsets = [3], sizes = [1], strides = [1]} : vector<16xi32> to vector<1xi32>
      %squeeze3A_45 = vector.extract %slice3A_44[0] : i32 from vector<1xi32>
      %shift_right_arithmetic3A_46 = arith.constant 7 : i32
      %shift_right_arithmetic3A_47 = arith.shrsi %squeeze3A_45, %shift_right_arithmetic3A_46 : i32
      %mul3A_48 = arith.constant 128 : i32
      %mul3A_49 = arith.muli %shift_right_arithmetic3A_47, %mul3A_48 : i32
      %multiple_of3A_50 = tpu.assume_multiple %mul3A_49, 128 : i32
      %dma_start3A_51 = arith.constant 0 : i32
      %dma_start3A_52 = tpu.memref_slice %arg3[%dma_start3A_51, %multiple_of3A_50] : memref<64x1000001xf32, #tpu.memory_space<hbm>> -> memref<64x128xf32, #tpu.memory_space<hbm>>
      %dma_start3A_53 = arith.constant 0 : i32
      %dma_start3A_54 = tpu.memref_slice %arg3[%dma_start3A_53, %multiple_of3A_50] : memref<64x1000001xf32, #tpu.memory_space<hbm>> -> memref<64x128xf32, #tpu.memory_space<hbm>>
      tpu.enqueue_dma source(%dma_start3A_54 : memref<64x128xf32, #tpu.memory_space<hbm>>) target(%arg9 : memref<64x128xf32, #tpu.memory_space<vmem>>) target_semaphore(%arg21 : memref<!tpu.dma_semaphore, #tpu.memory_space<semaphore_mem>>)
      %slice3A_55 = vector.extract_strided_slice %get3A_11 {offsets = [4], sizes = [1], strides = [1]} : vector<16xi32> to vector<1xi32>
      %squeeze3A_56 = vector.extract %slice3A_55[0] : i32 from vector<1xi32>
      %shift_right_arithmetic3A_57 = arith.constant 7 : i32
      %shift_right_arithmetic3A_58 = arith.shrsi %squeeze3A_56, %shift_right_arithmetic3A_57 : i32
      %mul3A_59 = arith.constant 128 : i32
      %mul3A_60 = arith.muli %shift_right_arithmetic3A_58, %mul3A_59 : i32
      %multiple_of3A_61 = tpu.assume_multiple %mul3A_60, 128 : i32
      %dma_start3A_62 = arith.constant 0 : i32
      %dma_start3A_63 = tpu.memref_slice %arg3[%dma_start3A_62, %multiple_of3A_61] : memref<64x1000001xf32, #tpu.memory_space<hbm>> -> memref<64x128xf32, #tpu.memory_space<hbm>>
      %dma_start3A_64 = arith.constant 0 : i32
      %dma_start3A_65 = tpu.memref_slice %arg3[%dma_start3A_64, %multiple_of3A_61] : memref<64x1000001xf32, #tpu.memory_space<hbm>> -> memref<64x128xf32, #tpu.memory_space<hbm>>
      tpu.enqueue_dma source(%dma_start3A_65 : memref<64x128xf32, #tpu.memory_space<hbm>>) target(%arg10 : memref<64x128xf32, #tpu.memory_space<vmem>>) target_semaphore(%arg22 : memref<!tpu.dma_semaphore, #tpu.memory_space<semaphore_mem>>)
      %slice3A_66 = vector.extract_strided_slice %get3A_11 {offsets = [5], sizes = [1], strides = [1]} : vector<16xi32> to vector<1xi32>
      %squeeze3A_67 = vector.extract %slice3A_66[0] : i32 from vector<1xi32>
      %shift_right_arithmetic3A_68 = arith.constant 7 : i32
      %shift_right_arithmetic3A_69 = arith.shrsi %squeeze3A_67, %shift_right_arithmetic3A_68 : i32
      %mul3A_70 = arith.constant 128 : i32
      %mul3A_71 = arith.muli %shift_right_arithmetic3A_69, %mul3A_70 : i32
      %multiple_of3A_72 = tpu.assume_multiple %mul3A_71, 128 : i32
      %dma_start3A_73 = arith.constant 0 : i32
      %dma_start3A_74 = tpu.memref_slice %arg3[%dma_start3A_73, %multiple_of3A_72] : memref<64x1000001xf32, #tpu.memory_space<hbm>> -> memref<64x128xf32, #tpu.memory_space<hbm>>
      %dma_start3A_75 = arith.constant 0 : i32
      %dma_start3A_76 = tpu.memref_slice %arg3[%dma_start3A_75, %multiple_of3A_72] : memref<64x1000001xf32, #tpu.memory_space<hbm>> -> memref<64x128xf32, #tpu.memory_space<hbm>>
      tpu.enqueue_dma source(%dma_start3A_76 : memref<64x128xf32, #tpu.memory_space<hbm>>) target(%arg11 : memref<64x128xf32, #tpu.memory_space<vmem>>) target_semaphore(%arg23 : memref<!tpu.dma_semaphore, #tpu.memory_space<semaphore_mem>>)
      %slice3A_77 = vector.extract_strided_slice %get3A_11 {offsets = [6], sizes = [1], strides = [1]} : vector<16xi32> to vector<1xi32>
      %squeeze3A_78 = vector.extract %slice3A_77[0] : i32 from vector<1xi32>
      %shift_right_arithmetic3A_79 = arith.constant 7 : i32
      %shift_right_arithmetic3A_80 = arith.shrsi %squeeze3A_78, %shift_right_arithmetic3A_79 : i32
      %mul3A_81 = arith.constant 128 : i32
      %mul3A_82 = arith.muli %shift_right_arithmetic3A_80, %mul3A_81 : i32
      %multiple_of3A_83 = tpu.assume_multiple %mul3A_82, 128 : i32
      %dma_start3A_84 = arith.constant 0 : i32
      %dma_start3A_85 = tpu.memref_slice %arg3[%dma_start3A_84, %multiple_of3A_83] : memref<64x1000001xf32, #tpu.memory_space<hbm>> -> memref<64x128xf32, #tpu.memory_space<hbm>>
      %dma_start3A_86 = arith.constant 0 : i32
      %dma_start3A_87 = tpu.memref_slice %arg3[%dma_start3A_86, %multiple_of3A_83] : memref<64x1000001xf32, #tpu.memory_space<hbm>> -> memref<64x128xf32, #tpu.memory_space<hbm>>
      tpu.enqueue_dma source(%dma_start3A_87 : memref<64x128xf32, #tpu.memory_space<hbm>>) target(%arg12 : memref<64x128xf32, #tpu.memory_space<vmem>>) target_semaphore(%arg24 : memref<!tpu.dma_semaphore, #tpu.memory_space<semaphore_mem>>)
      %slice3A_88 = vector.extract_strided_slice %get3A_11 {offsets = [7], sizes = [1], strides = [1]} : vector<16xi32> to vector<1xi32>
      %squeeze3A_89 = vector.extract %slice3A_88[0] : i32 from vector<1xi32>
      %shift_right_arithmetic3A_90 = arith.constant 7 : i32
      %shift_right_arithmetic3A_91 = arith.shrsi %squeeze3A_89, %shift_right_arithmetic3A_90 : i32
      %mul3A_92 = arith.constant 128 : i32
      %mul3A_93 = arith.muli %shift_right_arithmetic3A_91, %mul3A_92 : i32
      %multiple_of3A_94 = tpu.assume_multiple %mul3A_93, 128 : i32
      %dma_start3A_95 = arith.constant 0 : i32
      %dma_start3A_96 = tpu.memref_slice %arg3[%dma_start3A_95, %multiple_of3A_94] : memref<64x1000001xf32, #tpu.memory_space<hbm>> -> memref<64x128xf32, #tpu.memory_space<hbm>>
      %dma_start3A_97 = arith.constant 0 : i32
      %dma_start3A_98 = tpu.memref_slice %arg3[%dma_start3A_97, %multiple_of3A_94] : memref<64x1000001xf32, #tpu.memory_space<hbm>> -> memref<64x128xf32, #tpu.memory_space<hbm>>
      tpu.enqueue_dma source(%dma_start3A_98 : memref<64x128xf32, #tpu.memory_space<hbm>>) target(%arg13 : memref<64x128xf32, #tpu.memory_space<vmem>>) target_semaphore(%arg25 : memref<!tpu.dma_semaphore, #tpu.memory_space<semaphore_mem>>)
      %slice3A_99 = vector.extract_strided_slice %get3A_11 {offsets = [8], sizes = [1], strides = [1]} : vector<16xi32> to vector<1xi32>
      %squeeze3A_100 = vector.extract %slice3A_99[0] : i32 from vector<1xi32>
      %shift_right_arithmetic3A_101 = arith.constant 7 : i32
      %shift_right_arithmetic3A_102 = arith.shrsi %squeeze3A_100, %shift_right_arithmetic3A_101 : i32
      %mul3A_103 = arith.constant 128 : i32
      %mul3A_104 = arith.muli %shift_right_arithmetic3A_102, %mul3A_103 : i32
      %multiple_of3A_105 = tpu.assume_multiple %mul3A_104, 128 : i32
      %dma_start3A_106 = arith.constant 0 : i32
      %dma_start3A_107 = tpu.memref_slice %arg3[%dma_start3A_106, %multiple_of3A_105] : memref<64x1000001xf32, #tpu.memory_space<hbm>> -> memref<64x128xf32, #tpu.memory_space<hbm>>
      %dma_start3A_108 = arith.constant 0 : i32
      %dma_start3A_109 = tpu.memref_slice %arg3[%dma_start3A_108, %multiple_of3A_105] : memref<64x1000001xf32, #tpu.memory_space<hbm>> -> memref<64x128xf32, #tpu.memory_space<hbm>>
      tpu.enqueue_dma source(%dma_start3A_109 : memref<64x128xf32, #tpu.memory_space<hbm>>) target(%arg14 : memref<64x128xf32, #tpu.memory_space<vmem>>) target_semaphore(%arg26 : memref<!tpu.dma_semaphore, #tpu.memory_space<semaphore_mem>>)
      %slice3A_110 = vector.extract_strided_slice %get3A_11 {offsets = [9], sizes = [1], strides = [1]} : vector<16xi32> to vector<1xi32>
      %squeeze3A_111 = vector.extract %slice3A_110[0] : i32 from vector<1xi32>
      %shift_right_arithmetic3A_112 = arith.constant 7 : i32
      %shift_right_arithmetic3A_113 = arith.shrsi %squeeze3A_111, %shift_right_arithmetic3A_112 : i32
      %mul3A_114 = arith.constant 128 : i32
      %mul3A_115 = arith.muli %shift_right_arithmetic3A_113, %mul3A_114 : i32
      %multiple_of3A_116 = tpu.assume_multiple %mul3A_115, 128 : i32
      %dma_start3A_117 = arith.constant 0 : i32
      %dma_start3A_118 = tpu.memref_slice %arg3[%dma_start3A_117, %multiple_of3A_116] : memref<64x1000001xf32, #tpu.memory_space<hbm>> -> memref<64x128xf32, #tpu.memory_space<hbm>>
      %dma_start3A_119 = arith.constant 0 : i32
      %dma_start3A_120 = tpu.memref_slice %arg3[%dma_start3A_119, %multiple_of3A_116] : memref<64x1000001xf32, #tpu.memory_space<hbm>> -> memref<64x128xf32, #tpu.memory_space<hbm>>
      tpu.enqueue_dma source(%dma_start3A_120 : memref<64x128xf32, #tpu.memory_space<hbm>>) target(%arg15 : memref<64x128xf32, #tpu.memory_space<vmem>>) target_semaphore(%arg27 : memref<!tpu.dma_semaphore, #tpu.memory_space<semaphore_mem>>)
      %slice3A_121 = vector.extract_strided_slice %get3A_11 {offsets = [10], sizes = [1], strides = [1]} : vector<16xi32> to vector<1xi32>
      %squeeze3A_122 = vector.extract %slice3A_121[0] : i32 from vector<1xi32>
      %shift_right_arithmetic3A_123 = arith.constant 7 : i32
      %shift_right_arithmetic3A_124 = arith.shrsi %squeeze3A_122, %shift_right_arithmetic3A_123 : i32
      %mul3A_125 = arith.constant 128 : i32
      %mul3A_126 = arith.muli %shift_right_arithmetic3A_124, %mul3A_125 : i32
      %multiple_of3A_127 = tpu.assume_multiple %mul3A_126, 128 : i32
      %dma_start3A_128 = arith.constant 0 : i32
      %dma_start3A_129 = tpu.memref_slice %arg3[%dma_start3A_128, %multiple_of3A_127] : memref<64x1000001xf32, #tpu.memory_space<hbm>> -> memref<64x128xf32, #tpu.memory_space<hbm>>
      %dma_start3A_130 = arith.constant 0 : i32
      %dma_start3A_131 = tpu.memref_slice %arg3[%dma_start3A_130, %multiple_of3A_127] : memref<64x1000001xf32, #tpu.memory_space<hbm>> -> memref<64x128xf32, #tpu.memory_space<hbm>>
      tpu.enqueue_dma source(%dma_start3A_131 : memref<64x128xf32, #tpu.memory_space<hbm>>) target(%arg16 : memref<64x128xf32, #tpu.memory_space<vmem>>) target_semaphore(%arg28 : memref<!tpu.dma_semaphore, #tpu.memory_space<semaphore_mem>>)
      %slice3A_132 = vector.extract_strided_slice %get3A_11 {offsets = [0], sizes = [1], strides = [1]} : vector<16xi32> to vector<1xi32>
      %squeeze3A_133 = vector.extract %slice3A_132[0] : i32 from vector<1xi32>
      %shift_right_arithmetic3A_134 = arith.constant 7 : i32
      %shift_right_arithmetic3A_135 = arith.shrsi %squeeze3A_133, %shift_right_arithmetic3A_134 : i32
      %mul3A_136 = arith.constant 128 : i32
      %mul3A_137 = arith.muli %shift_right_arithmetic3A_135, %mul3A_136 : i32
      %multiple_of3A_138 = tpu.assume_multiple %mul3A_137, 128 : i32
      %dma_wait3A = arith.constant 0 : i32
      %dma_wait3A_139 = tpu.memref_slice %arg3[%dma_wait3A, %multiple_of3A_138] : memref<64x1000001xf32, #tpu.memory_space<hbm>> -> memref<64x128xf32, #tpu.memory_space<hbm>>
      %dma_wait3A_140 = arith.constant 0 : i32
      %dma_wait3A_141 = tpu.memref_slice %arg3[%dma_wait3A_140, %multiple_of3A_138] : memref<64x1000001xf32, #tpu.memory_space<hbm>> -> memref<64x128xf32, #tpu.memory_space<hbm>>
      tpu.wait_dma2 semaphore(%arg18 : memref<!tpu.dma_semaphore, #tpu.memory_space<semaphore_mem>>) src(%dma_wait3A_141 : memref<64x128xf32, #tpu.memory_space<hbm>>) dst(%arg6 : memref<64x128xf32, #tpu.memory_space<vmem>>)
      %add3A_142 = arith.constant 0 : i32
      %add3A_143 = arith.addi %mul3A_10, %add3A_142 : i32
      %and3A = arith.constant 127 : i32
      %and3A_144 = arith.andi %squeeze3A_133, %and3A : i32
      %broadcast_in_dim3A = vector.broadcast %and3A_144 : i32 to vector<16xi32>
      %broadcast_in_dim3A_145 = vector.broadcast %add3A_143 : i32 to vector<16xi32>
      %add3A_146 = arith.constant 0 : i32
      %add3A_147 = vector.broadcast %add3A_146 : i32 to vector<16xi32>
      %add3A_148 = arith.addi %iota3A, %add3A_147 : vector<16xi32>
      %gather3A = tpu.vector_load_idx %arg6[%add3A_148, %broadcast_in_dim3A] : memref<64x128xf32, #tpu.memory_space<vmem>>[vector<16xi32>, vector<16xi32>], vector<16xf32>,
      tpu.vector_store_idx %arg17[%add3A_148, %broadcast_in_dim3A_145], %gather3A : memref<64x512xf32, #tpu.memory_space<vmem>>[vector<16xi32>, vector<16xi32>], vector<16xf32>,
      %add3A_149 = arith.constant 16 : i32
      %add3A_150 = vector.broadcast %add3A_149 : i32 to vector<16xi32>
      %add3A_151 = arith.addi %iota3A, %add3A_150 : vector<16xi32>
      %gather3A_152 = tpu.vector_load_idx %arg6[%add3A_151, %broadcast_in_dim3A] : memref<64x128xf32, #tpu.memory_space<vmem>>[vector<16xi32>, vector<16xi32>], vector<16xf32>,
      tpu.vector_store_idx %arg17[%add3A_151, %broadcast_in_dim3A_145], %gather3A_152 : memref<64x512xf32, #tpu.memory_space<vmem>>[vector<16xi32>, vector<16xi32>], vector<16xf32>,
      %add3A_153 = arith.constant 32 : i32
      %add3A_154 = vector.broadcast %add3A_153 : i32 to vector<16xi32>
      %add3A_155 = arith.addi %iota3A, %add3A_154 : vector<16xi32>
      %gather3A_156 = tpu.vector_load_idx %arg6[%add3A_155, %broadcast_in_dim3A] : memref<64x128xf32, #tpu.memory_space<vmem>>[vector<16xi32>, vector<16xi32>], vector<16xf32>,
      tpu.vector_store_idx %arg17[%add3A_155, %broadcast_in_dim3A_145], %gather3A_156 : memref<64x512xf32, #tpu.memory_space<vmem>>[vector<16xi32>, vector<16xi32>], vector<16xf32>,
      %add3A_157 = arith.constant 48 : i32
      %add3A_158 = vector.broadcast %add3A_157 : i32 to vector<16xi32>
      %add3A_159 = arith.addi %iota3A, %add3A_158 : vector<16xi32>
      %gather3A_160 = tpu.vector_load_idx %arg6[%add3A_159, %broadcast_in_dim3A] : memref<64x128xf32, #tpu.memory_space<vmem>>[vector<16xi32>, vector<16xi32>], vector<16xf32>,
      tpu.vector_store_idx %arg17[%add3A_159, %broadcast_in_dim3A_145], %gather3A_160 : memref<64x512xf32, #tpu.memory_space<vmem>>[vector<16xi32>, vector<16xi32>], vector<16xf32>,
      %slice3A_161 = vector.extract_strided_slice %get3A_11 {offsets = [11], sizes = [1], strides = [1]} : vector<16xi32> to vector<1xi32>
      %squeeze3A_162 = vector.extract %slice3A_161[0] : i32 from vector<1xi32>
      %shift_right_arithmetic3A_163 = arith.constant 7 : i32
      %shift_right_arithmetic3A_164 = arith.shrsi %squeeze3A_162, %shift_right_arithmetic3A_163 : i32
      %mul3A_165 = arith.constant 128 : i32
      %mul3A_166 = arith.muli %shift_right_arithmetic3A_164, %mul3A_165 : i32
      %multiple_of3A_167 = tpu.assume_multiple %mul3A_166, 128 : i32
      %dma_start3A_168 = arith.constant 0 : i32
      %dma_start3A_169 = tpu.memref_slice %arg3[%dma_start3A_168, %multiple_of3A_167] : memref<64x1000001xf32, #tpu.memory_space<hbm>> -> memref<64x128xf32, #tpu.memory_space<hbm>>
      %dma_start3A_170 = arith.constant 0 : i32
      %dma_start3A_171 = tpu.memref_slice %arg3[%dma_start3A_170, %multiple_of3A_167] : memref<64x1000001xf32, #tpu.memory_space<hbm>> -> memref<64x128xf32, #tpu.memory_space<hbm>>
      tpu.enqueue_dma source(%dma_start3A_171 : memref<64x128xf32, #tpu.memory_space<hbm>>) target(%arg6 : memref<64x128xf32, #tpu.memory_space<vmem>>) target_semaphore(%arg18 : memref<!tpu.dma_semaphore, #tpu.memory_space<semaphore_mem>>)
      %slice3A_172 = vector.extract_strided_slice %get3A_11 {offsets = [1], sizes = [1], strides = [1]} : vector<16xi32> to vector<1xi32>
      %squeeze3A_173 = vector.extract %slice3A_172[0] : i32 from vector<1xi32>
      %shift_right_arithmetic3A_174 = arith.constant 7 : i32
      %shift_right_arithmetic3A_175 = arith.shrsi %squeeze3A_173, %shift_right_arithmetic3A_174 : i32
      %mul3A_176 = arith.constant 128 : i32
      %mul3A_177 = arith.muli %shift_right_arithmetic3A_175, %mul3A_176 : i32
      %multiple_of3A_178 = tpu.assume_multiple %mul3A_177, 128 : i32
      %dma_wait3A_179 = arith.constant 0 : i32
      %dma_wait3A_180 = tpu.memref_slice %arg3[%dma_wait3A_179, %multiple_of3A_178] : memref<64x1000001xf32, #tpu.memory_space<hbm>> -> memref<64x128xf32, #tpu.memory_space<hbm>>
      %dma_wait3A_181 = arith.constant 0 : i32
      %dma_wait3A_182 = tpu.memref_slice %arg3[%dma_wait3A_181, %multiple_of3A_178] : memref<64x1000001xf32, #tpu.memory_space<hbm>> -> memref<64x128xf32, #tpu.memory_space<hbm>>
      tpu.wait_dma2 semaphore(%arg19 : memref<!tpu.dma_semaphore, #tpu.memory_space<semaphore_mem>>) src(%dma_wait3A_182 : memref<64x128xf32, #tpu.memory_space<hbm>>) dst(%arg7 : memref<64x128xf32, #tpu.memory_space<vmem>>)
      %add3A_183 = arith.constant 1 : i32
      %add3A_184 = arith.addi %mul3A_10, %add3A_183 : i32
      %and3A_185 = arith.constant 127 : i32
      %and3A_186 = arith.andi %squeeze3A_173, %and3A_185 : i32
      %broadcast_in_dim3A_187 = vector.broadcast %and3A_186 : i32 to vector<16xi32>
      %broadcast_in_dim3A_188 = vector.broadcast %add3A_184 : i32 to vector<16xi32>
      %add3A_189 = arith.constant 0 : i32
      %add3A_190 = vector.broadcast %add3A_189 : i32 to vector<16xi32>
      %add3A_191 = arith.addi %iota3A, %add3A_190 : vector<16xi32>
      %gather3A_192 = tpu.vector_load_idx %arg7[%add3A_191, %broadcast_in_dim3A_187] : memref<64x128xf32, #tpu.memory_space<vmem>>[vector<16xi32>, vector<16xi32>], vector<16xf32>,
      tpu.vector_store_idx %arg17[%add3A_191, %broadcast_in_dim3A_188], %gather3A_192 : memref<64x512xf32, #tpu.memory_space<vmem>>[vector<16xi32>, vector<16xi32>], vector<16xf32>,
      %add3A_193 = arith.constant 16 : i32
      %add3A_194 = vector.broadcast %add3A_193 : i32 to vector<16xi32>
      %add3A_195 = arith.addi %iota3A, %add3A_194 : vector<16xi32>
      %gather3A_196 = tpu.vector_load_idx %arg7[%add3A_195, %broadcast_in_dim3A_187] : memref<64x128xf32, #tpu.memory_space<vmem>>[vector<16xi32>, vector<16xi32>], vector<16xf32>,
      tpu.vector_store_idx %arg17[%add3A_195, %broadcast_in_dim3A_188], %gather3A_196 : memref<64x512xf32, #tpu.memory_space<vmem>>[vector<16xi32>, vector<16xi32>], vector<16xf32>,
      %add3A_197 = arith.constant 32 : i32
      %add3A_198 = vector.broadcast %add3A_197 : i32 to vector<16xi32>
      %add3A_199 = arith.addi %iota3A, %add3A_198 : vector<16xi32>
      %gather3A_200 = tpu.vector_load_idx %arg7[%add3A_199, %broadcast_in_dim3A_187] : memref<64x128xf32, #tpu.memory_space<vmem>>[vector<16xi32>, vector<16xi32>], vector<16xf32>,
      tpu.vector_store_idx %arg17[%add3A_199, %broadcast_in_dim3A_188], %gather3A_200 : memref<64x512xf32, #tpu.memory_space<vmem>>[vector<16xi32>, vector<16xi32>], vector<16xf32>,
      %add3A_201 = arith.constant 48 : i32
      %add3A_202 = vector.broadcast %add3A_201 : i32 to vector<16xi32>
      %add3A_203 = arith.addi %iota3A, %add3A_202 : vector<16xi32>
      %gather3A_204 = tpu.vector_load_idx %arg7[%add3A_203, %broadcast_in_dim3A_187] : memref<64x128xf32, #tpu.memory_space<vmem>>[vector<16xi32>, vector<16xi32>], vector<16xf32>,
      tpu.vector_store_idx %arg17[%add3A_203, %broadcast_in_dim3A_188], %gather3A_204 : memref<64x512xf32, #tpu.memory_space<vmem>>[vector<16xi32>, vector<16xi32>], vector<16xf32>,
      %slice3A_205 = vector.extract_strided_slice %get3A_11 {offsets = [12], sizes = [1], strides = [1]} : vector<16xi32> to vector<1xi32>
      %squeeze3A_206 = vector.extract %slice3A_205[0] : i32 from vector<1xi32>
      %shift_right_arithmetic3A_207 = arith.constant 7 : i32
      %shift_right_arithmetic3A_208 = arith.shrsi %squeeze3A_206, %shift_right_arithmetic3A_207 : i32
      %mul3A_209 = arith.constant 128 : i32
      %mul3A_210 = arith.muli %shift_right_arithmetic3A_208, %mul3A_209 : i32
      %multiple_of3A_211 = tpu.assume_multiple %mul3A_210, 128 : i32
      %dma_start3A_212 = arith.constant 0 : i32
      %dma_start3A_213 = tpu.memref_slice %arg3[%dma_start3A_212, %multiple_of3A_211] : memref<64x1000001xf32, #tpu.memory_space<hbm>> -> memref<64x128xf32, #tpu.memory_space<hbm>>
      %dma_start3A_214 = arith.constant 0 : i32
      %dma_start3A_215 = tpu.memref_slice %arg3[%dma_start3A_214, %multiple_of3A_211] : memref<64x1000001xf32, #tpu.memory_space<hbm>> -> memref<64x128xf32, #tpu.memory_space<hbm>>
      tpu.enqueue_dma source(%dma_start3A_215 : memref<64x128xf32, #tpu.memory_space<hbm>>) target(%arg7 : memref<64x128xf32, #tpu.memory_space<vmem>>) target_semaphore(%arg19 : memref<!tpu.dma_semaphore, #tpu.memory_space<semaphore_mem>>)
      %slice3A_216 = vector.extract_strided_slice %get3A_11 {offsets = [2], sizes = [1], strides = [1]} : vector<16xi32> to vector<1xi32>
      %squeeze3A_217 = vector.extract %slice3A_216[0] : i32 from vector<1xi32>
      %shift_right_arithmetic3A_218 = arith.constant 7 : i32
      %shift_right_arithmetic3A_219 = arith.shrsi %squeeze3A_217, %shift_right_arithmetic3A_218 : i32
      %mul3A_220 = arith.constant 128 : i32
      %mul3A_221 = arith.muli %shift_right_arithmetic3A_219, %mul3A_220 : i32
      %multiple_of3A_222 = tpu.assume_multiple %mul3A_221, 128 : i32
      %dma_wait3A_223 = arith.constant 0 : i32
      %dma_wait3A_224 = tpu.memref_slice %arg3[%dma_wait3A_223, %multiple_of3A_222] : memref<64x1000001xf32, #tpu.memory_space<hbm>> -> memref<64x128xf32, #tpu.memory_space<hbm>>
      %dma_wait3A_225 = arith.constant 0 : i32
      %dma_wait3A_226 = tpu.memref_slice %arg3[%dma_wait3A_225, %multiple_of3A_222] : memref<64x1000001xf32, #tpu.memory_space<hbm>> -> memref<64x128xf32, #tpu.memory_space<hbm>>
      tpu.wait_dma2 semaphore(%arg20 : memref<!tpu.dma_semaphore, #tpu.memory_space<semaphore_mem>>) src(%dma_wait3A_226 : memref<64x128xf32, #tpu.memory_space<hbm>>) dst(%arg8 : memref<64x128xf32, #tpu.memory_space<vmem>>)
      %add3A_227 = arith.constant 2 : i32
      %add3A_228 = arith.addi %mul3A_10, %add3A_227 : i32
      %and3A_229 = arith.constant 127 : i32
      %and3A_230 = arith.andi %squeeze3A_217, %and3A_229 : i32
      %broadcast_in_dim3A_231 = vector.broadcast %and3A_230 : i32 to vector<16xi32>
      %broadcast_in_dim3A_232 = vector.broadcast %add3A_228 : i32 to vector<16xi32>
      %add3A_233 = arith.constant 0 : i32
      %add3A_234 = vector.broadcast %add3A_233 : i32 to vector<16xi32>
      %add3A_235 = arith.addi %iota3A, %add3A_234 : vector<16xi32>
      %gather3A_236 = tpu.vector_load_idx %arg8[%add3A_235, %broadcast_in_dim3A_231] : memref<64x128xf32, #tpu.memory_space<vmem>>[vector<16xi32>, vector<16xi32>], vector<16xf32>,
      tpu.vector_store_idx %arg17[%add3A_235, %broadcast_in_dim3A_232], %gather3A_236 : memref<64x512xf32, #tpu.memory_space<vmem>>[vector<16xi32>, vector<16xi32>], vector<16xf32>,
      %add3A_237 = arith.constant 16 : i32
      %add3A_238 = vector.broadcast %add3A_237 : i32 to vector<16xi32>
      %add3A_239 = arith.addi %iota3A, %add3A_238 : vector<16xi32>
      %gather3A_240 = tpu.vector_load_idx %arg8[%add3A_239, %broadcast_in_dim3A_231] : memref<64x128xf32, #tpu.memory_space<vmem>>[vector<16xi32>, vector<16xi32>], vector<16xf32>,
      tpu.vector_store_idx %arg17[%add3A_239, %broadcast_in_dim3A_232], %gather3A_240 : memref<64x512xf32, #tpu.memory_space<vmem>>[vector<16xi32>, vector<16xi32>], vector<16xf32>,
      %add3A_241 = arith.constant 32 : i32
      %add3A_242 = vector.broadcast %add3A_241 : i32 to vector<16xi32>
      %add3A_243 = arith.addi %iota3A, %add3A_242 : vector<16xi32>
      %gather3A_244 = tpu.vector_load_idx %arg8[%add3A_243, %broadcast_in_dim3A_231] : memref<64x128xf32, #tpu.memory_space<vmem>>[vector<16xi32>, vector<16xi32>], vector<16xf32>,
      tpu.vector_store_idx %arg17[%add3A_243, %broadcast_in_dim3A_232], %gather3A_244 : memref<64x512xf32, #tpu.memory_space<vmem>>[vector<16xi32>, vector<16xi32>], vector<16xf32>,
      %add3A_245 = arith.constant 48 : i32
      %add3A_246 = vector.broadcast %add3A_245 : i32 to vector<16xi32>
      %add3A_247 = arith.addi %iota3A, %add3A_246 : vector<16xi32>
      %gather3A_248 = tpu.vector_load_idx %arg8[%add3A_247, %broadcast_in_dim3A_231] : memref<64x128xf32, #tpu.memory_space<vmem>>[vector<16xi32>, vector<16xi32>], vector<16xf32>,
      tpu.vector_store_idx %arg17[%add3A_247, %broadcast_in_dim3A_232], %gather3A_248 : memref<64x512xf32, #tpu.memory_space<vmem>>[vector<16xi32>, vector<16xi32>], vector<16xf32>,
      %slice3A_249 = vector.extract_strided_slice %get3A_11 {offsets = [13], sizes = [1], strides = [1]} : vector<16xi32> to vector<1xi32>
      %squeeze3A_250 = vector.extract %slice3A_249[0] : i32 from vector<1xi32>
      %shift_right_arithmetic3A_251 = arith.constant 7 : i32
      %shift_right_arithmetic3A_252 = arith.shrsi %squeeze3A_250, %shift_right_arithmetic3A_251 : i32
      %mul3A_253 = arith.constant 128 : i32
      %mul3A_254 = arith.muli %shift_right_arithmetic3A_252, %mul3A_253 : i32
      %multiple_of3A_255 = tpu.assume_multiple %mul3A_254, 128 : i32
      %dma_start3A_256 = arith.constant 0 : i32
      %dma_start3A_257 = tpu.memref_slice %arg3[%dma_start3A_256, %multiple_of3A_255] : memref<64x1000001xf32, #tpu.memory_space<hbm>> -> memref<64x128xf32, #tpu.memory_space<hbm>>
      %dma_start3A_258 = arith.constant 0 : i32
      %dma_start3A_259 = tpu.memref_slice %arg3[%dma_start3A_258, %multiple_of3A_255] : memref<64x1000001xf32, #tpu.memory_space<hbm>> -> memref<64x128xf32, #tpu.memory_space<hbm>>
      tpu.enqueue_dma source(%dma_start3A_259 : memref<64x128xf32, #tpu.memory_space<hbm>>) target(%arg8 : memref<64x128xf32, #tpu.memory_space<vmem>>) target_semaphore(%arg20 : memref<!tpu.dma_semaphore, #tpu.memory_space<semaphore_mem>>)
      %slice3A_260 = vector.extract_strided_slice %get3A_11 {offsets = [3], sizes = [1], strides = [1]} : vector<16xi32> to vector<1xi32>
      %squeeze3A_261 = vector.extract %slice3A_260[0] : i32 from vector<1xi32>
      %shift_right_arithmetic3A_262 = arith.constant 7 : i32
      %shift_right_arithmetic3A_263 = arith.shrsi %squeeze3A_261, %shift_right_arithmetic3A_262 : i32
      %mul3A_264 = arith.constant 128 : i32
      %mul3A_265 = arith.muli %shift_right_arithmetic3A_263, %mul3A_264 : i32
      %multiple_of3A_266 = tpu.assume_multiple %mul3A_265, 128 : i32
      %dma_wait3A_267 = arith.constant 0 : i32
      %dma_wait3A_268 = tpu.memref_slice %arg3[%dma_wait3A_267, %multiple_of3A_266] : memref<64x1000001xf32, #tpu.memory_space<hbm>> -> memref<64x128xf32, #tpu.memory_space<hbm>>
      %dma_wait3A_269 = arith.constant 0 : i32
      %dma_wait3A_270 = tpu.memref_slice %arg3[%dma_wait3A_269, %multiple_of3A_266] : memref<64x1000001xf32, #tpu.memory_space<hbm>> -> memref<64x128xf32, #tpu.memory_space<hbm>>
      tpu.wait_dma2 semaphore(%arg21 : memref<!tpu.dma_semaphore, #tpu.memory_space<semaphore_mem>>) src(%dma_wait3A_270 : memref<64x128xf32, #tpu.memory_space<hbm>>) dst(%arg9 : memref<64x128xf32, #tpu.memory_space<vmem>>)
      %add3A_271 = arith.constant 3 : i32
      %add3A_272 = arith.addi %mul3A_10, %add3A_271 : i32
      %and3A_273 = arith.constant 127 : i32
      %and3A_274 = arith.andi %squeeze3A_261, %and3A_273 : i32
      %broadcast_in_dim3A_275 = vector.broadcast %and3A_274 : i32 to vector<16xi32>
      %broadcast_in_dim3A_276 = vector.broadcast %add3A_272 : i32 to vector<16xi32>
      %add3A_277 = arith.constant 0 : i32
      %add3A_278 = vector.broadcast %add3A_277 : i32 to vector<16xi32>
      %add3A_279 = arith.addi %iota3A, %add3A_278 : vector<16xi32>
      %gather3A_280 = tpu.vector_load_idx %arg9[%add3A_279, %broadcast_in_dim3A_275] : memref<64x128xf32, #tpu.memory_space<vmem>>[vector<16xi32>, vector<16xi32>], vector<16xf32>,
      tpu.vector_store_idx %arg17[%add3A_279, %broadcast_in_dim3A_276], %gather3A_280 : memref<64x512xf32, #tpu.memory_space<vmem>>[vector<16xi32>, vector<16xi32>], vector<16xf32>,
      %add3A_281 = arith.constant 16 : i32
      %add3A_282 = vector.broadcast %add3A_281 : i32 to vector<16xi32>
      %add3A_283 = arith.addi %iota3A, %add3A_282 : vector<16xi32>
      %gather3A_284 = tpu.vector_load_idx %arg9[%add3A_283, %broadcast_in_dim3A_275] : memref<64x128xf32, #tpu.memory_space<vmem>>[vector<16xi32>, vector<16xi32>], vector<16xf32>,
      tpu.vector_store_idx %arg17[%add3A_283, %broadcast_in_dim3A_276], %gather3A_284 : memref<64x512xf32, #tpu.memory_space<vmem>>[vector<16xi32>, vector<16xi32>], vector<16xf32>,
      %add3A_285 = arith.constant 32 : i32
      %add3A_286 = vector.broadcast %add3A_285 : i32 to vector<16xi32>
      %add3A_287 = arith.addi %iota3A, %add3A_286 : vector<16xi32>
      %gather3A_288 = tpu.vector_load_idx %arg9[%add3A_287, %broadcast_in_dim3A_275] : memref<64x128xf32, #tpu.memory_space<vmem>>[vector<16xi32>, vector<16xi32>], vector<16xf32>,
      tpu.vector_store_idx %arg17[%add3A_287, %broadcast_in_dim3A_276], %gather3A_288 : memref<64x512xf32, #tpu.memory_space<vmem>>[vector<16xi32>, vector<16xi32>], vector<16xf32>,
      %add3A_289 = arith.constant 48 : i32
      %add3A_290 = vector.broadcast %add3A_289 : i32 to vector<16xi32>
      %add3A_291 = arith.addi %iota3A, %add3A_290 : vector<16xi32>
      %gather3A_292 = tpu.vector_load_idx %arg9[%add3A_291, %broadcast_in_dim3A_275] : memref<64x128xf32, #tpu.memory_space<vmem>>[vector<16xi32>, vector<16xi32>], vector<16xf32>,
      tpu.vector_store_idx %arg17[%add3A_291, %broadcast_in_dim3A_276], %gather3A_292 : memref<64x512xf32, #tpu.memory_space<vmem>>[vector<16xi32>, vector<16xi32>], vector<16xf32>,
      %slice3A_293 = vector.extract_strided_slice %get3A_11 {offsets = [14], sizes = [1], strides = [1]} : vector<16xi32> to vector<1xi32>
      %squeeze3A_294 = vector.extract %slice3A_293[0] : i32 from vector<1xi32>
      %shift_right_arithmetic3A_295 = arith.constant 7 : i32
      %shift_right_arithmetic3A_296 = arith.shrsi %squeeze3A_294, %shift_right_arithmetic3A_295 : i32
      %mul3A_297 = arith.constant 128 : i32
      %mul3A_298 = arith.muli %shift_right_arithmetic3A_296, %mul3A_297 : i32
      %multiple_of3A_299 = tpu.assume_multiple %mul3A_298, 128 : i32
      %dma_start3A_300 = arith.constant 0 : i32
      %dma_start3A_301 = tpu.memref_slice %arg3[%dma_start3A_300, %multiple_of3A_299] : memref<64x1000001xf32, #tpu.memory_space<hbm>> -> memref<64x128xf32, #tpu.memory_space<hbm>>
      %dma_start3A_302 = arith.constant 0 : i32
      %dma_start3A_303 = tpu.memref_slice %arg3[%dma_start3A_302, %multiple_of3A_299] : memref<64x1000001xf32, #tpu.memory_space<hbm>> -> memref<64x128xf32, #tpu.memory_space<hbm>>
      tpu.enqueue_dma source(%dma_start3A_303 : memref<64x128xf32, #tpu.memory_space<hbm>>) target(%arg9 : memref<64x128xf32, #tpu.memory_space<vmem>>) target_semaphore(%arg21 : memref<!tpu.dma_semaphore, #tpu.memory_space<semaphore_mem>>)
      %slice3A_304 = vector.extract_strided_slice %get3A_11 {offsets = [4], sizes = [1], strides = [1]} : vector<16xi32> to vector<1xi32>
      %squeeze3A_305 = vector.extract %slice3A_304[0] : i32 from vector<1xi32>
      %shift_right_arithmetic3A_306 = arith.constant 7 : i32
      %shift_right_arithmetic3A_307 = arith.shrsi %squeeze3A_305, %shift_right_arithmetic3A_306 : i32
      %mul3A_308 = arith.constant 128 : i32
      %mul3A_309 = arith.muli %shift_right_arithmetic3A_307, %mul3A_308 : i32
      %multiple_of3A_310 = tpu.assume_multiple %mul3A_309, 128 : i32
      %dma_wait3A_311 = arith.constant 0 : i32
      %dma_wait3A_312 = tpu.memref_slice %arg3[%dma_wait3A_311, %multiple_of3A_310] : memref<64x1000001xf32, #tpu.memory_space<hbm>> -> memref<64x128xf32, #tpu.memory_space<hbm>>
      %dma_wait3A_313 = arith.constant 0 : i32
      %dma_wait3A_314 = tpu.memref_slice %arg3[%dma_wait3A_313, %multiple_of3A_310] : memref<64x1000001xf32, #tpu.memory_space<hbm>> -> memref<64x128xf32, #tpu.memory_space<hbm>>
      tpu.wait_dma2 semaphore(%arg22 : memref<!tpu.dma_semaphore, #tpu.memory_space<semaphore_mem>>) src(%dma_wait3A_314 : memref<64x128xf32, #tpu.memory_space<hbm>>) dst(%arg10 : memref<64x128xf32, #tpu.memory_space<vmem>>)
      %add3A_315 = arith.constant 4 : i32
      %add3A_316 = arith.addi %mul3A_10, %add3A_315 : i32
      %and3A_317 = arith.constant 127 : i32
      %and3A_318 = arith.andi %squeeze3A_305, %and3A_317 : i32
      %broadcast_in_dim3A_319 = vector.broadcast %and3A_318 : i32 to vector<16xi32>
      %broadcast_in_dim3A_320 = vector.broadcast %add3A_316 : i32 to vector<16xi32>
      %add3A_321 = arith.constant 0 : i32
      %add3A_322 = vector.broadcast %add3A_321 : i32 to vector<16xi32>
      %add3A_323 = arith.addi %iota3A, %add3A_322 : vector<16xi32>
      %gather3A_324 = tpu.vector_load_idx %arg10[%add3A_323, %broadcast_in_dim3A_319] : memref<64x128xf32, #tpu.memory_space<vmem>>[vector<16xi32>, vector<16xi32>], vector<16xf32>,
      tpu.vector_store_idx %arg17[%add3A_323, %broadcast_in_dim3A_320], %gather3A_324 : memref<64x512xf32, #tpu.memory_space<vmem>>[vector<16xi32>, vector<16xi32>], vector<16xf32>,
      %add3A_325 = arith.constant 16 : i32
      %add3A_326 = vector.broadcast %add3A_325 : i32 to vector<16xi32>
      %add3A_327 = arith.addi %iota3A, %add3A_326 : vector<16xi32>
      %gather3A_328 = tpu.vector_load_idx %arg10[%add3A_327, %broadcast_in_dim3A_319] : memref<64x128xf32, #tpu.memory_space<vmem>>[vector<16xi32>, vector<16xi32>], vector<16xf32>,
      tpu.vector_store_idx %arg17[%add3A_327, %broadcast_in_dim3A_320], %gather3A_328 : memref<64x512xf32, #tpu.memory_space<vmem>>[vector<16xi32>, vector<16xi32>], vector<16xf32>,
      %add3A_329 = arith.constant 32 : i32
      %add3A_330 = vector.broadcast %add3A_329 : i32 to vector<16xi32>
      %add3A_331 = arith.addi %iota3A, %add3A_330 : vector<16xi32>
      %gather3A_332 = tpu.vector_load_idx %arg10[%add3A_331, %broadcast_in_dim3A_319] : memref<64x128xf32, #tpu.memory_space<vmem>>[vector<16xi32>, vector<16xi32>], vector<16xf32>,
      tpu.vector_store_idx %arg17[%add3A_331, %broadcast_in_dim3A_320], %gather3A_332 : memref<64x512xf32, #tpu.memory_space<vmem>>[vector<16xi32>, vector<16xi32>], vector<16xf32>,
      %add3A_333 = arith.constant 48 : i32
      %add3A_334 = vector.broadcast %add3A_333 : i32 to vector<16xi32>
      %add3A_335 = arith.addi %iota3A, %add3A_334 : vector<16xi32>
      %gather3A_336 = tpu.vector_load_idx %arg10[%add3A_335, %broadcast_in_dim3A_319] : memref<64x128xf32, #tpu.memory_space<vmem>>[vector<16xi32>, vector<16xi32>], vector<16xf32>,
      tpu.vector_store_idx %arg17[%add3A_335, %broadcast_in_dim3A_320], %gather3A_336 : memref<64x512xf32, #tpu.memory_space<vmem>>[vector<16xi32>, vector<16xi32>], vector<16xf32>,
      %slice3A_337 = vector.extract_strided_slice %get3A_11 {offsets = [15], sizes = [1], strides = [1]} : vector<16xi32> to vector<1xi32>
      %squeeze3A_338 = vector.extract %slice3A_337[0] : i32 from vector<1xi32>
      %shift_right_arithmetic3A_339 = arith.constant 7 : i32
      %shift_right_arithmetic3A_340 = arith.shrsi %squeeze3A_338, %shift_right_arithmetic3A_339 : i32
      %mul3A_341 = arith.constant 128 : i32
      %mul3A_342 = arith.muli %shift_right_arithmetic3A_340, %mul3A_341 : i32
      %multiple_of3A_343 = tpu.assume_multiple %mul3A_342, 128 : i32
      %dma_start3A_344 = arith.constant 0 : i32
      %dma_start3A_345 = tpu.memref_slice %arg3[%dma_start3A_344, %multiple_of3A_343] : memref<64x1000001xf32, #tpu.memory_space<hbm>> -> memref<64x128xf32, #tpu.memory_space<hbm>>
      %dma_start3A_346 = arith.constant 0 : i32
      %dma_start3A_347 = tpu.memref_slice %arg3[%dma_start3A_346, %multiple_of3A_343] : memref<64x1000001xf32, #tpu.memory_space<hbm>> -> memref<64x128xf32, #tpu.memory_space<hbm>>
      tpu.enqueue_dma source(%dma_start3A_347 : memref<64x128xf32, #tpu.memory_space<hbm>>) target(%arg10 : memref<64x128xf32, #tpu.memory_space<vmem>>) target_semaphore(%arg22 : memref<!tpu.dma_semaphore, #tpu.memory_space<semaphore_mem>>)
      %slice3A_348 = vector.extract_strided_slice %get3A_11 {offsets = [5], sizes = [1], strides = [1]} : vector<16xi32> to vector<1xi32>
      %squeeze3A_349 = vector.extract %slice3A_348[0] : i32 from vector<1xi32>
      %shift_right_arithmetic3A_350 = arith.constant 7 : i32
      %shift_right_arithmetic3A_351 = arith.shrsi %squeeze3A_349, %shift_right_arithmetic3A_350 : i32
      %mul3A_352 = arith.constant 128 : i32
      %mul3A_353 = arith.muli %shift_right_arithmetic3A_351, %mul3A_352 : i32
      %multiple_of3A_354 = tpu.assume_multiple %mul3A_353, 128 : i32
      %dma_wait3A_355 = arith.constant 0 : i32
      %dma_wait3A_356 = tpu.memref_slice %arg3[%dma_wait3A_355, %multiple_of3A_354] : memref<64x1000001xf32, #tpu.memory_space<hbm>> -> memref<64x128xf32, #tpu.memory_space<hbm>>
      %dma_wait3A_357 = arith.constant 0 : i32
      %dma_wait3A_358 = tpu.memref_slice %arg3[%dma_wait3A_357, %multiple_of3A_354] : memref<64x1000001xf32, #tpu.memory_space<hbm>> -> memref<64x128xf32, #tpu.memory_space<hbm>>
      tpu.wait_dma2 semaphore(%arg23 : memref<!tpu.dma_semaphore, #tpu.memory_space<semaphore_mem>>) src(%dma_wait3A_358 : memref<64x128xf32, #tpu.memory_space<hbm>>) dst(%arg11 : memref<64x128xf32, #tpu.memory_space<vmem>>)
      %add3A_359 = arith.constant 5 : i32
      %add3A_360 = arith.addi %mul3A_10, %add3A_359 : i32
      %and3A_361 = arith.constant 127 : i32
      %and3A_362 = arith.andi %squeeze3A_349, %and3A_361 : i32
      %broadcast_in_dim3A_363 = vector.broadcast %and3A_362 : i32 to vector<16xi32>
      %broadcast_in_dim3A_364 = vector.broadcast %add3A_360 : i32 to vector<16xi32>
      %add3A_365 = arith.constant 0 : i32
      %add3A_366 = vector.broadcast %add3A_365 : i32 to vector<16xi32>
      %add3A_367 = arith.addi %iota3A, %add3A_366 : vector<16xi32>
      %gather3A_368 = tpu.vector_load_idx %arg11[%add3A_367, %broadcast_in_dim3A_363] : memref<64x128xf32, #tpu.memory_space<vmem>>[vector<16xi32>, vector<16xi32>], vector<16xf32>,
      tpu.vector_store_idx %arg17[%add3A_367, %broadcast_in_dim3A_364], %gather3A_368 : memref<64x512xf32, #tpu.memory_space<vmem>>[vector<16xi32>, vector<16xi32>], vector<16xf32>,
      %add3A_369 = arith.constant 16 : i32
      %add3A_370 = vector.broadcast %add3A_369 : i32 to vector<16xi32>
      %add3A_371 = arith.addi %iota3A, %add3A_370 : vector<16xi32>
      %gather3A_372 = tpu.vector_load_idx %arg11[%add3A_371, %broadcast_in_dim3A_363] : memref<64x128xf32, #tpu.memory_space<vmem>>[vector<16xi32>, vector<16xi32>], vector<16xf32>,
      tpu.vector_store_idx %arg17[%add3A_371, %broadcast_in_dim3A_364], %gather3A_372 : memref<64x512xf32, #tpu.memory_space<vmem>>[vector<16xi32>, vector<16xi32>], vector<16xf32>,
      %add3A_373 = arith.constant 32 : i32
      %add3A_374 = vector.broadcast %add3A_373 : i32 to vector<16xi32>
      %add3A_375 = arith.addi %iota3A, %add3A_374 : vector<16xi32>
      %gather3A_376 = tpu.vector_load_idx %arg11[%add3A_375, %broadcast_in_dim3A_363] : memref<64x128xf32, #tpu.memory_space<vmem>>[vector<16xi32>, vector<16xi32>], vector<16xf32>,
      tpu.vector_store_idx %arg17[%add3A_375, %broadcast_in_dim3A_364], %gather3A_376 : memref<64x512xf32, #tpu.memory_space<vmem>>[vector<16xi32>, vector<16xi32>], vector<16xf32>,
      %add3A_377 = arith.constant 48 : i32
      %add3A_378 = vector.broadcast %add3A_377 : i32 to vector<16xi32>
      %add3A_379 = arith.addi %iota3A, %add3A_378 : vector<16xi32>
      %gather3A_380 = tpu.vector_load_idx %arg11[%add3A_379, %broadcast_in_dim3A_363] : memref<64x128xf32, #tpu.memory_space<vmem>>[vector<16xi32>, vector<16xi32>], vector<16xf32>,
      tpu.vector_store_idx %arg17[%add3A_379, %broadcast_in_dim3A_364], %gather3A_380 : memref<64x512xf32, #tpu.memory_space<vmem>>[vector<16xi32>, vector<16xi32>], vector<16xf32>,
      %slice3A_381 = vector.extract_strided_slice %get3A_15 {offsets = [0], sizes = [1], strides = [1]} : vector<16xi32> to vector<1xi32>
      %squeeze3A_382 = vector.extract %slice3A_381[0] : i32 from vector<1xi32>
      %shift_right_arithmetic3A_383 = arith.constant 7 : i32
      %shift_right_arithmetic3A_384 = arith.shrsi %squeeze3A_382, %shift_right_arithmetic3A_383 : i32
      %mul3A_385 = arith.constant 128 : i32
      %mul3A_386 = arith.muli %shift_right_arithmetic3A_384, %mul3A_385 : i32
      %multiple_of3A_387 = tpu.assume_multiple %mul3A_386, 128 : i32
      %dma_start3A_388 = arith.constant 0 : i32
      %dma_start3A_389 = tpu.memref_slice %arg3[%dma_start3A_388, %multiple_of3A_387] : memref<64x1000001xf32, #tpu.memory_space<hbm>> -> memref<64x128xf32, #tpu.memory_space<hbm>>
      %dma_start3A_390 = arith.constant 0 : i32
      %dma_start3A_391 = tpu.memref_slice %arg3[%dma_start3A_390, %multiple_of3A_387] : memref<64x1000001xf32, #tpu.memory_space<hbm>> -> memref<64x128xf32, #tpu.memory_space<hbm>>
      tpu.enqueue_dma source(%dma_start3A_391 : memref<64x128xf32, #tpu.memory_space<hbm>>) target(%arg11 : memref<64x128xf32, #tpu.memory_space<vmem>>) target_semaphore(%arg23 : memref<!tpu.dma_semaphore, #tpu.memory_space<semaphore_mem>>)
      %slice3A_392 = vector.extract_strided_slice %get3A_11 {offsets = [6], sizes = [1], strides = [1]} : vector<16xi32> to vector<1xi32>
      %squeeze3A_393 = vector.extract %slice3A_392[0] : i32 from vector<1xi32>
      %shift_right_arithmetic3A_394 = arith.constant 7 : i32
      %shift_right_arithmetic3A_395 = arith.shrsi %squeeze3A_393, %shift_right_arithmetic3A_394 : i32
      %mul3A_396 = arith.constant 128 : i32
      %mul3A_397 = arith.muli %shift_right_arithmetic3A_395, %mul3A_396 : i32
      %multiple_of3A_398 = tpu.assume_multiple %mul3A_397, 128 : i32
      %dma_wait3A_399 = arith.constant 0 : i32
      %dma_wait3A_400 = tpu.memref_slice %arg3[%dma_wait3A_399, %multiple_of3A_398] : memref<64x1000001xf32, #tpu.memory_space<hbm>> -> memref<64x128xf32, #tpu.memory_space<hbm>>
      %dma_wait3A_401 = arith.constant 0 : i32
      %dma_wait3A_402 = tpu.memref_slice %arg3[%dma_wait3A_401, %multiple_of3A_398] : memref<64x1000001xf32, #tpu.memory_space<hbm>> -> memref<64x128xf32, #tpu.memory_space<hbm>>
      tpu.wait_dma2 semaphore(%arg24 : memref<!tpu.dma_semaphore, #tpu.memory_space<semaphore_mem>>) src(%dma_wait3A_402 : memref<64x128xf32, #tpu.memory_space<hbm>>) dst(%arg12 : memref<64x128xf32, #tpu.memory_space<vmem>>)
      %add3A_403 = arith.constant 6 : i32
      %add3A_404 = arith.addi %mul3A_10, %add3A_403 : i32
      %and3A_405 = arith.constant 127 : i32
      %and3A_406 = arith.andi %squeeze3A_393, %and3A_405 : i32
      %broadcast_in_dim3A_407 = vector.broadcast %and3A_406 : i32 to vector<16xi32>
      %broadcast_in_dim3A_408 = vector.broadcast %add3A_404 : i32 to vector<16xi32>
      %add3A_409 = arith.constant 0 : i32
      %add3A_410 = vector.broadcast %add3A_409 : i32 to vector<16xi32>
      %add3A_411 = arith.addi %iota3A, %add3A_410 : vector<16xi32>
      %gather3A_412 = tpu.vector_load_idx %arg12[%add3A_411, %broadcast_in_dim3A_407] : memref<64x128xf32, #tpu.memory_space<vmem>>[vector<16xi32>, vector<16xi32>], vector<16xf32>,
      tpu.vector_store_idx %arg17[%add3A_411, %broadcast_in_dim3A_408], %gather3A_412 : memref<64x512xf32, #tpu.memory_space<vmem>>[vector<16xi32>, vector<16xi32>], vector<16xf32>,
      %add3A_413 = arith.constant 16 : i32
      %add3A_414 = vector.broadcast %add3A_413 : i32 to vector<16xi32>
      %add3A_415 = arith.addi %iota3A, %add3A_414 : vector<16xi32>
      %gather3A_416 = tpu.vector_load_idx %arg12[%add3A_415, %broadcast_in_dim3A_407] : memref<64x128xf32, #tpu.memory_space<vmem>>[vector<16xi32>, vector<16xi32>], vector<16xf32>,
      tpu.vector_store_idx %arg17[%add3A_415, %broadcast_in_dim3A_408], %gather3A_416 : memref<64x512xf32, #tpu.memory_space<vmem>>[vector<16xi32>, vector<16xi32>], vector<16xf32>,
      %add3A_417 = arith.constant 32 : i32
      %add3A_418 = vector.broadcast %add3A_417 : i32 to vector<16xi32>
      %add3A_419 = arith.addi %iota3A, %add3A_418 : vector<16xi32>
      %gather3A_420 = tpu.vector_load_idx %arg12[%add3A_419, %broadcast_in_dim3A_407] : memref<64x128xf32, #tpu.memory_space<vmem>>[vector<16xi32>, vector<16xi32>], vector<16xf32>,
      tpu.vector_store_idx %arg17[%add3A_419, %broadcast_in_dim3A_408], %gather3A_420 : memref<64x512xf32, #tpu.memory_space<vmem>>[vector<16xi32>, vector<16xi32>], vector<16xf32>,
      %add3A_421 = arith.constant 48 : i32
      %add3A_422 = vector.broadcast %add3A_421 : i32 to vector<16xi32>
      %add3A_423 = arith.addi %iota3A, %add3A_422 : vector<16xi32>
      %gather3A_424 = tpu.vector_load_idx %arg12[%add3A_423, %broadcast_in_dim3A_407] : memref<64x128xf32, #tpu.memory_space<vmem>>[vector<16xi32>, vector<16xi32>], vector<16xf32>,
      tpu.vector_store_idx %arg17[%add3A_423, %broadcast_in_dim3A_408], %gather3A_424 : memref<64x512xf32, #tpu.memory_space<vmem>>[vector<16xi32>, vector<16xi32>], vector<16xf32>,
      %slice3A_425 = vector.extract_strided_slice %get3A_15 {offsets = [1], sizes = [1], strides = [1]} : vector<16xi32> to vector<1xi32>
      %squeeze3A_426 = vector.extract %slice3A_425[0] : i32 from vector<1xi32>
      %shift_right_arithmetic3A_427 = arith.constant 7 : i32
      %shift_right_arithmetic3A_428 = arith.shrsi %squeeze3A_426, %shift_right_arithmetic3A_427 : i32
      %mul3A_429 = arith.constant 128 : i32
      %mul3A_430 = arith.muli %shift_right_arithmetic3A_428, %mul3A_429 : i32
      %multiple_of3A_431 = tpu.assume_multiple %mul3A_430, 128 : i32
      %dma_start3A_432 = arith.constant 0 : i32
      %dma_start3A_433 = tpu.memref_slice %arg3[%dma_start3A_432, %multiple_of3A_431] : memref<64x1000001xf32, #tpu.memory_space<hbm>> -> memref<64x128xf32, #tpu.memory_space<hbm>>
      %dma_start3A_434 = arith.constant 0 : i32
      %dma_start3A_435 = tpu.memref_slice %arg3[%dma_start3A_434, %multiple_of3A_431] : memref<64x1000001xf32, #tpu.memory_space<hbm>> -> memref<64x128xf32, #tpu.memory_space<hbm>>
      tpu.enqueue_dma source(%dma_start3A_435 : memref<64x128xf32, #tpu.memory_space<hbm>>) target(%arg12 : memref<64x128xf32, #tpu.memory_space<vmem>>) target_semaphore(%arg24 : memref<!tpu.dma_semaphore, #tpu.memory_space<semaphore_mem>>)
      %slice3A_436 = vector.extract_strided_slice %get3A_11 {offsets = [7], sizes = [1], strides = [1]} : vector<16xi32> to vector<1xi32>
      %squeeze3A_437 = vector.extract %slice3A_436[0] : i32 from vector<1xi32>
      %shift_right_arithmetic3A_438 = arith.constant 7 : i32
      %shift_right_arithmetic3A_439 = arith.shrsi %squeeze3A_437, %shift_right_arithmetic3A_438 : i32
      %mul3A_440 = arith.constant 128 : i32
      %mul3A_441 = arith.muli %shift_right_arithmetic3A_439, %mul3A_440 : i32
      %multiple_of3A_442 = tpu.assume_multiple %mul3A_441, 128 : i32
      %dma_wait3A_443 = arith.constant 0 : i32
      %dma_wait3A_444 = tpu.memref_slice %arg3[%dma_wait3A_443, %multiple_of3A_442] : memref<64x1000001xf32, #tpu.memory_space<hbm>> -> memref<64x128xf32, #tpu.memory_space<hbm>>
      %dma_wait3A_445 = arith.constant 0 : i32
      %dma_wait3A_446 = tpu.memref_slice %arg3[%dma_wait3A_445, %multiple_of3A_442] : memref<64x1000001xf32, #tpu.memory_space<hbm>> -> memref<64x128xf32, #tpu.memory_space<hbm>>
      tpu.wait_dma2 semaphore(%arg25 : memref<!tpu.dma_semaphore, #tpu.memory_space<semaphore_mem>>) src(%dma_wait3A_446 : memref<64x128xf32, #tpu.memory_space<hbm>>) dst(%arg13 : memref<64x128xf32, #tpu.memory_space<vmem>>)
      %add3A_447 = arith.constant 7 : i32
      %add3A_448 = arith.addi %mul3A_10, %add3A_447 : i32
      %and3A_449 = arith.constant 127 : i32
      %and3A_450 = arith.andi %squeeze3A_437, %and3A_449 : i32
      %broadcast_in_dim3A_451 = vector.broadcast %and3A_450 : i32 to vector<16xi32>
      %broadcast_in_dim3A_452 = vector.broadcast %add3A_448 : i32 to vector<16xi32>
      %add3A_453 = arith.constant 0 : i32
      %add3A_454 = vector.broadcast %add3A_453 : i32 to vector<16xi32>
      %add3A_455 = arith.addi %iota3A, %add3A_454 : vector<16xi32>
      %gather3A_456 = tpu.vector_load_idx %arg13[%add3A_455, %broadcast_in_dim3A_451] : memref<64x128xf32, #tpu.memory_space<vmem>>[vector<16xi32>, vector<16xi32>], vector<16xf32>,
      tpu.vector_store_idx %arg17[%add3A_455, %broadcast_in_dim3A_452], %gather3A_456 : memref<64x512xf32, #tpu.memory_space<vmem>>[vector<16xi32>, vector<16xi32>], vector<16xf32>,
      %add3A_457 = arith.constant 16 : i32
      %add3A_458 = vector.broadcast %add3A_457 : i32 to vector<16xi32>
      %add3A_459 = arith.addi %iota3A, %add3A_458 : vector<16xi32>
      %gather3A_460 = tpu.vector_load_idx %arg13[%add3A_459, %broadcast_in_dim3A_451] : memref<64x128xf32, #tpu.memory_space<vmem>>[vector<16xi32>, vector<16xi32>], vector<16xf32>,
      tpu.vector_store_idx %arg17[%add3A_459, %broadcast_in_dim3A_452], %gather3A_460 : memref<64x512xf32, #tpu.memory_space<vmem>>[vector<16xi32>, vector<16xi32>], vector<16xf32>,
      %add3A_461 = arith.constant 32 : i32
      %add3A_462 = vector.broadcast %add3A_461 : i32 to vector<16xi32>
      %add3A_463 = arith.addi %iota3A, %add3A_462 : vector<16xi32>
      %gather3A_464 = tpu.vector_load_idx %arg13[%add3A_463, %broadcast_in_dim3A_451] : memref<64x128xf32, #tpu.memory_space<vmem>>[vector<16xi32>, vector<16xi32>], vector<16xf32>,
      tpu.vector_store_idx %arg17[%add3A_463, %broadcast_in_dim3A_452], %gather3A_464 : memref<64x512xf32, #tpu.memory_space<vmem>>[vector<16xi32>, vector<16xi32>], vector<16xf32>,
      %add3A_465 = arith.constant 48 : i32
      %add3A_466 = vector.broadcast %add3A_465 : i32 to vector<16xi32>
      %add3A_467 = arith.addi %iota3A, %add3A_466 : vector<16xi32>
      %gather3A_468 = tpu.vector_load_idx %arg13[%add3A_467, %broadcast_in_dim3A_451] : memref<64x128xf32, #tpu.memory_space<vmem>>[vector<16xi32>, vector<16xi32>], vector<16xf32>,
      tpu.vector_store_idx %arg17[%add3A_467, %broadcast_in_dim3A_452], %gather3A_468 : memref<64x512xf32, #tpu.memory_space<vmem>>[vector<16xi32>, vector<16xi32>], vector<16xf32>,
      %slice3A_469 = vector.extract_strided_slice %get3A_15 {offsets = [2], sizes = [1], strides = [1]} : vector<16xi32> to vector<1xi32>
      %squeeze3A_470 = vector.extract %slice3A_469[0] : i32 from vector<1xi32>
      %shift_right_arithmetic3A_471 = arith.constant 7 : i32
      %shift_right_arithmetic3A_472 = arith.shrsi %squeeze3A_470, %shift_right_arithmetic3A_471 : i32
      %mul3A_473 = arith.constant 128 : i32
      %mul3A_474 = arith.muli %shift_right_arithmetic3A_472, %mul3A_473 : i32
      %multiple_of3A_475 = tpu.assume_multiple %mul3A_474, 128 : i32
      %dma_start3A_476 = arith.constant 0 : i32
      %dma_start3A_477 = tpu.memref_slice %arg3[%dma_start3A_476, %multiple_of3A_475] : memref<64x1000001xf32, #tpu.memory_space<hbm>> -> memref<64x128xf32, #tpu.memory_space<hbm>>
      %dma_start3A_478 = arith.constant 0 : i32
      %dma_start3A_479 = tpu.memref_slice %arg3[%dma_start3A_478, %multiple_of3A_475] : memref<64x1000001xf32, #tpu.memory_space<hbm>> -> memref<64x128xf32, #tpu.memory_space<hbm>>
      tpu.enqueue_dma source(%dma_start3A_479 : memref<64x128xf32, #tpu.memory_space<hbm>>) target(%arg13 : memref<64x128xf32, #tpu.memory_space<vmem>>) target_semaphore(%arg25 : memref<!tpu.dma_semaphore, #tpu.memory_space<semaphore_mem>>)
      %slice3A_480 = vector.extract_strided_slice %get3A_11 {offsets = [8], sizes = [1], strides = [1]} : vector<16xi32> to vector<1xi32>
      %squeeze3A_481 = vector.extract %slice3A_480[0] : i32 from vector<1xi32>
      %shift_right_arithmetic3A_482 = arith.constant 7 : i32
      %shift_right_arithmetic3A_483 = arith.shrsi %squeeze3A_481, %shift_right_arithmetic3A_482 : i32
      %mul3A_484 = arith.constant 128 : i32
      %mul3A_485 = arith.muli %shift_right_arithmetic3A_483, %mul3A_484 : i32
      %multiple_of3A_486 = tpu.assume_multiple %mul3A_485, 128 : i32
      %dma_wait3A_487 = arith.constant 0 : i32
      %dma_wait3A_488 = tpu.memref_slice %arg3[%dma_wait3A_487, %multiple_of3A_486] : memref<64x1000001xf32, #tpu.memory_space<hbm>> -> memref<64x128xf32, #tpu.memory_space<hbm>>
      %dma_wait3A_489 = arith.constant 0 : i32
      %dma_wait3A_490 = tpu.memref_slice %arg3[%dma_wait3A_489, %multiple_of3A_486] : memref<64x1000001xf32, #tpu.memory_space<hbm>> -> memref<64x128xf32, #tpu.memory_space<hbm>>
      tpu.wait_dma2 semaphore(%arg26 : memref<!tpu.dma_semaphore, #tpu.memory_space<semaphore_mem>>) src(%dma_wait3A_490 : memref<64x128xf32, #tpu.memory_space<hbm>>) dst(%arg14 : memref<64x128xf32, #tpu.memory_space<vmem>>)
      %add3A_491 = arith.constant 8 : i32
      %add3A_492 = arith.addi %mul3A_10, %add3A_491 : i32
      %and3A_493 = arith.constant 127 : i32
      %and3A_494 = arith.andi %squeeze3A_481, %and3A_493 : i32
      %broadcast_in_dim3A_495 = vector.broadcast %and3A_494 : i32 to vector<16xi32>
      %broadcast_in_dim3A_496 = vector.broadcast %add3A_492 : i32 to vector<16xi32>
      %add3A_497 = arith.constant 0 : i32
      %add3A_498 = vector.broadcast %add3A_497 : i32 to vector<16xi32>
      %add3A_499 = arith.addi %iota3A, %add3A_498 : vector<16xi32>
      %gather3A_500 = tpu.vector_load_idx %arg14[%add3A_499, %broadcast_in_dim3A_495] : memref<64x128xf32, #tpu.memory_space<vmem>>[vector<16xi32>, vector<16xi32>], vector<16xf32>,
      tpu.vector_store_idx %arg17[%add3A_499, %broadcast_in_dim3A_496], %gather3A_500 : memref<64x512xf32, #tpu.memory_space<vmem>>[vector<16xi32>, vector<16xi32>], vector<16xf32>,
      %add3A_501 = arith.constant 16 : i32
      %add3A_502 = vector.broadcast %add3A_501 : i32 to vector<16xi32>
      %add3A_503 = arith.addi %iota3A, %add3A_502 : vector<16xi32>
      %gather3A_504 = tpu.vector_load_idx %arg14[%add3A_503, %broadcast_in_dim3A_495] : memref<64x128xf32, #tpu.memory_space<vmem>>[vector<16xi32>, vector<16xi32>], vector<16xf32>,
      tpu.vector_store_idx %arg17[%add3A_503, %broadcast_in_dim3A_496], %gather3A_504 : memref<64x512xf32, #tpu.memory_space<vmem>>[vector<16xi32>, vector<16xi32>], vector<16xf32>,
      %add3A_505 = arith.constant 32 : i32
      %add3A_506 = vector.broadcast %add3A_505 : i32 to vector<16xi32>
      %add3A_507 = arith.addi %iota3A, %add3A_506 : vector<16xi32>
      %gather3A_508 = tpu.vector_load_idx %arg14[%add3A_507, %broadcast_in_dim3A_495] : memref<64x128xf32, #tpu.memory_space<vmem>>[vector<16xi32>, vector<16xi32>], vector<16xf32>,
      tpu.vector_store_idx %arg17[%add3A_507, %broadcast_in_dim3A_496], %gather3A_508 : memref<64x512xf32, #tpu.memory_space<vmem>>[vector<16xi32>, vector<16xi32>], vector<16xf32>,
      %add3A_509 = arith.constant 48 : i32
      %add3A_510 = vector.broadcast %add3A_509 : i32 to vector<16xi32>
      %add3A_511 = arith.addi %iota3A, %add3A_510 : vector<16xi32>
      %gather3A_512 = tpu.vector_load_idx %arg14[%add3A_511, %broadcast_in_dim3A_495] : memref<64x128xf32, #tpu.memory_space<vmem>>[vector<16xi32>, vector<16xi32>], vector<16xf32>,
      tpu.vector_store_idx %arg17[%add3A_511, %broadcast_in_dim3A_496], %gather3A_512 : memref<64x512xf32, #tpu.memory_space<vmem>>[vector<16xi32>, vector<16xi32>], vector<16xf32>,
      %slice3A_513 = vector.extract_strided_slice %get3A_15 {offsets = [3], sizes = [1], strides = [1]} : vector<16xi32> to vector<1xi32>
      %squeeze3A_514 = vector.extract %slice3A_513[0] : i32 from vector<1xi32>
      %shift_right_arithmetic3A_515 = arith.constant 7 : i32
      %shift_right_arithmetic3A_516 = arith.shrsi %squeeze3A_514, %shift_right_arithmetic3A_515 : i32
      %mul3A_517 = arith.constant 128 : i32
      %mul3A_518 = arith.muli %shift_right_arithmetic3A_516, %mul3A_517 : i32
      %multiple_of3A_519 = tpu.assume_multiple %mul3A_518, 128 : i32
      %dma_start3A_520 = arith.constant 0 : i32
      %dma_start3A_521 = tpu.memref_slice %arg3[%dma_start3A_520, %multiple_of3A_519] : memref<64x1000001xf32, #tpu.memory_space<hbm>> -> memref<64x128xf32, #tpu.memory_space<hbm>>
      %dma_start3A_522 = arith.constant 0 : i32
      %dma_start3A_523 = tpu.memref_slice %arg3[%dma_start3A_522, %multiple_of3A_519] : memref<64x1000001xf32, #tpu.memory_space<hbm>> -> memref<64x128xf32, #tpu.memory_space<hbm>>
      tpu.enqueue_dma source(%dma_start3A_523 : memref<64x128xf32, #tpu.memory_space<hbm>>) target(%arg14 : memref<64x128xf32, #tpu.memory_space<vmem>>) target_semaphore(%arg26 : memref<!tpu.dma_semaphore, #tpu.memory_space<semaphore_mem>>)
      %slice3A_524 = vector.extract_strided_slice %get3A_11 {offsets = [9], sizes = [1], strides = [1]} : vector<16xi32> to vector<1xi32>
      %squeeze3A_525 = vector.extract %slice3A_524[0] : i32 from vector<1xi32>
      %shift_right_arithmetic3A_526 = arith.constant 7 : i32
      %shift_right_arithmetic3A_527 = arith.shrsi %squeeze3A_525, %shift_right_arithmetic3A_526 : i32
      %mul3A_528 = arith.constant 128 : i32
      %mul3A_529 = arith.muli %shift_right_arithmetic3A_527, %mul3A_528 : i32
      %multiple_of3A_530 = tpu.assume_multiple %mul3A_529, 128 : i32
      %dma_wait3A_531 = arith.constant 0 : i32
      %dma_wait3A_532 = tpu.memref_slice %arg3[%dma_wait3A_531, %multiple_of3A_530] : memref<64x1000001xf32, #tpu.memory_space<hbm>> -> memref<64x128xf32, #tpu.memory_space<hbm>>
      %dma_wait3A_533 = arith.constant 0 : i32
      %dma_wait3A_534 = tpu.memref_slice %arg3[%dma_wait3A_533, %multiple_of3A_530] : memref<64x1000001xf32, #tpu.memory_space<hbm>> -> memref<64x128xf32, #tpu.memory_space<hbm>>
      tpu.wait_dma2 semaphore(%arg27 : memref<!tpu.dma_semaphore, #tpu.memory_space<semaphore_mem>>) src(%dma_wait3A_534 : memref<64x128xf32, #tpu.memory_space<hbm>>) dst(%arg15 : memref<64x128xf32, #tpu.memory_space<vmem>>)
      %add3A_535 = arith.constant 9 : i32
      %add3A_536 = arith.addi %mul3A_10, %add3A_535 : i32
      %and3A_537 = arith.constant 127 : i32
      %and3A_538 = arith.andi %squeeze3A_525, %and3A_537 : i32
      %broadcast_in_dim3A_539 = vector.broadcast %and3A_538 : i32 to vector<16xi32>
      %broadcast_in_dim3A_540 = vector.broadcast %add3A_536 : i32 to vector<16xi32>
      %add3A_541 = arith.constant 0 : i32
      %add3A_542 = vector.broadcast %add3A_541 : i32 to vector<16xi32>
      %add3A_543 = arith.addi %iota3A, %add3A_542 : vector<16xi32>
      %gather3A_544 = tpu.vector_load_idx %arg15[%add3A_543, %broadcast_in_dim3A_539] : memref<64x128xf32, #tpu.memory_space<vmem>>[vector<16xi32>, vector<16xi32>], vector<16xf32>,
      tpu.vector_store_idx %arg17[%add3A_543, %broadcast_in_dim3A_540], %gather3A_544 : memref<64x512xf32, #tpu.memory_space<vmem>>[vector<16xi32>, vector<16xi32>], vector<16xf32>,
      %add3A_545 = arith.constant 16 : i32
      %add3A_546 = vector.broadcast %add3A_545 : i32 to vector<16xi32>
      %add3A_547 = arith.addi %iota3A, %add3A_546 : vector<16xi32>
      %gather3A_548 = tpu.vector_load_idx %arg15[%add3A_547, %broadcast_in_dim3A_539] : memref<64x128xf32, #tpu.memory_space<vmem>>[vector<16xi32>, vector<16xi32>], vector<16xf32>,
      tpu.vector_store_idx %arg17[%add3A_547, %broadcast_in_dim3A_540], %gather3A_548 : memref<64x512xf32, #tpu.memory_space<vmem>>[vector<16xi32>, vector<16xi32>], vector<16xf32>,
      %add3A_549 = arith.constant 32 : i32
      %add3A_550 = vector.broadcast %add3A_549 : i32 to vector<16xi32>
      %add3A_551 = arith.addi %iota3A, %add3A_550 : vector<16xi32>
      %gather3A_552 = tpu.vector_load_idx %arg15[%add3A_551, %broadcast_in_dim3A_539] : memref<64x128xf32, #tpu.memory_space<vmem>>[vector<16xi32>, vector<16xi32>], vector<16xf32>,
      tpu.vector_store_idx %arg17[%add3A_551, %broadcast_in_dim3A_540], %gather3A_552 : memref<64x512xf32, #tpu.memory_space<vmem>>[vector<16xi32>, vector<16xi32>], vector<16xf32>,
      %add3A_553 = arith.constant 48 : i32
      %add3A_554 = vector.broadcast %add3A_553 : i32 to vector<16xi32>
      %add3A_555 = arith.addi %iota3A, %add3A_554 : vector<16xi32>
      %gather3A_556 = tpu.vector_load_idx %arg15[%add3A_555, %broadcast_in_dim3A_539] : memref<64x128xf32, #tpu.memory_space<vmem>>[vector<16xi32>, vector<16xi32>], vector<16xf32>,
      tpu.vector_store_idx %arg17[%add3A_555, %broadcast_in_dim3A_540], %gather3A_556 : memref<64x512xf32, #tpu.memory_space<vmem>>[vector<16xi32>, vector<16xi32>], vector<16xf32>,
      %slice3A_557 = vector.extract_strided_slice %get3A_15 {offsets = [4], sizes = [1], strides = [1]} : vector<16xi32> to vector<1xi32>
      %squeeze3A_558 = vector.extract %slice3A_557[0] : i32 from vector<1xi32>
      %shift_right_arithmetic3A_559 = arith.constant 7 : i32
      %shift_right_arithmetic3A_560 = arith.shrsi %squeeze3A_558, %shift_right_arithmetic3A_559 : i32
      %mul3A_561 = arith.constant 128 : i32
      %mul3A_562 = arith.muli %shift_right_arithmetic3A_560, %mul3A_561 : i32
      %multiple_of3A_563 = tpu.assume_multiple %mul3A_562, 128 : i32
      %dma_start3A_564 = arith.constant 0 : i32
      %dma_start3A_565 = tpu.memref_slice %arg3[%dma_start3A_564, %multiple_of3A_563] : memref<64x1000001xf32, #tpu.memory_space<hbm>> -> memref<64x128xf32, #tpu.memory_space<hbm>>
      %dma_start3A_566 = arith.constant 0 : i32
      %dma_start3A_567 = tpu.memref_slice %arg3[%dma_start3A_566, %multiple_of3A_563] : memref<64x1000001xf32, #tpu.memory_space<hbm>> -> memref<64x128xf32, #tpu.memory_space<hbm>>
      tpu.enqueue_dma source(%dma_start3A_567 : memref<64x128xf32, #tpu.memory_space<hbm>>) target(%arg15 : memref<64x128xf32, #tpu.memory_space<vmem>>) target_semaphore(%arg27 : memref<!tpu.dma_semaphore, #tpu.memory_space<semaphore_mem>>)
      %slice3A_568 = vector.extract_strided_slice %get3A_11 {offsets = [10], sizes = [1], strides = [1]} : vector<16xi32> to vector<1xi32>
      %squeeze3A_569 = vector.extract %slice3A_568[0] : i32 from vector<1xi32>
      %shift_right_arithmetic3A_570 = arith.constant 7 : i32
      %shift_right_arithmetic3A_571 = arith.shrsi %squeeze3A_569, %shift_right_arithmetic3A_570 : i32
      %mul3A_572 = arith.constant 128 : i32
      %mul3A_573 = arith.muli %shift_right_arithmetic3A_571, %mul3A_572 : i32
      %multiple_of3A_574 = tpu.assume_multiple %mul3A_573, 128 : i32
      %dma_wait3A_575 = arith.constant 0 : i32
      %dma_wait3A_576 = tpu.memref_slice %arg3[%dma_wait3A_575, %multiple_of3A_574] : memref<64x1000001xf32, #tpu.memory_space<hbm>> -> memref<64x128xf32, #tpu.memory_space<hbm>>
      %dma_wait3A_577 = arith.constant 0 : i32
      %dma_wait3A_578 = tpu.memref_slice %arg3[%dma_wait3A_577, %multiple_of3A_574] : memref<64x1000001xf32, #tpu.memory_space<hbm>> -> memref<64x128xf32, #tpu.memory_space<hbm>>
      tpu.wait_dma2 semaphore(%arg28 : memref<!tpu.dma_semaphore, #tpu.memory_space<semaphore_mem>>) src(%dma_wait3A_578 : memref<64x128xf32, #tpu.memory_space<hbm>>) dst(%arg16 : memref<64x128xf32, #tpu.memory_space<vmem>>)
      %add3A_579 = arith.constant 10 : i32
      %add3A_580 = arith.addi %mul3A_10, %add3A_579 : i32
      %and3A_581 = arith.constant 127 : i32
      %and3A_582 = arith.andi %squeeze3A_569, %and3A_581 : i32
      %broadcast_in_dim3A_583 = vector.broadcast %and3A_582 : i32 to vector<16xi32>
      %broadcast_in_dim3A_584 = vector.broadcast %add3A_580 : i32 to vector<16xi32>
      %add3A_585 = arith.constant 0 : i32
      %add3A_586 = vector.broadcast %add3A_585 : i32 to vector<16xi32>
      %add3A_587 = arith.addi %iota3A, %add3A_586 : vector<16xi32>
      %gather3A_588 = tpu.vector_load_idx %arg16[%add3A_587, %broadcast_in_dim3A_583] : memref<64x128xf32, #tpu.memory_space<vmem>>[vector<16xi32>, vector<16xi32>], vector<16xf32>,
      tpu.vector_store_idx %arg17[%add3A_587, %broadcast_in_dim3A_584], %gather3A_588 : memref<64x512xf32, #tpu.memory_space<vmem>>[vector<16xi32>, vector<16xi32>], vector<16xf32>,
      %add3A_589 = arith.constant 16 : i32
      %add3A_590 = vector.broadcast %add3A_589 : i32 to vector<16xi32>
      %add3A_591 = arith.addi %iota3A, %add3A_590 : vector<16xi32>
      %gather3A_592 = tpu.vector_load_idx %arg16[%add3A_591, %broadcast_in_dim3A_583] : memref<64x128xf32, #tpu.memory_space<vmem>>[vector<16xi32>, vector<16xi32>], vector<16xf32>,
      tpu.vector_store_idx %arg17[%add3A_591, %broadcast_in_dim3A_584], %gather3A_592 : memref<64x512xf32, #tpu.memory_space<vmem>>[vector<16xi32>, vector<16xi32>], vector<16xf32>,
      %add3A_593 = arith.constant 32 : i32
      %add3A_594 = vector.broadcast %add3A_593 : i32 to vector<16xi32>
      %add3A_595 = arith.addi %iota3A, %add3A_594 : vector<16xi32>
      %gather3A_596 = tpu.vector_load_idx %arg16[%add3A_595, %broadcast_in_dim3A_583] : memref<64x128xf32, #tpu.memory_space<vmem>>[vector<16xi32>, vector<16xi32>], vector<16xf32>,
      tpu.vector_store_idx %arg17[%add3A_595, %broadcast_in_dim3A_584], %gather3A_596 : memref<64x512xf32, #tpu.memory_space<vmem>>[vector<16xi32>, vector<16xi32>], vector<16xf32>,
      %add3A_597 = arith.constant 48 : i32
      %add3A_598 = vector.broadcast %add3A_597 : i32 to vector<16xi32>
      %add3A_599 = arith.addi %iota3A, %add3A_598 : vector<16xi32>
      %gather3A_600 = tpu.vector_load_idx %arg16[%add3A_599, %broadcast_in_dim3A_583] : memref<64x128xf32, #tpu.memory_space<vmem>>[vector<16xi32>, vector<16xi32>], vector<16xf32>,
      tpu.vector_store_idx %arg17[%add3A_599, %broadcast_in_dim3A_584], %gather3A_600 : memref<64x512xf32, #tpu.memory_space<vmem>>[vector<16xi32>, vector<16xi32>], vector<16xf32>,
      %slice3A_601 = vector.extract_strided_slice %get3A_15 {offsets = [5], sizes = [1], strides = [1]} : vector<16xi32> to vector<1xi32>
      %squeeze3A_602 = vector.extract %slice3A_601[0] : i32 from vector<1xi32>
      %shift_right_arithmetic3A_603 = arith.constant 7 : i32
      %shift_right_arithmetic3A_604 = arith.shrsi %squeeze3A_602, %shift_right_arithmetic3A_603 : i32
      %mul3A_605 = arith.constant 128 : i32
      %mul3A_606 = arith.muli %shift_right_arithmetic3A_604, %mul3A_605 : i32
      %multiple_of3A_607 = tpu.assume_multiple %mul3A_606, 128 : i32
      %dma_start3A_608 = arith.constant 0 : i32
      %dma_start3A_609 = tpu.memref_slice %arg3[%dma_start3A_608, %multiple_of3A_607] : memref<64x1000001xf32, #tpu.memory_space<hbm>> -> memref<64x128xf32, #tpu.memory_space<hbm>>
      %dma_start3A_610 = arith.constant 0 : i32
      %dma_start3A_611 = tpu.memref_slice %arg3[%dma_start3A_610, %multiple_of3A_607] : memref<64x1000001xf32, #tpu.memory_space<hbm>> -> memref<64x128xf32, #tpu.memory_space<hbm>>
      tpu.enqueue_dma source(%dma_start3A_611 : memref<64x128xf32, #tpu.memory_space<hbm>>) target(%arg16 : memref<64x128xf32, #tpu.memory_space<vmem>>) target_semaphore(%arg28 : memref<!tpu.dma_semaphore, #tpu.memory_space<semaphore_mem>>)
      %slice3A_612 = vector.extract_strided_slice %get3A_11 {offsets = [11], sizes = [1], strides = [1]} : vector<16xi32> to vector<1xi32>
      %squeeze3A_613 = vector.extract %slice3A_612[0] : i32 from vector<1xi32>
      %shift_right_arithmetic3A_614 = arith.constant 7 : i32
      %shift_right_arithmetic3A_615 = arith.shrsi %squeeze3A_613, %shift_right_arithmetic3A_614 : i32
      %mul3A_616 = arith.constant 128 : i32
      %mul3A_617 = arith.muli %shift_right_arithmetic3A_615, %mul3A_616 : i32
      %multiple_of3A_618 = tpu.assume_multiple %mul3A_617, 128 : i32
      %dma_wait3A_619 = arith.constant 0 : i32
      %dma_wait3A_620 = tpu.memref_slice %arg3[%dma_wait3A_619, %multiple_of3A_618] : memref<64x1000001xf32, #tpu.memory_space<hbm>> -> memref<64x128xf32, #tpu.memory_space<hbm>>
      %dma_wait3A_621 = arith.constant 0 : i32
      %dma_wait3A_622 = tpu.memref_slice %arg3[%dma_wait3A_621, %multiple_of3A_618] : memref<64x1000001xf32, #tpu.memory_space<hbm>> -> memref<64x128xf32, #tpu.memory_space<hbm>>
      tpu.wait_dma2 semaphore(%arg18 : memref<!tpu.dma_semaphore, #tpu.memory_space<semaphore_mem>>) src(%dma_wait3A_622 : memref<64x128xf32, #tpu.memory_space<hbm>>) dst(%arg6 : memref<64x128xf32, #tpu.memory_space<vmem>>)
      %add3A_623 = arith.constant 11 : i32
      %add3A_624 = arith.addi %mul3A_10, %add3A_623 : i32
      %and3A_625 = arith.constant 127 : i32
      %and3A_626 = arith.andi %squeeze3A_613, %and3A_625 : i32
      %broadcast_in_dim3A_627 = vector.broadcast %and3A_626 : i32 to vector<16xi32>
      %broadcast_in_dim3A_628 = vector.broadcast %add3A_624 : i32 to vector<16xi32>
      %add3A_629 = arith.constant 0 : i32
      %add3A_630 = vector.broadcast %add3A_629 : i32 to vector<16xi32>
      %add3A_631 = arith.addi %iota3A, %add3A_630 : vector<16xi32>
      %gather3A_632 = tpu.vector_load_idx %arg6[%add3A_631, %broadcast_in_dim3A_627] : memref<64x128xf32, #tpu.memory_space<vmem>>[vector<16xi32>, vector<16xi32>], vector<16xf32>,
      tpu.vector_store_idx %arg17[%add3A_631, %broadcast_in_dim3A_628], %gather3A_632 : memref<64x512xf32, #tpu.memory_space<vmem>>[vector<16xi32>, vector<16xi32>], vector<16xf32>,
      %add3A_633 = arith.constant 16 : i32
      %add3A_634 = vector.broadcast %add3A_633 : i32 to vector<16xi32>
      %add3A_635 = arith.addi %iota3A, %add3A_634 : vector<16xi32>
      %gather3A_636 = tpu.vector_load_idx %arg6[%add3A_635, %broadcast_in_dim3A_627] : memref<64x128xf32, #tpu.memory_space<vmem>>[vector<16xi32>, vector<16xi32>], vector<16xf32>,
      tpu.vector_store_idx %arg17[%add3A_635, %broadcast_in_dim3A_628], %gather3A_636 : memref<64x512xf32, #tpu.memory_space<vmem>>[vector<16xi32>, vector<16xi32>], vector<16xf32>,
      %add3A_637 = arith.constant 32 : i32
      %add3A_638 = vector.broadcast %add3A_637 : i32 to vector<16xi32>
      %add3A_639 = arith.addi %iota3A, %add3A_638 : vector<16xi32>
      %gather3A_640 = tpu.vector_load_idx %arg6[%add3A_639, %broadcast_in_dim3A_627] : memref<64x128xf32, #tpu.memory_space<vmem>>[vector<16xi32>, vector<16xi32>], vector<16xf32>,
      tpu.vector_store_idx %arg17[%add3A_639, %broadcast_in_dim3A_628], %gather3A_640 : memref<64x512xf32, #tpu.memory_space<vmem>>[vector<16xi32>, vector<16xi32>], vector<16xf32>,
      %add3A_641 = arith.constant 48 : i32
      %add3A_642 = vector.broadcast %add3A_641 : i32 to vector<16xi32>
      %add3A_643 = arith.addi %iota3A, %add3A_642 : vector<16xi32>
      %gather3A_644 = tpu.vector_load_idx %arg6[%add3A_643, %broadcast_in_dim3A_627] : memref<64x128xf32, #tpu.memory_space<vmem>>[vector<16xi32>, vector<16xi32>], vector<16xf32>,
      tpu.vector_store_idx %arg17[%add3A_643, %broadcast_in_dim3A_628], %gather3A_644 : memref<64x512xf32, #tpu.memory_space<vmem>>[vector<16xi32>, vector<16xi32>], vector<16xf32>,
      %slice3A_645 = vector.extract_strided_slice %get3A_15 {offsets = [6], sizes = [1], strides = [1]} : vector<16xi32> to vector<1xi32>
      %squeeze3A_646 = vector.extract %slice3A_645[0] : i32 from vector<1xi32>
      %shift_right_arithmetic3A_647 = arith.constant 7 : i32
      %shift_right_arithmetic3A_648 = arith.shrsi %squeeze3A_646, %shift_right_arithmetic3A_647 : i32
      %mul3A_649 = arith.constant 128 : i32
      %mul3A_650 = arith.muli %shift_right_arithmetic3A_648, %mul3A_649 : i32
      %multiple_of3A_651 = tpu.assume_multiple %mul3A_650, 128 : i32
      %dma_start3A_652 = arith.constant 0 : i32
      %dma_start3A_653 = tpu.memref_slice %arg3[%dma_start3A_652, %multiple_of3A_651] : memref<64x1000001xf32, #tpu.memory_space<hbm>> -> memref<64x128xf32, #tpu.memory_space<hbm>>
      %dma_start3A_654 = arith.constant 0 : i32
      %dma_start3A_655 = tpu.memref_slice %arg3[%dma_start3A_654, %multiple_of3A_651] : memref<64x1000001xf32, #tpu.memory_space<hbm>> -> memref<64x128xf32, #tpu.memory_space<hbm>>
      tpu.enqueue_dma source(%dma_start3A_655 : memref<64x128xf32, #tpu.memory_space<hbm>>) target(%arg6 : memref<64x128xf32, #tpu.memory_space<vmem>>) target_semaphore(%arg18 : memref<!tpu.dma_semaphore, #tpu.memory_space<semaphore_mem>>)
      %slice3A_656 = vector.extract_strided_slice %get3A_11 {offsets = [12], sizes = [1], strides = [1]} : vector<16xi32> to vector<1xi32>
      %squeeze3A_657 = vector.extract %slice3A_656[0] : i32 from vector<1xi32>
      %shift_right_arithmetic3A_658 = arith.constant 7 : i32
      %shift_right_arithmetic3A_659 = arith.shrsi %squeeze3A_657, %shift_right_arithmetic3A_658 : i32
      %mul3A_660 = arith.constant 128 : i32
      %mul3A_661 = arith.muli %shift_right_arithmetic3A_659, %mul3A_660 : i32
      %multiple_of3A_662 = tpu.assume_multiple %mul3A_661, 128 : i32
      %dma_wait3A_663 = arith.constant 0 : i32
      %dma_wait3A_664 = tpu.memref_slice %arg3[%dma_wait3A_663, %multiple_of3A_662] : memref<64x1000001xf32, #tpu.memory_space<hbm>> -> memref<64x128xf32, #tpu.memory_space<hbm>>
      %dma_wait3A_665 = arith.constant 0 : i32
      %dma_wait3A_666 = tpu.memref_slice %arg3[%dma_wait3A_665, %multiple_of3A_662] : memref<64x1000001xf32, #tpu.memory_space<hbm>> -> memref<64x128xf32, #tpu.memory_space<hbm>>
      tpu.wait_dma2 semaphore(%arg19 : memref<!tpu.dma_semaphore, #tpu.memory_space<semaphore_mem>>) src(%dma_wait3A_666 : memref<64x128xf32, #tpu.memory_space<hbm>>) dst(%arg7 : memref<64x128xf32, #tpu.memory_space<vmem>>)
      %add3A_667 = arith.constant 12 : i32
      %add3A_668 = arith.addi %mul3A_10, %add3A_667 : i32
      %and3A_669 = arith.constant 127 : i32
      %and3A_670 = arith.andi %squeeze3A_657, %and3A_669 : i32
      %broadcast_in_dim3A_671 = vector.broadcast %and3A_670 : i32 to vector<16xi32>
      %broadcast_in_dim3A_672 = vector.broadcast %add3A_668 : i32 to vector<16xi32>
      %add3A_673 = arith.constant 0 : i32
      %add3A_674 = vector.broadcast %add3A_673 : i32 to vector<16xi32>
      %add3A_675 = arith.addi %iota3A, %add3A_674 : vector<16xi32>
      %gather3A_676 = tpu.vector_load_idx %arg7[%add3A_675, %broadcast_in_dim3A_671] : memref<64x128xf32, #tpu.memory_space<vmem>>[vector<16xi32>, vector<16xi32>], vector<16xf32>,
      tpu.vector_store_idx %arg17[%add3A_675, %broadcast_in_dim3A_672], %gather3A_676 : memref<64x512xf32, #tpu.memory_space<vmem>>[vector<16xi32>, vector<16xi32>], vector<16xf32>,
      %add3A_677 = arith.constant 16 : i32
      %add3A_678 = vector.broadcast %add3A_677 : i32 to vector<16xi32>
      %add3A_679 = arith.addi %iota3A, %add3A_678 : vector<16xi32>
      %gather3A_680 = tpu.vector_load_idx %arg7[%add3A_679, %broadcast_in_dim3A_671] : memref<64x128xf32, #tpu.memory_space<vmem>>[vector<16xi32>, vector<16xi32>], vector<16xf32>,
      tpu.vector_store_idx %arg17[%add3A_679, %broadcast_in_dim3A_672], %gather3A_680 : memref<64x512xf32, #tpu.memory_space<vmem>>[vector<16xi32>, vector<16xi32>], vector<16xf32>,
      %add3A_681 = arith.constant 32 : i32
      %add3A_682 = vector.broadcast %add3A_681 : i32 to vector<16xi32>
      %add3A_683 = arith.addi %iota3A, %add3A_682 : vector<16xi32>
      %gather3A_684 = tpu.vector_load_idx %arg7[%add3A_683, %broadcast_in_dim3A_671] : memref<64x128xf32, #tpu.memory_space<vmem>>[vector<16xi32>, vector<16xi32>], vector<16xf32>,
      tpu.vector_store_idx %arg17[%add3A_683, %broadcast_in_dim3A_672], %gather3A_684 : memref<64x512xf32, #tpu.memory_space<vmem>>[vector<16xi32>, vector<16xi32>], vector<16xf32>,
      %add3A_685 = arith.constant 48 : i32
      %add3A_686 = vector.broadcast %add3A_685 : i32 to vector<16xi32>
      %add3A_687 = arith.addi %iota3A, %add3A_686 : vector<16xi32>
      %gather3A_688 = tpu.vector_load_idx %arg7[%add3A_687, %broadcast_in_dim3A_671] : memref<64x128xf32, #tpu.memory_space<vmem>>[vector<16xi32>, vector<16xi32>], vector<16xf32>,
      tpu.vector_store_idx %arg17[%add3A_687, %broadcast_in_dim3A_672], %gather3A_688 : memref<64x512xf32, #tpu.memory_space<vmem>>[vector<16xi32>, vector<16xi32>], vector<16xf32>,
      %slice3A_689 = vector.extract_strided_slice %get3A_15 {offsets = [7], sizes = [1], strides = [1]} : vector<16xi32> to vector<1xi32>
      %squeeze3A_690 = vector.extract %slice3A_689[0] : i32 from vector<1xi32>
      %shift_right_arithmetic3A_691 = arith.constant 7 : i32
      %shift_right_arithmetic3A_692 = arith.shrsi %squeeze3A_690, %shift_right_arithmetic3A_691 : i32
      %mul3A_693 = arith.constant 128 : i32
      %mul3A_694 = arith.muli %shift_right_arithmetic3A_692, %mul3A_693 : i32
      %multiple_of3A_695 = tpu.assume_multiple %mul3A_694, 128 : i32
      %dma_start3A_696 = arith.constant 0 : i32
      %dma_start3A_697 = tpu.memref_slice %arg3[%dma_start3A_696, %multiple_of3A_695] : memref<64x1000001xf32, #tpu.memory_space<hbm>> -> memref<64x128xf32, #tpu.memory_space<hbm>>
      %dma_start3A_698 = arith.constant 0 : i32
      %dma_start3A_699 = tpu.memref_slice %arg3[%dma_start3A_698, %multiple_of3A_695] : memref<64x1000001xf32, #tpu.memory_space<hbm>> -> memref<64x128xf32, #tpu.memory_space<hbm>>
      tpu.enqueue_dma source(%dma_start3A_699 : memref<64x128xf32, #tpu.memory_space<hbm>>) target(%arg7 : memref<64x128xf32, #tpu.memory_space<vmem>>) target_semaphore(%arg19 : memref<!tpu.dma_semaphore, #tpu.memory_space<semaphore_mem>>)
      %slice3A_700 = vector.extract_strided_slice %get3A_11 {offsets = [13], sizes = [1], strides = [1]} : vector<16xi32> to vector<1xi32>
      %squeeze3A_701 = vector.extract %slice3A_700[0] : i32 from vector<1xi32>
      %shift_right_arithmetic3A_702 = arith.constant 7 : i32
      %shift_right_arithmetic3A_703 = arith.shrsi %squeeze3A_701, %shift_right_arithmetic3A_702 : i32
      %mul3A_704 = arith.constant 128 : i32
      %mul3A_705 = arith.muli %shift_right_arithmetic3A_703, %mul3A_704 : i32
      %multiple_of3A_706 = tpu.assume_multiple %mul3A_705, 128 : i32
      %dma_wait3A_707 = arith.constant 0 : i32
      %dma_wait3A_708 = tpu.memref_slice %arg3[%dma_wait3A_707, %multiple_of3A_706] : memref<64x1000001xf32, #tpu.memory_space<hbm>> -> memref<64x128xf32, #tpu.memory_space<hbm>>
      %dma_wait3A_709 = arith.constant 0 : i32
      %dma_wait3A_710 = tpu.memref_slice %arg3[%dma_wait3A_709, %multiple_of3A_706] : memref<64x1000001xf32, #tpu.memory_space<hbm>> -> memref<64x128xf32, #tpu.memory_space<hbm>>
      tpu.wait_dma2 semaphore(%arg20 : memref<!tpu.dma_semaphore, #tpu.memory_space<semaphore_mem>>) src(%dma_wait3A_710 : memref<64x128xf32, #tpu.memory_space<hbm>>) dst(%arg8 : memref<64x128xf32, #tpu.memory_space<vmem>>)
      %add3A_711 = arith.constant 13 : i32
      %add3A_712 = arith.addi %mul3A_10, %add3A_711 : i32
      %and3A_713 = arith.constant 127 : i32
      %and3A_714 = arith.andi %squeeze3A_701, %and3A_713 : i32
      %broadcast_in_dim3A_715 = vector.broadcast %and3A_714 : i32 to vector<16xi32>
      %broadcast_in_dim3A_716 = vector.broadcast %add3A_712 : i32 to vector<16xi32>
      %add3A_717 = arith.constant 0 : i32
      %add3A_718 = vector.broadcast %add3A_717 : i32 to vector<16xi32>
      %add3A_719 = arith.addi %iota3A, %add3A_718 : vector<16xi32>
      %gather3A_720 = tpu.vector_load_idx %arg8[%add3A_719, %broadcast_in_dim3A_715] : memref<64x128xf32, #tpu.memory_space<vmem>>[vector<16xi32>, vector<16xi32>], vector<16xf32>,
      tpu.vector_store_idx %arg17[%add3A_719, %broadcast_in_dim3A_716], %gather3A_720 : memref<64x512xf32, #tpu.memory_space<vmem>>[vector<16xi32>, vector<16xi32>], vector<16xf32>,
      %add3A_721 = arith.constant 16 : i32
      %add3A_722 = vector.broadcast %add3A_721 : i32 to vector<16xi32>
      %add3A_723 = arith.addi %iota3A, %add3A_722 : vector<16xi32>
      %gather3A_724 = tpu.vector_load_idx %arg8[%add3A_723, %broadcast_in_dim3A_715] : memref<64x128xf32, #tpu.memory_space<vmem>>[vector<16xi32>, vector<16xi32>], vector<16xf32>,
      tpu.vector_store_idx %arg17[%add3A_723, %broadcast_in_dim3A_716], %gather3A_724 : memref<64x512xf32, #tpu.memory_space<vmem>>[vector<16xi32>, vector<16xi32>], vector<16xf32>,
      %add3A_725 = arith.constant 32 : i32
      %add3A_726 = vector.broadcast %add3A_725 : i32 to vector<16xi32>
      %add3A_727 = arith.addi %iota3A, %add3A_726 : vector<16xi32>
      %gather3A_728 = tpu.vector_load_idx %arg8[%add3A_727, %broadcast_in_dim3A_715] : memref<64x128xf32, #tpu.memory_space<vmem>>[vector<16xi32>, vector<16xi32>], vector<16xf32>,
      tpu.vector_store_idx %arg17[%add3A_727, %broadcast_in_dim3A_716], %gather3A_728 : memref<64x512xf32, #tpu.memory_space<vmem>>[vector<16xi32>, vector<16xi32>], vector<16xf32>,
      %add3A_729 = arith.constant 48 : i32
      %add3A_730 = vector.broadcast %add3A_729 : i32 to vector<16xi32>
      %add3A_731 = arith.addi %iota3A, %add3A_730 : vector<16xi32>
      %gather3A_732 = tpu.vector_load_idx %arg8[%add3A_731, %broadcast_in_dim3A_715] : memref<64x128xf32, #tpu.memory_space<vmem>>[vector<16xi32>, vector<16xi32>], vector<16xf32>,
      tpu.vector_store_idx %arg17[%add3A_731, %broadcast_in_dim3A_716], %gather3A_732 : memref<64x512xf32, #tpu.memory_space<vmem>>[vector<16xi32>, vector<16xi32>], vector<16xf32>,
      %slice3A_733 = vector.extract_strided_slice %get3A_15 {offsets = [8], sizes = [1], strides = [1]} : vector<16xi32> to vector<1xi32>
      %squeeze3A_734 = vector.extract %slice3A_733[0] : i32 from vector<1xi32>
      %shift_right_arithmetic3A_735 = arith.constant 7 : i32
      %shift_right_arithmetic3A_736 = arith.shrsi %squeeze3A_734, %shift_right_arithmetic3A_735 : i32
      %mul3A_737 = arith.constant 128 : i32
      %mul3A_738 = arith.muli %shift_right_arithmetic3A_736, %mul3A_737 : i32
      %multiple_of3A_739 = tpu.assume_multiple %mul3A_738, 128 : i32
      %dma_start3A_740 = arith.constant 0 : i32
      %dma_start3A_741 = tpu.memref_slice %arg3[%dma_start3A_740, %multiple_of3A_739] : memref<64x1000001xf32, #tpu.memory_space<hbm>> -> memref<64x128xf32, #tpu.memory_space<hbm>>
      %dma_start3A_742 = arith.constant 0 : i32
      %dma_start3A_743 = tpu.memref_slice %arg3[%dma_start3A_742, %multiple_of3A_739] : memref<64x1000001xf32, #tpu.memory_space<hbm>> -> memref<64x128xf32, #tpu.memory_space<hbm>>
      tpu.enqueue_dma source(%dma_start3A_743 : memref<64x128xf32, #tpu.memory_space<hbm>>) target(%arg8 : memref<64x128xf32, #tpu.memory_space<vmem>>) target_semaphore(%arg20 : memref<!tpu.dma_semaphore, #tpu.memory_space<semaphore_mem>>)
      %slice3A_744 = vector.extract_strided_slice %get3A_11 {offsets = [14], sizes = [1], strides = [1]} : vector<16xi32> to vector<1xi32>
      %squeeze3A_745 = vector.extract %slice3A_744[0] : i32 from vector<1xi32>
      %shift_right_arithmetic3A_746 = arith.constant 7 : i32
      %shift_right_arithmetic3A_747 = arith.shrsi %squeeze3A_745, %shift_right_arithmetic3A_746 : i32
      %mul3A_748 = arith.constant 128 : i32
      %mul3A_749 = arith.muli %shift_right_arithmetic3A_747, %mul3A_748 : i32
      %multiple_of3A_750 = tpu.assume_multiple %mul3A_749, 128 : i32
      %dma_wait3A_751 = arith.constant 0 : i32
      %dma_wait3A_752 = tpu.memref_slice %arg3[%dma_wait3A_751, %multiple_of3A_750] : memref<64x1000001xf32, #tpu.memory_space<hbm>> -> memref<64x128xf32, #tpu.memory_space<hbm>>
      %dma_wait3A_753 = arith.constant 0 : i32
      %dma_wait3A_754 = tpu.memref_slice %arg3[%dma_wait3A_753, %multiple_of3A_750] : memref<64x1000001xf32, #tpu.memory_space<hbm>> -> memref<64x128xf32, #tpu.memory_space<hbm>>
      tpu.wait_dma2 semaphore(%arg21 : memref<!tpu.dma_semaphore, #tpu.memory_space<semaphore_mem>>) src(%dma_wait3A_754 : memref<64x128xf32, #tpu.memory_space<hbm>>) dst(%arg9 : memref<64x128xf32, #tpu.memory_space<vmem>>)
      %add3A_755 = arith.constant 14 : i32
      %add3A_756 = arith.addi %mul3A_10, %add3A_755 : i32
      %and3A_757 = arith.constant 127 : i32
      %and3A_758 = arith.andi %squeeze3A_745, %and3A_757 : i32
      %broadcast_in_dim3A_759 = vector.broadcast %and3A_758 : i32 to vector<16xi32>
      %broadcast_in_dim3A_760 = vector.broadcast %add3A_756 : i32 to vector<16xi32>
      %add3A_761 = arith.constant 0 : i32
      %add3A_762 = vector.broadcast %add3A_761 : i32 to vector<16xi32>
      %add3A_763 = arith.addi %iota3A, %add3A_762 : vector<16xi32>
      %gather3A_764 = tpu.vector_load_idx %arg9[%add3A_763, %broadcast_in_dim3A_759] : memref<64x128xf32, #tpu.memory_space<vmem>>[vector<16xi32>, vector<16xi32>], vector<16xf32>,
      tpu.vector_store_idx %arg17[%add3A_763, %broadcast_in_dim3A_760], %gather3A_764 : memref<64x512xf32, #tpu.memory_space<vmem>>[vector<16xi32>, vector<16xi32>], vector<16xf32>,
      %add3A_765 = arith.constant 16 : i32
      %add3A_766 = vector.broadcast %add3A_765 : i32 to vector<16xi32>
      %add3A_767 = arith.addi %iota3A, %add3A_766 : vector<16xi32>
      %gather3A_768 = tpu.vector_load_idx %arg9[%add3A_767, %broadcast_in_dim3A_759] : memref<64x128xf32, #tpu.memory_space<vmem>>[vector<16xi32>, vector<16xi32>], vector<16xf32>,
      tpu.vector_store_idx %arg17[%add3A_767, %broadcast_in_dim3A_760], %gather3A_768 : memref<64x512xf32, #tpu.memory_space<vmem>>[vector<16xi32>, vector<16xi32>], vector<16xf32>,
      %add3A_769 = arith.constant 32 : i32
      %add3A_770 = vector.broadcast %add3A_769 : i32 to vector<16xi32>
      %add3A_771 = arith.addi %iota3A, %add3A_770 : vector<16xi32>
      %gather3A_772 = tpu.vector_load_idx %arg9[%add3A_771, %broadcast_in_dim3A_759] : memref<64x128xf32, #tpu.memory_space<vmem>>[vector<16xi32>, vector<16xi32>], vector<16xf32>,
      tpu.vector_store_idx %arg17[%add3A_771, %broadcast_in_dim3A_760], %gather3A_772 : memref<64x512xf32, #tpu.memory_space<vmem>>[vector<16xi32>, vector<16xi32>], vector<16xf32>,
      %add3A_773 = arith.constant 48 : i32
      %add3A_774 = vector.broadcast %add3A_773 : i32 to vector<16xi32>
      %add3A_775 = arith.addi %iota3A, %add3A_774 : vector<16xi32>
      %gather3A_776 = tpu.vector_load_idx %arg9[%add3A_775, %broadcast_in_dim3A_759] : memref<64x128xf32, #tpu.memory_space<vmem>>[vector<16xi32>, vector<16xi32>], vector<16xf32>,
      tpu.vector_store_idx %arg17[%add3A_775, %broadcast_in_dim3A_760], %gather3A_776 : memref<64x512xf32, #tpu.memory_space<vmem>>[vector<16xi32>, vector<16xi32>], vector<16xf32>,
      %slice3A_777 = vector.extract_strided_slice %get3A_15 {offsets = [9], sizes = [1], strides = [1]} : vector<16xi32> to vector<1xi32>
      %squeeze3A_778 = vector.extract %slice3A_777[0] : i32 from vector<1xi32>
      %shift_right_arithmetic3A_779 = arith.constant 7 : i32
      %shift_right_arithmetic3A_780 = arith.shrsi %squeeze3A_778, %shift_right_arithmetic3A_779 : i32
      %mul3A_781 = arith.constant 128 : i32
      %mul3A_782 = arith.muli %shift_right_arithmetic3A_780, %mul3A_781 : i32
      %multiple_of3A_783 = tpu.assume_multiple %mul3A_782, 128 : i32
      %dma_start3A_784 = arith.constant 0 : i32
      %dma_start3A_785 = tpu.memref_slice %arg3[%dma_start3A_784, %multiple_of3A_783] : memref<64x1000001xf32, #tpu.memory_space<hbm>> -> memref<64x128xf32, #tpu.memory_space<hbm>>
      %dma_start3A_786 = arith.constant 0 : i32
      %dma_start3A_787 = tpu.memref_slice %arg3[%dma_start3A_786, %multiple_of3A_783] : memref<64x1000001xf32, #tpu.memory_space<hbm>> -> memref<64x128xf32, #tpu.memory_space<hbm>>
      tpu.enqueue_dma source(%dma_start3A_787 : memref<64x128xf32, #tpu.memory_space<hbm>>) target(%arg9 : memref<64x128xf32, #tpu.memory_space<vmem>>) target_semaphore(%arg21 : memref<!tpu.dma_semaphore, #tpu.memory_space<semaphore_mem>>)
      %slice3A_788 = vector.extract_strided_slice %get3A_11 {offsets = [15], sizes = [1], strides = [1]} : vector<16xi32> to vector<1xi32>
      %squeeze3A_789 = vector.extract %slice3A_788[0] : i32 from vector<1xi32>
      %shift_right_arithmetic3A_790 = arith.constant 7 : i32
      %shift_right_arithmetic3A_791 = arith.shrsi %squeeze3A_789, %shift_right_arithmetic3A_790 : i32
      %mul3A_792 = arith.constant 128 : i32
      %mul3A_793 = arith.muli %shift_right_arithmetic3A_791, %mul3A_792 : i32
      %multiple_of3A_794 = tpu.assume_multiple %mul3A_793, 128 : i32
      %dma_wait3A_795 = arith.constant 0 : i32
      %dma_wait3A_796 = tpu.memref_slice %arg3[%dma_wait3A_795, %multiple_of3A_794] : memref<64x1000001xf32, #tpu.memory_space<hbm>> -> memref<64x128xf32, #tpu.memory_space<hbm>>
      %dma_wait3A_797 = arith.constant 0 : i32
      %dma_wait3A_798 = tpu.memref_slice %arg3[%dma_wait3A_797, %multiple_of3A_794] : memref<64x1000001xf32, #tpu.memory_space<hbm>> -> memref<64x128xf32, #tpu.memory_space<hbm>>
      tpu.wait_dma2 semaphore(%arg22 : memref<!tpu.dma_semaphore, #tpu.memory_space<semaphore_mem>>) src(%dma_wait3A_798 : memref<64x128xf32, #tpu.memory_space<hbm>>) dst(%arg10 : memref<64x128xf32, #tpu.memory_space<vmem>>)
      %add3A_799 = arith.constant 15 : i32
      %add3A_800 = arith.addi %mul3A_10, %add3A_799 : i32
      %and3A_801 = arith.constant 127 : i32
      %and3A_802 = arith.andi %squeeze3A_789, %and3A_801 : i32
      %broadcast_in_dim3A_803 = vector.broadcast %and3A_802 : i32 to vector<16xi32>
      %broadcast_in_dim3A_804 = vector.broadcast %add3A_800 : i32 to vector<16xi32>
      %add3A_805 = arith.constant 0 : i32
      %add3A_806 = vector.broadcast %add3A_805 : i32 to vector<16xi32>
      %add3A_807 = arith.addi %iota3A, %add3A_806 : vector<16xi32>
      %gather3A_808 = tpu.vector_load_idx %arg10[%add3A_807, %broadcast_in_dim3A_803] : memref<64x128xf32, #tpu.memory_space<vmem>>[vector<16xi32>, vector<16xi32>], vector<16xf32>,
      tpu.vector_store_idx %arg17[%add3A_807, %broadcast_in_dim3A_804], %gather3A_808 : memref<64x512xf32, #tpu.memory_space<vmem>>[vector<16xi32>, vector<16xi32>], vector<16xf32>,
      %add3A_809 = arith.constant 16 : i32
      %add3A_810 = vector.broadcast %add3A_809 : i32 to vector<16xi32>
      %add3A_811 = arith.addi %iota3A, %add3A_810 : vector<16xi32>
      %gather3A_812 = tpu.vector_load_idx %arg10[%add3A_811, %broadcast_in_dim3A_803] : memref<64x128xf32, #tpu.memory_space<vmem>>[vector<16xi32>, vector<16xi32>], vector<16xf32>,
      tpu.vector_store_idx %arg17[%add3A_811, %broadcast_in_dim3A_804], %gather3A_812 : memref<64x512xf32, #tpu.memory_space<vmem>>[vector<16xi32>, vector<16xi32>], vector<16xf32>,
      %add3A_813 = arith.constant 32 : i32
      %add3A_814 = vector.broadcast %add3A_813 : i32 to vector<16xi32>
      %add3A_815 = arith.addi %iota3A, %add3A_814 : vector<16xi32>
      %gather3A_816 = tpu.vector_load_idx %arg10[%add3A_815, %broadcast_in_dim3A_803] : memref<64x128xf32, #tpu.memory_space<vmem>>[vector<16xi32>, vector<16xi32>], vector<16xf32>,
      tpu.vector_store_idx %arg17[%add3A_815, %broadcast_in_dim3A_804], %gather3A_816 : memref<64x512xf32, #tpu.memory_space<vmem>>[vector<16xi32>, vector<16xi32>], vector<16xf32>,
      %add3A_817 = arith.constant 48 : i32
      %add3A_818 = vector.broadcast %add3A_817 : i32 to vector<16xi32>
      %add3A_819 = arith.addi %iota3A, %add3A_818 : vector<16xi32>
      %gather3A_820 = tpu.vector_load_idx %arg10[%add3A_819, %broadcast_in_dim3A_803] : memref<64x128xf32, #tpu.memory_space<vmem>>[vector<16xi32>, vector<16xi32>], vector<16xf32>,
      tpu.vector_store_idx %arg17[%add3A_819, %broadcast_in_dim3A_804], %gather3A_820 : memref<64x512xf32, #tpu.memory_space<vmem>>[vector<16xi32>, vector<16xi32>], vector<16xf32>,
      %slice3A_821 = vector.extract_strided_slice %get3A_15 {offsets = [10], sizes = [1], strides = [1]} : vector<16xi32> to vector<1xi32>
      %squeeze3A_822 = vector.extract %slice3A_821[0] : i32 from vector<1xi32>
      %shift_right_arithmetic3A_823 = arith.constant 7 : i32
      %shift_right_arithmetic3A_824 = arith.shrsi %squeeze3A_822, %shift_right_arithmetic3A_823 : i32
      %mul3A_825 = arith.constant 128 : i32
      %mul3A_826 = arith.muli %shift_right_arithmetic3A_824, %mul3A_825 : i32
      %multiple_of3A_827 = tpu.assume_multiple %mul3A_826, 128 : i32
      %dma_start3A_828 = arith.constant 0 : i32
      %dma_start3A_829 = tpu.memref_slice %arg3[%dma_start3A_828, %multiple_of3A_827] : memref<64x1000001xf32, #tpu.memory_space<hbm>> -> memref<64x128xf32, #tpu.memory_space<hbm>>
      %dma_start3A_830 = arith.constant 0 : i32
      %dma_start3A_831 = tpu.memref_slice %arg3[%dma_start3A_830, %multiple_of3A_827] : memref<64x1000001xf32, #tpu.memory_space<hbm>> -> memref<64x128xf32, #tpu.memory_space<hbm>>
      tpu.enqueue_dma source(%dma_start3A_831 : memref<64x128xf32, #tpu.memory_space<hbm>>) target(%arg10 : memref<64x128xf32, #tpu.memory_space<vmem>>) target_semaphore(%arg22 : memref<!tpu.dma_semaphore, #tpu.memory_space<semaphore_mem>>)
      %slice3A_832 = vector.extract_strided_slice %get3A_15 {offsets = [0], sizes = [1], strides = [1]} : vector<16xi32> to vector<1xi32>
      %squeeze3A_833 = vector.extract %slice3A_832[0] : i32 from vector<1xi32>
      %shift_right_arithmetic3A_834 = arith.constant 7 : i32
      %shift_right_arithmetic3A_835 = arith.shrsi %squeeze3A_833, %shift_right_arithmetic3A_834 : i32
      %mul3A_836 = arith.constant 128 : i32
      %mul3A_837 = arith.muli %shift_right_arithmetic3A_835, %mul3A_836 : i32
      %multiple_of3A_838 = tpu.assume_multiple %mul3A_837, 128 : i32
      %dma_wait3A_839 = arith.constant 0 : i32
      %dma_wait3A_840 = tpu.memref_slice %arg3[%dma_wait3A_839, %multiple_of3A_838] : memref<64x1000001xf32, #tpu.memory_space<hbm>> -> memref<64x128xf32, #tpu.memory_space<hbm>>
      %dma_wait3A_841 = arith.constant 0 : i32
      %dma_wait3A_842 = tpu.memref_slice %arg3[%dma_wait3A_841, %multiple_of3A_838] : memref<64x1000001xf32, #tpu.memory_space<hbm>> -> memref<64x128xf32, #tpu.memory_space<hbm>>
      tpu.wait_dma2 semaphore(%arg23 : memref<!tpu.dma_semaphore, #tpu.memory_space<semaphore_mem>>) src(%dma_wait3A_842 : memref<64x128xf32, #tpu.memory_space<hbm>>) dst(%arg11 : memref<64x128xf32, #tpu.memory_space<vmem>>)
      %add3A_843 = arith.constant 16 : i32
      %add3A_844 = arith.addi %mul3A_10, %add3A_843 : i32
      %and3A_845 = arith.constant 127 : i32
      %and3A_846 = arith.andi %squeeze3A_833, %and3A_845 : i32
      %broadcast_in_dim3A_847 = vector.broadcast %and3A_846 : i32 to vector<16xi32>
      %broadcast_in_dim3A_848 = vector.broadcast %add3A_844 : i32 to vector<16xi32>
      %add3A_849 = arith.constant 0 : i32
      %add3A_850 = vector.broadcast %add3A_849 : i32 to vector<16xi32>
      %add3A_851 = arith.addi %iota3A, %add3A_850 : vector<16xi32>
      %gather3A_852 = tpu.vector_load_idx %arg11[%add3A_851, %broadcast_in_dim3A_847] : memref<64x128xf32, #tpu.memory_space<vmem>>[vector<16xi32>, vector<16xi32>], vector<16xf32>,
      tpu.vector_store_idx %arg17[%add3A_851, %broadcast_in_dim3A_848], %gather3A_852 : memref<64x512xf32, #tpu.memory_space<vmem>>[vector<16xi32>, vector<16xi32>], vector<16xf32>,
      %add3A_853 = arith.constant 16 : i32
      %add3A_854 = vector.broadcast %add3A_853 : i32 to vector<16xi32>
      %add3A_855 = arith.addi %iota3A, %add3A_854 : vector<16xi32>
      %gather3A_856 = tpu.vector_load_idx %arg11[%add3A_855, %broadcast_in_dim3A_847] : memref<64x128xf32, #tpu.memory_space<vmem>>[vector<16xi32>, vector<16xi32>], vector<16xf32>,
      tpu.vector_store_idx %arg17[%add3A_855, %broadcast_in_dim3A_848], %gather3A_856 : memref<64x512xf32, #tpu.memory_space<vmem>>[vector<16xi32>, vector<16xi32>], vector<16xf32>,
      %add3A_857 = arith.constant 32 : i32
      %add3A_858 = vector.broadcast %add3A_857 : i32 to vector<16xi32>
      %add3A_859 = arith.addi %iota3A, %add3A_858 : vector<16xi32>
      %gather3A_860 = tpu.vector_load_idx %arg11[%add3A_859, %broadcast_in_dim3A_847] : memref<64x128xf32, #tpu.memory_space<vmem>>[vector<16xi32>, vector<16xi32>], vector<16xf32>,
      tpu.vector_store_idx %arg17[%add3A_859, %broadcast_in_dim3A_848], %gather3A_860 : memref<64x512xf32, #tpu.memory_space<vmem>>[vector<16xi32>, vector<16xi32>], vector<16xf32>,
      %add3A_861 = arith.constant 48 : i32
      %add3A_862 = vector.broadcast %add3A_861 : i32 to vector<16xi32>
      %add3A_863 = arith.addi %iota3A, %add3A_862 : vector<16xi32>
      %gather3A_864 = tpu.vector_load_idx %arg11[%add3A_863, %broadcast_in_dim3A_847] : memref<64x128xf32, #tpu.memory_space<vmem>>[vector<16xi32>, vector<16xi32>], vector<16xf32>,
      tpu.vector_store_idx %arg17[%add3A_863, %broadcast_in_dim3A_848], %gather3A_864 : memref<64x512xf32, #tpu.memory_space<vmem>>[vector<16xi32>, vector<16xi32>], vector<16xf32>,
      %slice3A_865 = vector.extract_strided_slice %get3A_15 {offsets = [11], sizes = [1], strides = [1]} : vector<16xi32> to vector<1xi32>
      %squeeze3A_866 = vector.extract %slice3A_865[0] : i32 from vector<1xi32>
      %shift_right_arithmetic3A_867 = arith.constant 7 : i32
      %shift_right_arithmetic3A_868 = arith.shrsi %squeeze3A_866, %shift_right_arithmetic3A_867 : i32
      %mul3A_869 = arith.constant 128 : i32
      %mul3A_870 = arith.muli %shift_right_arithmetic3A_868, %mul3A_869 : i32
      %multiple_of3A_871 = tpu.assume_multiple %mul3A_870, 128 : i32
      %dma_start3A_872 = arith.constant 0 : i32
      %dma_start3A_873 = tpu.memref_slice %arg3[%dma_start3A_872, %multiple_of3A_871] : memref<64x1000001xf32, #tpu.memory_space<hbm>> -> memref<64x128xf32, #tpu.memory_space<hbm>>
      %dma_start3A_874 = arith.constant 0 : i32
      %dma_start3A_875 = tpu.memref_slice %arg3[%dma_start3A_874, %multiple_of3A_871] : memref<64x1000001xf32, #tpu.memory_space<hbm>> -> memref<64x128xf32, #tpu.memory_space<hbm>>
      tpu.enqueue_dma source(%dma_start3A_875 : memref<64x128xf32, #tpu.memory_space<hbm>>) target(%arg11 : memref<64x128xf32, #tpu.memory_space<vmem>>) target_semaphore(%arg23 : memref<!tpu.dma_semaphore, #tpu.memory_space<semaphore_mem>>)
      %slice3A_876 = vector.extract_strided_slice %get3A_15 {offsets = [1], sizes = [1], strides = [1]} : vector<16xi32> to vector<1xi32>
      %squeeze3A_877 = vector.extract %slice3A_876[0] : i32 from vector<1xi32>
      %shift_right_arithmetic3A_878 = arith.constant 7 : i32
      %shift_right_arithmetic3A_879 = arith.shrsi %squeeze3A_877, %shift_right_arithmetic3A_878 : i32
      %mul3A_880 = arith.constant 128 : i32
      %mul3A_881 = arith.muli %shift_right_arithmetic3A_879, %mul3A_880 : i32
      %multiple_of3A_882 = tpu.assume_multiple %mul3A_881, 128 : i32
      %dma_wait3A_883 = arith.constant 0 : i32
      %dma_wait3A_884 = tpu.memref_slice %arg3[%dma_wait3A_883, %multiple_of3A_882] : memref<64x1000001xf32, #tpu.memory_space<hbm>> -> memref<64x128xf32, #tpu.memory_space<hbm>>
      %dma_wait3A_885 = arith.constant 0 : i32
      %dma_wait3A_886 = tpu.memref_slice %arg3[%dma_wait3A_885, %multiple_of3A_882] : memref<64x1000001xf32, #tpu.memory_space<hbm>> -> memref<64x128xf32, #tpu.memory_space<hbm>>
      tpu.wait_dma2 semaphore(%arg24 : memref<!tpu.dma_semaphore, #tpu.memory_space<semaphore_mem>>) src(%dma_wait3A_886 : memref<64x128xf32, #tpu.memory_space<hbm>>) dst(%arg12 : memref<64x128xf32, #tpu.memory_space<vmem>>)
      %add3A_887 = arith.constant 17 : i32
      %add3A_888 = arith.addi %mul3A_10, %add3A_887 : i32
      %and3A_889 = arith.constant 127 : i32
      %and3A_890 = arith.andi %squeeze3A_877, %and3A_889 : i32
      %broadcast_in_dim3A_891 = vector.broadcast %and3A_890 : i32 to vector<16xi32>
      %broadcast_in_dim3A_892 = vector.broadcast %add3A_888 : i32 to vector<16xi32>
      %add3A_893 = arith.constant 0 : i32
      %add3A_894 = vector.broadcast %add3A_893 : i32 to vector<16xi32>
      %add3A_895 = arith.addi %iota3A, %add3A_894 : vector<16xi32>
      %gather3A_896 = tpu.vector_load_idx %arg12[%add3A_895, %broadcast_in_dim3A_891] : memref<64x128xf32, #tpu.memory_space<vmem>>[vector<16xi32>, vector<16xi32>], vector<16xf32>,
      tpu.vector_store_idx %arg17[%add3A_895, %broadcast_in_dim3A_892], %gather3A_896 : memref<64x512xf32, #tpu.memory_space<vmem>>[vector<16xi32>, vector<16xi32>], vector<16xf32>,
      %add3A_897 = arith.constant 16 : i32
      %add3A_898 = vector.broadcast %add3A_897 : i32 to vector<16xi32>
      %add3A_899 = arith.addi %iota3A, %add3A_898 : vector<16xi32>
      %gather3A_900 = tpu.vector_load_idx %arg12[%add3A_899, %broadcast_in_dim3A_891] : memref<64x128xf32, #tpu.memory_space<vmem>>[vector<16xi32>, vector<16xi32>], vector<16xf32>,
      tpu.vector_store_idx %arg17[%add3A_899, %broadcast_in_dim3A_892], %gather3A_900 : memref<64x512xf32, #tpu.memory_space<vmem>>[vector<16xi32>, vector<16xi32>], vector<16xf32>,
      %add3A_901 = arith.constant 32 : i32
      %add3A_902 = vector.broadcast %add3A_901 : i32 to vector<16xi32>
      %add3A_903 = arith.addi %iota3A, %add3A_902 : vector<16xi32>
      %gather3A_904 = tpu.vector_load_idx %arg12[%add3A_903, %broadcast_in_dim3A_891] : memref<64x128xf32, #tpu.memory_space<vmem>>[vector<16xi32>, vector<16xi32>], vector<16xf32>,
      tpu.vector_store_idx %arg17[%add3A_903, %broadcast_in_dim3A_892], %gather3A_904 : memref<64x512xf32, #tpu.memory_space<vmem>>[vector<16xi32>, vector<16xi32>], vector<16xf32>,
      %add3A_905 = arith.constant 48 : i32
      %add3A_906 = vector.broadcast %add3A_905 : i32 to vector<16xi32>
      %add3A_907 = arith.addi %iota3A, %add3A_906 : vector<16xi32>
      %gather3A_908 = tpu.vector_load_idx %arg12[%add3A_907, %broadcast_in_dim3A_891] : memref<64x128xf32, #tpu.memory_space<vmem>>[vector<16xi32>, vector<16xi32>], vector<16xf32>,
      tpu.vector_store_idx %arg17[%add3A_907, %broadcast_in_dim3A_892], %gather3A_908 : memref<64x512xf32, #tpu.memory_space<vmem>>[vector<16xi32>, vector<16xi32>], vector<16xf32>,
      %slice3A_909 = vector.extract_strided_slice %get3A_15 {offsets = [12], sizes = [1], strides = [1]} : vector<16xi32> to vector<1xi32>
      %squeeze3A_910 = vector.extract %slice3A_909[0] : i32 from vector<1xi32>
      %shift_right_arithmetic3A_911 = arith.constant 7 : i32
      %shift_right_arithmetic3A_912 = arith.shrsi %squeeze3A_910, %shift_right_arithmetic3A_911 : i32
      %mul3A_913 = arith.constant 128 : i32
      %mul3A_914 = arith.muli %shift_right_arithmetic3A_912, %mul3A_913 : i32
      %multiple_of3A_915 = tpu.assume_multiple %mul3A_914, 128 : i32
      %dma_start3A_916 = arith.constant 0 : i32
      %dma_start3A_917 = tpu.memref_slice %arg3[%dma_start3A_916, %multiple_of3A_915] : memref<64x1000001xf32, #tpu.memory_space<hbm>> -> memref<64x128xf32, #tpu.memory_space<hbm>>
      %dma_start3A_918 = arith.constant 0 : i32
      %dma_start3A_919 = tpu.memref_slice %arg3[%dma_start3A_918, %multiple_of3A_915] : memref<64x1000001xf32, #tpu.memory_space<hbm>> -> memref<64x128xf32, #tpu.memory_space<hbm>>
      tpu.enqueue_dma source(%dma_start3A_919 : memref<64x128xf32, #tpu.memory_space<hbm>>) target(%arg12 : memref<64x128xf32, #tpu.memory_space<vmem>>) target_semaphore(%arg24 : memref<!tpu.dma_semaphore, #tpu.memory_space<semaphore_mem>>)
      %slice3A_920 = vector.extract_strided_slice %get3A_15 {offsets = [2], sizes = [1], strides = [1]} : vector<16xi32> to vector<1xi32>
      %squeeze3A_921 = vector.extract %slice3A_920[0] : i32 from vector<1xi32>
      %shift_right_arithmetic3A_922 = arith.constant 7 : i32
      %shift_right_arithmetic3A_923 = arith.shrsi %squeeze3A_921, %shift_right_arithmetic3A_922 : i32
      %mul3A_924 = arith.constant 128 : i32
      %mul3A_925 = arith.muli %shift_right_arithmetic3A_923, %mul3A_924 : i32
      %multiple_of3A_926 = tpu.assume_multiple %mul3A_925, 128 : i32
      %dma_wait3A_927 = arith.constant 0 : i32
      %dma_wait3A_928 = tpu.memref_slice %arg3[%dma_wait3A_927, %multiple_of3A_926] : memref<64x1000001xf32, #tpu.memory_space<hbm>> -> memref<64x128xf32, #tpu.memory_space<hbm>>
      %dma_wait3A_929 = arith.constant 0 : i32
      %dma_wait3A_930 = tpu.memref_slice %arg3[%dma_wait3A_929, %multiple_of3A_926] : memref<64x1000001xf32, #tpu.memory_space<hbm>> -> memref<64x128xf32, #tpu.memory_space<hbm>>
      tpu.wait_dma2 semaphore(%arg25 : memref<!tpu.dma_semaphore, #tpu.memory_space<semaphore_mem>>) src(%dma_wait3A_930 : memref<64x128xf32, #tpu.memory_space<hbm>>) dst(%arg13 : memref<64x128xf32, #tpu.memory_space<vmem>>)
      %add3A_931 = arith.constant 18 : i32
      %add3A_932 = arith.addi %mul3A_10, %add3A_931 : i32
      %and3A_933 = arith.constant 127 : i32
      %and3A_934 = arith.andi %squeeze3A_921, %and3A_933 : i32
      %broadcast_in_dim3A_935 = vector.broadcast %and3A_934 : i32 to vector<16xi32>
      %broadcast_in_dim3A_936 = vector.broadcast %add3A_932 : i32 to vector<16xi32>
      %add3A_937 = arith.constant 0 : i32
      %add3A_938 = vector.broadcast %add3A_937 : i32 to vector<16xi32>
      %add3A_939 = arith.addi %iota3A, %add3A_938 : vector<16xi32>
      %gather3A_940 = tpu.vector_load_idx %arg13[%add3A_939, %broadcast_in_dim3A_935] : memref<64x128xf32, #tpu.memory_space<vmem>>[vector<16xi32>, vector<16xi32>], vector<16xf32>,
      tpu.vector_store_idx %arg17[%add3A_939, %broadcast_in_dim3A_936], %gather3A_940 : memref<64x512xf32, #tpu.memory_space<vmem>>[vector<16xi32>, vector<16xi32>], vector<16xf32>,
      %add3A_941 = arith.constant 16 : i32
      %add3A_942 = vector.broadcast %add3A_941 : i32 to vector<16xi32>
      %add3A_943 = arith.addi %iota3A, %add3A_942 : vector<16xi32>
      %gather3A_944 = tpu.vector_load_idx %arg13[%add3A_943, %broadcast_in_dim3A_935] : memref<64x128xf32, #tpu.memory_space<vmem>>[vector<16xi32>, vector<16xi32>], vector<16xf32>,
      tpu.vector_store_idx %arg17[%add3A_943, %broadcast_in_dim3A_936], %gather3A_944 : memref<64x512xf32, #tpu.memory_space<vmem>>[vector<16xi32>, vector<16xi32>], vector<16xf32>,
      %add3A_945 = arith.constant 32 : i32
      %add3A_946 = vector.broadcast %add3A_945 : i32 to vector<16xi32>
      %add3A_947 = arith.addi %iota3A, %add3A_946 : vector<16xi32>
      %gather3A_948 = tpu.vector_load_idx %arg13[%add3A_947, %broadcast_in_dim3A_935] : memref<64x128xf32, #tpu.memory_space<vmem>>[vector<16xi32>, vector<16xi32>], vector<16xf32>,
      tpu.vector_store_idx %arg17[%add3A_947, %broadcast_in_dim3A_936], %gather3A_948 : memref<64x512xf32, #tpu.memory_space<vmem>>[vector<16xi32>, vector<16xi32>], vector<16xf32>,
      %add3A_949 = arith.constant 48 : i32
      %add3A_950 = vector.broadcast %add3A_949 : i32 to vector<16xi32>
      %add3A_951 = arith.addi %iota3A, %add3A_950 : vector<16xi32>
      %gather3A_952 = tpu.vector_load_idx %arg13[%add3A_951, %broadcast_in_dim3A_935] : memref<64x128xf32, #tpu.memory_space<vmem>>[vector<16xi32>, vector<16xi32>], vector<16xf32>,
      tpu.vector_store_idx %arg17[%add3A_951, %broadcast_in_dim3A_936], %gather3A_952 : memref<64x512xf32, #tpu.memory_space<vmem>>[vector<16xi32>, vector<16xi32>], vector<16xf32>,
      %slice3A_953 = vector.extract_strided_slice %get3A_15 {offsets = [13], sizes = [1], strides = [1]} : vector<16xi32> to vector<1xi32>
      %squeeze3A_954 = vector.extract %slice3A_953[0] : i32 from vector<1xi32>
      %shift_right_arithmetic3A_955 = arith.constant 7 : i32
      %shift_right_arithmetic3A_956 = arith.shrsi %squeeze3A_954, %shift_right_arithmetic3A_955 : i32
      %mul3A_957 = arith.constant 128 : i32
      %mul3A_958 = arith.muli %shift_right_arithmetic3A_956, %mul3A_957 : i32
      %multiple_of3A_959 = tpu.assume_multiple %mul3A_958, 128 : i32
      %dma_start3A_960 = arith.constant 0 : i32
      %dma_start3A_961 = tpu.memref_slice %arg3[%dma_start3A_960, %multiple_of3A_959] : memref<64x1000001xf32, #tpu.memory_space<hbm>> -> memref<64x128xf32, #tpu.memory_space<hbm>>
      %dma_start3A_962 = arith.constant 0 : i32
      %dma_start3A_963 = tpu.memref_slice %arg3[%dma_start3A_962, %multiple_of3A_959] : memref<64x1000001xf32, #tpu.memory_space<hbm>> -> memref<64x128xf32, #tpu.memory_space<hbm>>
      tpu.enqueue_dma source(%dma_start3A_963 : memref<64x128xf32, #tpu.memory_space<hbm>>) target(%arg13 : memref<64x128xf32, #tpu.memory_space<vmem>>) target_semaphore(%arg25 : memref<!tpu.dma_semaphore, #tpu.memory_space<semaphore_mem>>)
      %slice3A_964 = vector.extract_strided_slice %get3A_15 {offsets = [3], sizes = [1], strides = [1]} : vector<16xi32> to vector<1xi32>
      %squeeze3A_965 = vector.extract %slice3A_964[0] : i32 from vector<1xi32>
      %shift_right_arithmetic3A_966 = arith.constant 7 : i32
      %shift_right_arithmetic3A_967 = arith.shrsi %squeeze3A_965, %shift_right_arithmetic3A_966 : i32
      %mul3A_968 = arith.constant 128 : i32
      %mul3A_969 = arith.muli %shift_right_arithmetic3A_967, %mul3A_968 : i32
      %multiple_of3A_970 = tpu.assume_multiple %mul3A_969, 128 : i32
      %dma_wait3A_971 = arith.constant 0 : i32
      %dma_wait3A_972 = tpu.memref_slice %arg3[%dma_wait3A_971, %multiple_of3A_970] : memref<64x1000001xf32, #tpu.memory_space<hbm>> -> memref<64x128xf32, #tpu.memory_space<hbm>>
      %dma_wait3A_973 = arith.constant 0 : i32
      %dma_wait3A_974 = tpu.memref_slice %arg3[%dma_wait3A_973, %multiple_of3A_970] : memref<64x1000001xf32, #tpu.memory_space<hbm>> -> memref<64x128xf32, #tpu.memory_space<hbm>>
      tpu.wait_dma2 semaphore(%arg26 : memref<!tpu.dma_semaphore, #tpu.memory_space<semaphore_mem>>) src(%dma_wait3A_974 : memref<64x128xf32, #tpu.memory_space<hbm>>) dst(%arg14 : memref<64x128xf32, #tpu.memory_space<vmem>>)
      %add3A_975 = arith.constant 19 : i32
      %add3A_976 = arith.addi %mul3A_10, %add3A_975 : i32
      %and3A_977 = arith.constant 127 : i32
      %and3A_978 = arith.andi %squeeze3A_965, %and3A_977 : i32
      %broadcast_in_dim3A_979 = vector.broadcast %and3A_978 : i32 to vector<16xi32>
      %broadcast_in_dim3A_980 = vector.broadcast %add3A_976 : i32 to vector<16xi32>
      %add3A_981 = arith.constant 0 : i32
      %add3A_982 = vector.broadcast %add3A_981 : i32 to vector<16xi32>
      %add3A_983 = arith.addi %iota3A, %add3A_982 : vector<16xi32>
      %gather3A_984 = tpu.vector_load_idx %arg14[%add3A_983, %broadcast_in_dim3A_979] : memref<64x128xf32, #tpu.memory_space<vmem>>[vector<16xi32>, vector<16xi32>], vector<16xf32>,
      tpu.vector_store_idx %arg17[%add3A_983, %broadcast_in_dim3A_980], %gather3A_984 : memref<64x512xf32, #tpu.memory_space<vmem>>[vector<16xi32>, vector<16xi32>], vector<16xf32>,
      %add3A_985 = arith.constant 16 : i32
      %add3A_986 = vector.broadcast %add3A_985 : i32 to vector<16xi32>
      %add3A_987 = arith.addi %iota3A, %add3A_986 : vector<16xi32>
      %gather3A_988 = tpu.vector_load_idx %arg14[%add3A_987, %broadcast_in_dim3A_979] : memref<64x128xf32, #tpu.memory_space<vmem>>[vector<16xi32>, vector<16xi32>], vector<16xf32>,
      tpu.vector_store_idx %arg17[%add3A_987, %broadcast_in_dim3A_980], %gather3A_988 : memref<64x512xf32, #tpu.memory_space<vmem>>[vector<16xi32>, vector<16xi32>], vector<16xf32>,
      %add3A_989 = arith.constant 32 : i32
      %add3A_990 = vector.broadcast %add3A_989 : i32 to vector<16xi32>
      %add3A_991 = arith.addi %iota3A, %add3A_990 : vector<16xi32>
      %gather3A_992 = tpu.vector_load_idx %arg14[%add3A_991, %broadcast_in_dim3A_979] : memref<64x128xf32, #tpu.memory_space<vmem>>[vector<16xi32>, vector<16xi32>], vector<16xf32>,
      tpu.vector_store_idx %arg17[%add3A_991, %broadcast_in_dim3A_980], %gather3A_992 : memref<64x512xf32, #tpu.memory_space<vmem>>[vector<16xi32>, vector<16xi32>], vector<16xf32>,
      %add3A_993 = arith.constant 48 : i32
      %add3A_994 = vector.broadcast %add3A_993 : i32 to vector<16xi32>
      %add3A_995 = arith.addi %iota3A, %add3A_994 : vector<16xi32>
      %gather3A_996 = tpu.vector_load_idx %arg14[%add3A_995, %broadcast_in_dim3A_979] : memref<64x128xf32, #tpu.memory_space<vmem>>[vector<16xi32>, vector<16xi32>], vector<16xf32>,
      tpu.vector_store_idx %arg17[%add3A_995, %broadcast_in_dim3A_980], %gather3A_996 : memref<64x512xf32, #tpu.memory_space<vmem>>[vector<16xi32>, vector<16xi32>], vector<16xf32>,
      %slice3A_997 = vector.extract_strided_slice %get3A_15 {offsets = [14], sizes = [1], strides = [1]} : vector<16xi32> to vector<1xi32>
      %squeeze3A_998 = vector.extract %slice3A_997[0] : i32 from vector<1xi32>
      %shift_right_arithmetic3A_999 = arith.constant 7 : i32
      %shift_right_arithmetic3A_1000 = arith.shrsi %squeeze3A_998, %shift_right_arithmetic3A_999 : i32
      %mul3A_1001 = arith.constant 128 : i32
      %mul3A_1002 = arith.muli %shift_right_arithmetic3A_1000, %mul3A_1001 : i32
      %multiple_of3A_1003 = tpu.assume_multiple %mul3A_1002, 128 : i32
      %dma_start3A_1004 = arith.constant 0 : i32
      %dma_start3A_1005 = tpu.memref_slice %arg3[%dma_start3A_1004, %multiple_of3A_1003] : memref<64x1000001xf32, #tpu.memory_space<hbm>> -> memref<64x128xf32, #tpu.memory_space<hbm>>
      %dma_start3A_1006 = arith.constant 0 : i32
      %dma_start3A_1007 = tpu.memref_slice %arg3[%dma_start3A_1006, %multiple_of3A_1003] : memref<64x1000001xf32, #tpu.memory_space<hbm>> -> memref<64x128xf32, #tpu.memory_space<hbm>>
      tpu.enqueue_dma source(%dma_start3A_1007 : memref<64x128xf32, #tpu.memory_space<hbm>>) target(%arg14 : memref<64x128xf32, #tpu.memory_space<vmem>>) target_semaphore(%arg26 : memref<!tpu.dma_semaphore, #tpu.memory_space<semaphore_mem>>)
      %slice3A_1008 = vector.extract_strided_slice %get3A_15 {offsets = [4], sizes = [1], strides = [1]} : vector<16xi32> to vector<1xi32>
      %squeeze3A_1009 = vector.extract %slice3A_1008[0] : i32 from vector<1xi32>
      %shift_right_arithmetic3A_1010 = arith.constant 7 : i32
      %shift_right_arithmetic3A_1011 = arith.shrsi %squeeze3A_1009, %shift_right_arithmetic3A_1010 : i32
      %mul3A_1012 = arith.constant 128 : i32
      %mul3A_1013 = arith.muli %shift_right_arithmetic3A_1011, %mul3A_1012 : i32
      %multiple_of3A_1014 = tpu.assume_multiple %mul3A_1013, 128 : i32
      %dma_wait3A_1015 = arith.constant 0 : i32
      %dma_wait3A_1016 = tpu.memref_slice %arg3[%dma_wait3A_1015, %multiple_of3A_1014] : memref<64x1000001xf32, #tpu.memory_space<hbm>> -> memref<64x128xf32, #tpu.memory_space<hbm>>
      %dma_wait3A_1017 = arith.constant 0 : i32
      %dma_wait3A_1018 = tpu.memref_slice %arg3[%dma_wait3A_1017, %multiple_of3A_1014] : memref<64x1000001xf32, #tpu.memory_space<hbm>> -> memref<64x128xf32, #tpu.memory_space<hbm>>
      tpu.wait_dma2 semaphore(%arg27 : memref<!tpu.dma_semaphore, #tpu.memory_space<semaphore_mem>>) src(%dma_wait3A_1018 : memref<64x128xf32, #tpu.memory_space<hbm>>) dst(%arg15 : memref<64x128xf32, #tpu.memory_space<vmem>>)
      %add3A_1019 = arith.constant 20 : i32
      %add3A_1020 = arith.addi %mul3A_10, %add3A_1019 : i32
      %and3A_1021 = arith.constant 127 : i32
      %and3A_1022 = arith.andi %squeeze3A_1009, %and3A_1021 : i32
      %broadcast_in_dim3A_1023 = vector.broadcast %and3A_1022 : i32 to vector<16xi32>
      %broadcast_in_dim3A_1024 = vector.broadcast %add3A_1020 : i32 to vector<16xi32>
      %add3A_1025 = arith.constant 0 : i32
      %add3A_1026 = vector.broadcast %add3A_1025 : i32 to vector<16xi32>
      %add3A_1027 = arith.addi %iota3A, %add3A_1026 : vector<16xi32>
      %gather3A_1028 = tpu.vector_load_idx %arg15[%add3A_1027, %broadcast_in_dim3A_1023] : memref<64x128xf32, #tpu.memory_space<vmem>>[vector<16xi32>, vector<16xi32>], vector<16xf32>,
      tpu.vector_store_idx %arg17[%add3A_1027, %broadcast_in_dim3A_1024], %gather3A_1028 : memref<64x512xf32, #tpu.memory_space<vmem>>[vector<16xi32>, vector<16xi32>], vector<16xf32>,
      %add3A_1029 = arith.constant 16 : i32
      %add3A_1030 = vector.broadcast %add3A_1029 : i32 to vector<16xi32>
      %add3A_1031 = arith.addi %iota3A, %add3A_1030 : vector<16xi32>
      %gather3A_1032 = tpu.vector_load_idx %arg15[%add3A_1031, %broadcast_in_dim3A_1023] : memref<64x128xf32, #tpu.memory_space<vmem>>[vector<16xi32>, vector<16xi32>], vector<16xf32>,
      tpu.vector_store_idx %arg17[%add3A_1031, %broadcast_in_dim3A_1024], %gather3A_1032 : memref<64x512xf32, #tpu.memory_space<vmem>>[vector<16xi32>, vector<16xi32>], vector<16xf32>,
      %add3A_1033 = arith.constant 32 : i32
      %add3A_1034 = vector.broadcast %add3A_1033 : i32 to vector<16xi32>
      %add3A_1035 = arith.addi %iota3A, %add3A_1034 : vector<16xi32>
      %gather3A_1036 = tpu.vector_load_idx %arg15[%add3A_1035, %broadcast_in_dim3A_1023] : memref<64x128xf32, #tpu.memory_space<vmem>>[vector<16xi32>, vector<16xi32>], vector<16xf32>,
      tpu.vector_store_idx %arg17[%add3A_1035, %broadcast_in_dim3A_1024], %gather3A_1036 : memref<64x512xf32, #tpu.memory_space<vmem>>[vector<16xi32>, vector<16xi32>], vector<16xf32>,
      %add3A_1037 = arith.constant 48 : i32
      %add3A_1038 = vector.broadcast %add3A_1037 : i32 to vector<16xi32>
      %add3A_1039 = arith.addi %iota3A, %add3A_1038 : vector<16xi32>
      %gather3A_1040 = tpu.vector_load_idx %arg15[%add3A_1039, %broadcast_in_dim3A_1023] : memref<64x128xf32, #tpu.memory_space<vmem>>[vector<16xi32>, vector<16xi32>], vector<16xf32>,
      tpu.vector_store_idx %arg17[%add3A_1039, %broadcast_in_dim3A_1024], %gather3A_1040 : memref<64x512xf32, #tpu.memory_space<vmem>>[vector<16xi32>, vector<16xi32>], vector<16xf32>,
      %slice3A_1041 = vector.extract_strided_slice %get3A_15 {offsets = [15], sizes = [1], strides = [1]} : vector<16xi32> to vector<1xi32>
      %squeeze3A_1042 = vector.extract %slice3A_1041[0] : i32 from vector<1xi32>
      %shift_right_arithmetic3A_1043 = arith.constant 7 : i32
      %shift_right_arithmetic3A_1044 = arith.shrsi %squeeze3A_1042, %shift_right_arithmetic3A_1043 : i32
      %mul3A_1045 = arith.constant 128 : i32
      %mul3A_1046 = arith.muli %shift_right_arithmetic3A_1044, %mul3A_1045 : i32
      %multiple_of3A_1047 = tpu.assume_multiple %mul3A_1046, 128 : i32
      %dma_start3A_1048 = arith.constant 0 : i32
      %dma_start3A_1049 = tpu.memref_slice %arg3[%dma_start3A_1048, %multiple_of3A_1047] : memref<64x1000001xf32, #tpu.memory_space<hbm>> -> memref<64x128xf32, #tpu.memory_space<hbm>>
      %dma_start3A_1050 = arith.constant 0 : i32
      %dma_start3A_1051 = tpu.memref_slice %arg3[%dma_start3A_1050, %multiple_of3A_1047] : memref<64x1000001xf32, #tpu.memory_space<hbm>> -> memref<64x128xf32, #tpu.memory_space<hbm>>
      tpu.enqueue_dma source(%dma_start3A_1051 : memref<64x128xf32, #tpu.memory_space<hbm>>) target(%arg15 : memref<64x128xf32, #tpu.memory_space<vmem>>) target_semaphore(%arg27 : memref<!tpu.dma_semaphore, #tpu.memory_space<semaphore_mem>>)
      %slice3A_1052 = vector.extract_strided_slice %get3A_15 {offsets = [5], sizes = [1], strides = [1]} : vector<16xi32> to vector<1xi32>
      %squeeze3A_1053 = vector.extract %slice3A_1052[0] : i32 from vector<1xi32>
      %shift_right_arithmetic3A_1054 = arith.constant 7 : i32
      %shift_right_arithmetic3A_1055 = arith.shrsi %squeeze3A_1053, %shift_right_arithmetic3A_1054 : i32
      %mul3A_1056 = arith.constant 128 : i32
      %mul3A_1057 = arith.muli %shift_right_arithmetic3A_1055, %mul3A_1056 : i32
      %multiple_of3A_1058 = tpu.assume_multiple %mul3A_1057, 128 : i32
      %dma_wait3A_1059 = arith.constant 0 : i32
      %dma_wait3A_1060 = tpu.memref_slice %arg3[%dma_wait3A_1059, %multiple_of3A_1058] : memref<64x1000001xf32, #tpu.memory_space<hbm>> -> memref<64x128xf32, #tpu.memory_space<hbm>>
      %dma_wait3A_1061 = arith.constant 0 : i32
      %dma_wait3A_1062 = tpu.memref_slice %arg3[%dma_wait3A_1061, %multiple_of3A_1058] : memref<64x1000001xf32, #tpu.memory_space<hbm>> -> memref<64x128xf32, #tpu.memory_space<hbm>>
      tpu.wait_dma2 semaphore(%arg28 : memref<!tpu.dma_semaphore, #tpu.memory_space<semaphore_mem>>) src(%dma_wait3A_1062 : memref<64x128xf32, #tpu.memory_space<hbm>>) dst(%arg16 : memref<64x128xf32, #tpu.memory_space<vmem>>)
      %add3A_1063 = arith.constant 21 : i32
      %add3A_1064 = arith.addi %mul3A_10, %add3A_1063 : i32
      %and3A_1065 = arith.constant 127 : i32
      %and3A_1066 = arith.andi %squeeze3A_1053, %and3A_1065 : i32
      %broadcast_in_dim3A_1067 = vector.broadcast %and3A_1066 : i32 to vector<16xi32>
      %broadcast_in_dim3A_1068 = vector.broadcast %add3A_1064 : i32 to vector<16xi32>
      %add3A_1069 = arith.constant 0 : i32
      %add3A_1070 = vector.broadcast %add3A_1069 : i32 to vector<16xi32>
      %add3A_1071 = arith.addi %iota3A, %add3A_1070 : vector<16xi32>
      %gather3A_1072 = tpu.vector_load_idx %arg16[%add3A_1071, %broadcast_in_dim3A_1067] : memref<64x128xf32, #tpu.memory_space<vmem>>[vector<16xi32>, vector<16xi32>], vector<16xf32>,
      tpu.vector_store_idx %arg17[%add3A_1071, %broadcast_in_dim3A_1068], %gather3A_1072 : memref<64x512xf32, #tpu.memory_space<vmem>>[vector<16xi32>, vector<16xi32>], vector<16xf32>,
      %add3A_1073 = arith.constant 16 : i32
      %add3A_1074 = vector.broadcast %add3A_1073 : i32 to vector<16xi32>
      %add3A_1075 = arith.addi %iota3A, %add3A_1074 : vector<16xi32>
      %gather3A_1076 = tpu.vector_load_idx %arg16[%add3A_1075, %broadcast_in_dim3A_1067] : memref<64x128xf32, #tpu.memory_space<vmem>>[vector<16xi32>, vector<16xi32>], vector<16xf32>,
      tpu.vector_store_idx %arg17[%add3A_1075, %broadcast_in_dim3A_1068], %gather3A_1076 : memref<64x512xf32, #tpu.memory_space<vmem>>[vector<16xi32>, vector<16xi32>], vector<16xf32>,
      %add3A_1077 = arith.constant 32 : i32
      %add3A_1078 = vector.broadcast %add3A_1077 : i32 to vector<16xi32>
      %add3A_1079 = arith.addi %iota3A, %add3A_1078 : vector<16xi32>
      %gather3A_1080 = tpu.vector_load_idx %arg16[%add3A_1079, %broadcast_in_dim3A_1067] : memref<64x128xf32, #tpu.memory_space<vmem>>[vector<16xi32>, vector<16xi32>], vector<16xf32>,
      tpu.vector_store_idx %arg17[%add3A_1079, %broadcast_in_dim3A_1068], %gather3A_1080 : memref<64x512xf32, #tpu.memory_space<vmem>>[vector<16xi32>, vector<16xi32>], vector<16xf32>,
      %add3A_1081 = arith.constant 48 : i32
      %add3A_1082 = vector.broadcast %add3A_1081 : i32 to vector<16xi32>
      %add3A_1083 = arith.addi %iota3A, %add3A_1082 : vector<16xi32>
      %gather3A_1084 = tpu.vector_load_idx %arg16[%add3A_1083, %broadcast_in_dim3A_1067] : memref<64x128xf32, #tpu.memory_space<vmem>>[vector<16xi32>, vector<16xi32>], vector<16xf32>,
      tpu.vector_store_idx %arg17[%add3A_1083, %broadcast_in_dim3A_1068], %gather3A_1084 : memref<64x512xf32, #tpu.memory_space<vmem>>[vector<16xi32>, vector<16xi32>], vector<16xf32>,
      %slice3A_1085 = vector.extract_strided_slice %get3A_15 {offsets = [6], sizes = [1], strides = [1]} : vector<16xi32> to vector<1xi32>
      %squeeze3A_1086 = vector.extract %slice3A_1085[0] : i32 from vector<1xi32>
      %shift_right_arithmetic3A_1087 = arith.constant 7 : i32
      %shift_right_arithmetic3A_1088 = arith.shrsi %squeeze3A_1086, %shift_right_arithmetic3A_1087 : i32
      %mul3A_1089 = arith.constant 128 : i32
      %mul3A_1090 = arith.muli %shift_right_arithmetic3A_1088, %mul3A_1089 : i32
      %multiple_of3A_1091 = tpu.assume_multiple %mul3A_1090, 128 : i32
      %dma_wait3A_1092 = arith.constant 0 : i32
      %dma_wait3A_1093 = tpu.memref_slice %arg3[%dma_wait3A_1092, %multiple_of3A_1091] : memref<64x1000001xf32, #tpu.memory_space<hbm>> -> memref<64x128xf32, #tpu.memory_space<hbm>>
      %dma_wait3A_1094 = arith.constant 0 : i32
      %dma_wait3A_1095 = tpu.memref_slice %arg3[%dma_wait3A_1094, %multiple_of3A_1091] : memref<64x1000001xf32, #tpu.memory_space<hbm>> -> memref<64x128xf32, #tpu.memory_space<hbm>>
      tpu.wait_dma2 semaphore(%arg18 : memref<!tpu.dma_semaphore, #tpu.memory_space<semaphore_mem>>) src(%dma_wait3A_1095 : memref<64x128xf32, #tpu.memory_space<hbm>>) dst(%arg6 : memref<64x128xf32, #tpu.memory_space<vmem>>)
      %add3A_1096 = arith.constant 22 : i32
      %add3A_1097 = arith.addi %mul3A_10, %add3A_1096 : i32
      %and3A_1098 = arith.constant 127 : i32
      %and3A_1099 = arith.andi %squeeze3A_1086, %and3A_1098 : i32
      %broadcast_in_dim3A_1100 = vector.broadcast %and3A_1099 : i32 to vector<16xi32>
      %broadcast_in_dim3A_1101 = vector.broadcast %add3A_1097 : i32 to vector<16xi32>
      %add3A_1102 = arith.constant 0 : i32
      %add3A_1103 = vector.broadcast %add3A_1102 : i32 to vector<16xi32>
      %add3A_1104 = arith.addi %iota3A, %add3A_1103 : vector<16xi32>
      %gather3A_1105 = tpu.vector_load_idx %arg6[%add3A_1104, %broadcast_in_dim3A_1100] : memref<64x128xf32, #tpu.memory_space<vmem>>[vector<16xi32>, vector<16xi32>], vector<16xf32>,
      tpu.vector_store_idx %arg17[%add3A_1104, %broadcast_in_dim3A_1101], %gather3A_1105 : memref<64x512xf32, #tpu.memory_space<vmem>>[vector<16xi32>, vector<16xi32>], vector<16xf32>,
      %add3A_1106 = arith.constant 16 : i32
      %add3A_1107 = vector.broadcast %add3A_1106 : i32 to vector<16xi32>
      %add3A_1108 = arith.addi %iota3A, %add3A_1107 : vector<16xi32>
      %gather3A_1109 = tpu.vector_load_idx %arg6[%add3A_1108, %broadcast_in_dim3A_1100] : memref<64x128xf32, #tpu.memory_space<vmem>>[vector<16xi32>, vector<16xi32>], vector<16xf32>,
      tpu.vector_store_idx %arg17[%add3A_1108, %broadcast_in_dim3A_1101], %gather3A_1109 : memref<64x512xf32, #tpu.memory_space<vmem>>[vector<16xi32>, vector<16xi32>], vector<16xf32>,
      %add3A_1110 = arith.constant 32 : i32
      %add3A_1111 = vector.broadcast %add3A_1110 : i32 to vector<16xi32>
      %add3A_1112 = arith.addi %iota3A, %add3A_1111 : vector<16xi32>
      %gather3A_1113 = tpu.vector_load_idx %arg6[%add3A_1112, %broadcast_in_dim3A_1100] : memref<64x128xf32, #tpu.memory_space<vmem>>[vector<16xi32>, vector<16xi32>], vector<16xf32>,
      tpu.vector_store_idx %arg17[%add3A_1112, %broadcast_in_dim3A_1101], %gather3A_1113 : memref<64x512xf32, #tpu.memory_space<vmem>>[vector<16xi32>, vector<16xi32>], vector<16xf32>,
      %add3A_1114 = arith.constant 48 : i32
      %add3A_1115 = vector.broadcast %add3A_1114 : i32 to vector<16xi32>
      %add3A_1116 = arith.addi %iota3A, %add3A_1115 : vector<16xi32>
      %gather3A_1117 = tpu.vector_load_idx %arg6[%add3A_1116, %broadcast_in_dim3A_1100] : memref<64x128xf32, #tpu.memory_space<vmem>>[vector<16xi32>, vector<16xi32>], vector<16xf32>,
      tpu.vector_store_idx %arg17[%add3A_1116, %broadcast_in_dim3A_1101], %gather3A_1117 : memref<64x512xf32, #tpu.memory_space<vmem>>[vector<16xi32>, vector<16xi32>], vector<16xf32>,
      %slice3A_1118 = vector.extract_strided_slice %get3A_15 {offsets = [7], sizes = [1], strides = [1]} : vector<16xi32> to vector<1xi32>
      %squeeze3A_1119 = vector.extract %slice3A_1118[0] : i32 from vector<1xi32>
      %shift_right_arithmetic3A_1120 = arith.constant 7 : i32
      %shift_right_arithmetic3A_1121 = arith.shrsi %squeeze3A_1119, %shift_right_arithmetic3A_1120 : i32
      %mul3A_1122 = arith.constant 128 : i32
      %mul3A_1123 = arith.muli %shift_right_arithmetic3A_1121, %mul3A_1122 : i32
      %multiple_of3A_1124 = tpu.assume_multiple %mul3A_1123, 128 : i32
      %dma_wait3A_1125 = arith.constant 0 : i32
      %dma_wait3A_1126 = tpu.memref_slice %arg3[%dma_wait3A_1125, %multiple_of3A_1124] : memref<64x1000001xf32, #tpu.memory_space<hbm>> -> memref<64x128xf32, #tpu.memory_space<hbm>>
      %dma_wait3A_1127 = arith.constant 0 : i32
      %dma_wait3A_1128 = tpu.memref_slice %arg3[%dma_wait3A_1127, %multiple_of3A_1124] : memref<64x1000001xf32, #tpu.memory_space<hbm>> -> memref<64x128xf32, #tpu.memory_space<hbm>>
      tpu.wait_dma2 semaphore(%arg19 : memref<!tpu.dma_semaphore, #tpu.memory_space<semaphore_mem>>) src(%dma_wait3A_1128 : memref<64x128xf32, #tpu.memory_space<hbm>>) dst(%arg7 : memref<64x128xf32, #tpu.memory_space<vmem>>)
      %add3A_1129 = arith.constant 23 : i32
      %add3A_1130 = arith.addi %mul3A_10, %add3A_1129 : i32
      %and3A_1131 = arith.constant 127 : i32
      %and3A_1132 = arith.andi %squeeze3A_1119, %and3A_1131 : i32
      %broadcast_in_dim3A_1133 = vector.broadcast %and3A_1132 : i32 to vector<16xi32>
      %broadcast_in_dim3A_1134 = vector.broadcast %add3A_1130 : i32 to vector<16xi32>
      %add3A_1135 = arith.constant 0 : i32
      %add3A_1136 = vector.broadcast %add3A_1135 : i32 to vector<16xi32>
      %add3A_1137 = arith.addi %iota3A, %add3A_1136 : vector<16xi32>
      %gather3A_1138 = tpu.vector_load_idx %arg7[%add3A_1137, %broadcast_in_dim3A_1133] : memref<64x128xf32, #tpu.memory_space<vmem>>[vector<16xi32>, vector<16xi32>], vector<16xf32>,
      tpu.vector_store_idx %arg17[%add3A_1137, %broadcast_in_dim3A_1134], %gather3A_1138 : memref<64x512xf32, #tpu.memory_space<vmem>>[vector<16xi32>, vector<16xi32>], vector<16xf32>,
      %add3A_1139 = arith.constant 16 : i32
      %add3A_1140 = vector.broadcast %add3A_1139 : i32 to vector<16xi32>
      %add3A_1141 = arith.addi %iota3A, %add3A_1140 : vector<16xi32>
      %gather3A_1142 = tpu.vector_load_idx %arg7[%add3A_1141, %broadcast_in_dim3A_1133] : memref<64x128xf32, #tpu.memory_space<vmem>>[vector<16xi32>, vector<16xi32>], vector<16xf32>,
      tpu.vector_store_idx %arg17[%add3A_1141, %broadcast_in_dim3A_1134], %gather3A_1142 : memref<64x512xf32, #tpu.memory_space<vmem>>[vector<16xi32>, vector<16xi32>], vector<16xf32>,
      %add3A_1143 = arith.constant 32 : i32
      %add3A_1144 = vector.broadcast %add3A_1143 : i32 to vector<16xi32>
      %add3A_1145 = arith.addi %iota3A, %add3A_1144 : vector<16xi32>
      %gather3A_1146 = tpu.vector_load_idx %arg7[%add3A_1145, %broadcast_in_dim3A_1133] : memref<64x128xf32, #tpu.memory_space<vmem>>[vector<16xi32>, vector<16xi32>], vector<16xf32>,
      tpu.vector_store_idx %arg17[%add3A_1145, %broadcast_in_dim3A_1134], %gather3A_1146 : memref<64x512xf32, #tpu.memory_space<vmem>>[vector<16xi32>, vector<16xi32>], vector<16xf32>,
      %add3A_1147 = arith.constant 48 : i32
      %add3A_1148 = vector.broadcast %add3A_1147 : i32 to vector<16xi32>
      %add3A_1149 = arith.addi %iota3A, %add3A_1148 : vector<16xi32>
      %gather3A_1150 = tpu.vector_load_idx %arg7[%add3A_1149, %broadcast_in_dim3A_1133] : memref<64x128xf32, #tpu.memory_space<vmem>>[vector<16xi32>, vector<16xi32>], vector<16xf32>,
      tpu.vector_store_idx %arg17[%add3A_1149, %broadcast_in_dim3A_1134], %gather3A_1150 : memref<64x512xf32, #tpu.memory_space<vmem>>[vector<16xi32>, vector<16xi32>], vector<16xf32>,
      %slice3A_1151 = vector.extract_strided_slice %get3A_15 {offsets = [8], sizes = [1], strides = [1]} : vector<16xi32> to vector<1xi32>
      %squeeze3A_1152 = vector.extract %slice3A_1151[0] : i32 from vector<1xi32>
      %shift_right_arithmetic3A_1153 = arith.constant 7 : i32
      %shift_right_arithmetic3A_1154 = arith.shrsi %squeeze3A_1152, %shift_right_arithmetic3A_1153 : i32
      %mul3A_1155 = arith.constant 128 : i32
      %mul3A_1156 = arith.muli %shift_right_arithmetic3A_1154, %mul3A_1155 : i32
      %multiple_of3A_1157 = tpu.assume_multiple %mul3A_1156, 128 : i32
      %dma_wait3A_1158 = arith.constant 0 : i32
      %dma_wait3A_1159 = tpu.memref_slice %arg3[%dma_wait3A_1158, %multiple_of3A_1157] : memref<64x1000001xf32, #tpu.memory_space<hbm>> -> memref<64x128xf32, #tpu.memory_space<hbm>>
      %dma_wait3A_1160 = arith.constant 0 : i32
      %dma_wait3A_1161 = tpu.memref_slice %arg3[%dma_wait3A_1160, %multiple_of3A_1157] : memref<64x1000001xf32, #tpu.memory_space<hbm>> -> memref<64x128xf32, #tpu.memory_space<hbm>>
      tpu.wait_dma2 semaphore(%arg20 : memref<!tpu.dma_semaphore, #tpu.memory_space<semaphore_mem>>) src(%dma_wait3A_1161 : memref<64x128xf32, #tpu.memory_space<hbm>>) dst(%arg8 : memref<64x128xf32, #tpu.memory_space<vmem>>)
      %add3A_1162 = arith.constant 24 : i32
      %add3A_1163 = arith.addi %mul3A_10, %add3A_1162 : i32
      %and3A_1164 = arith.constant 127 : i32
      %and3A_1165 = arith.andi %squeeze3A_1152, %and3A_1164 : i32
      %broadcast_in_dim3A_1166 = vector.broadcast %and3A_1165 : i32 to vector<16xi32>
      %broadcast_in_dim3A_1167 = vector.broadcast %add3A_1163 : i32 to vector<16xi32>
      %add3A_1168 = arith.constant 0 : i32
      %add3A_1169 = vector.broadcast %add3A_1168 : i32 to vector<16xi32>
      %add3A_1170 = arith.addi %iota3A, %add3A_1169 : vector<16xi32>
      %gather3A_1171 = tpu.vector_load_idx %arg8[%add3A_1170, %broadcast_in_dim3A_1166] : memref<64x128xf32, #tpu.memory_space<vmem>>[vector<16xi32>, vector<16xi32>], vector<16xf32>,
      tpu.vector_store_idx %arg17[%add3A_1170, %broadcast_in_dim3A_1167], %gather3A_1171 : memref<64x512xf32, #tpu.memory_space<vmem>>[vector<16xi32>, vector<16xi32>], vector<16xf32>,
      %add3A_1172 = arith.constant 16 : i32
      %add3A_1173 = vector.broadcast %add3A_1172 : i32 to vector<16xi32>
      %add3A_1174 = arith.addi %iota3A, %add3A_1173 : vector<16xi32>
      %gather3A_1175 = tpu.vector_load_idx %arg8[%add3A_1174, %broadcast_in_dim3A_1166] : memref<64x128xf32, #tpu.memory_space<vmem>>[vector<16xi32>, vector<16xi32>], vector<16xf32>,
      tpu.vector_store_idx %arg17[%add3A_1174, %broadcast_in_dim3A_1167], %gather3A_1175 : memref<64x512xf32, #tpu.memory_space<vmem>>[vector<16xi32>, vector<16xi32>], vector<16xf32>,
      %add3A_1176 = arith.constant 32 : i32
      %add3A_1177 = vector.broadcast %add3A_1176 : i32 to vector<16xi32>
      %add3A_1178 = arith.addi %iota3A, %add3A_1177 : vector<16xi32>
      %gather3A_1179 = tpu.vector_load_idx %arg8[%add3A_1178, %broadcast_in_dim3A_1166] : memref<64x128xf32, #tpu.memory_space<vmem>>[vector<16xi32>, vector<16xi32>], vector<16xf32>,
      tpu.vector_store_idx %arg17[%add3A_1178, %broadcast_in_dim3A_1167], %gather3A_1179 : memref<64x512xf32, #tpu.memory_space<vmem>>[vector<16xi32>, vector<16xi32>], vector<16xf32>,
      %add3A_1180 = arith.constant 48 : i32
      %add3A_1181 = vector.broadcast %add3A_1180 : i32 to vector<16xi32>
      %add3A_1182 = arith.addi %iota3A, %add3A_1181 : vector<16xi32>
      %gather3A_1183 = tpu.vector_load_idx %arg8[%add3A_1182, %broadcast_in_dim3A_1166] : memref<64x128xf32, #tpu.memory_space<vmem>>[vector<16xi32>, vector<16xi32>], vector<16xf32>,
      tpu.vector_store_idx %arg17[%add3A_1182, %broadcast_in_dim3A_1167], %gather3A_1183 : memref<64x512xf32, #tpu.memory_space<vmem>>[vector<16xi32>, vector<16xi32>], vector<16xf32>,
      %slice3A_1184 = vector.extract_strided_slice %get3A_15 {offsets = [9], sizes = [1], strides = [1]} : vector<16xi32> to vector<1xi32>
      %squeeze3A_1185 = vector.extract %slice3A_1184[0] : i32 from vector<1xi32>
      %shift_right_arithmetic3A_1186 = arith.constant 7 : i32
      %shift_right_arithmetic3A_1187 = arith.shrsi %squeeze3A_1185, %shift_right_arithmetic3A_1186 : i32
      %mul3A_1188 = arith.constant 128 : i32
      %mul3A_1189 = arith.muli %shift_right_arithmetic3A_1187, %mul3A_1188 : i32
      %multiple_of3A_1190 = tpu.assume_multiple %mul3A_1189, 128 : i32
      %dma_wait3A_1191 = arith.constant 0 : i32
      %dma_wait3A_1192 = tpu.memref_slice %arg3[%dma_wait3A_1191, %multiple_of3A_1190] : memref<64x1000001xf32, #tpu.memory_space<hbm>> -> memref<64x128xf32, #tpu.memory_space<hbm>>
      %dma_wait3A_1193 = arith.constant 0 : i32
      %dma_wait3A_1194 = tpu.memref_slice %arg3[%dma_wait3A_1193, %multiple_of3A_1190] : memref<64x1000001xf32, #tpu.memory_space<hbm>> -> memref<64x128xf32, #tpu.memory_space<hbm>>
      tpu.wait_dma2 semaphore(%arg21 : memref<!tpu.dma_semaphore, #tpu.memory_space<semaphore_mem>>) src(%dma_wait3A_1194 : memref<64x128xf32, #tpu.memory_space<hbm>>) dst(%arg9 : memref<64x128xf32, #tpu.memory_space<vmem>>)
      %add3A_1195 = arith.constant 25 : i32
      %add3A_1196 = arith.addi %mul3A_10, %add3A_1195 : i32
      %and3A_1197 = arith.constant 127 : i32
      %and3A_1198 = arith.andi %squeeze3A_1185, %and3A_1197 : i32
      %broadcast_in_dim3A_1199 = vector.broadcast %and3A_1198 : i32 to vector<16xi32>
      %broadcast_in_dim3A_1200 = vector.broadcast %add3A_1196 : i32 to vector<16xi32>
      %add3A_1201 = arith.constant 0 : i32
      %add3A_1202 = vector.broadcast %add3A_1201 : i32 to vector<16xi32>
      %add3A_1203 = arith.addi %iota3A, %add3A_1202 : vector<16xi32>
      %gather3A_1204 = tpu.vector_load_idx %arg9[%add3A_1203, %broadcast_in_dim3A_1199] : memref<64x128xf32, #tpu.memory_space<vmem>>[vector<16xi32>, vector<16xi32>], vector<16xf32>,
      tpu.vector_store_idx %arg17[%add3A_1203, %broadcast_in_dim3A_1200], %gather3A_1204 : memref<64x512xf32, #tpu.memory_space<vmem>>[vector<16xi32>, vector<16xi32>], vector<16xf32>,
      %add3A_1205 = arith.constant 16 : i32
      %add3A_1206 = vector.broadcast %add3A_1205 : i32 to vector<16xi32>
      %add3A_1207 = arith.addi %iota3A, %add3A_1206 : vector<16xi32>
      %gather3A_1208 = tpu.vector_load_idx %arg9[%add3A_1207, %broadcast_in_dim3A_1199] : memref<64x128xf32, #tpu.memory_space<vmem>>[vector<16xi32>, vector<16xi32>], vector<16xf32>,
      tpu.vector_store_idx %arg17[%add3A_1207, %broadcast_in_dim3A_1200], %gather3A_1208 : memref<64x512xf32, #tpu.memory_space<vmem>>[vector<16xi32>, vector<16xi32>], vector<16xf32>,
      %add3A_1209 = arith.constant 32 : i32
      %add3A_1210 = vector.broadcast %add3A_1209 : i32 to vector<16xi32>
      %add3A_1211 = arith.addi %iota3A, %add3A_1210 : vector<16xi32>
      %gather3A_1212 = tpu.vector_load_idx %arg9[%add3A_1211, %broadcast_in_dim3A_1199] : memref<64x128xf32, #tpu.memory_space<vmem>>[vector<16xi32>, vector<16xi32>], vector<16xf32>,
      tpu.vector_store_idx %arg17[%add3A_1211, %broadcast_in_dim3A_1200], %gather3A_1212 : memref<64x512xf32, #tpu.memory_space<vmem>>[vector<16xi32>, vector<16xi32>], vector<16xf32>,
      %add3A_1213 = arith.constant 48 : i32
      %add3A_1214 = vector.broadcast %add3A_1213 : i32 to vector<16xi32>
      %add3A_1215 = arith.addi %iota3A, %add3A_1214 : vector<16xi32>
      %gather3A_1216 = tpu.vector_load_idx %arg9[%add3A_1215, %broadcast_in_dim3A_1199] : memref<64x128xf32, #tpu.memory_space<vmem>>[vector<16xi32>, vector<16xi32>], vector<16xf32>,
      tpu.vector_store_idx %arg17[%add3A_1215, %broadcast_in_dim3A_1200], %gather3A_1216 : memref<64x512xf32, #tpu.memory_space<vmem>>[vector<16xi32>, vector<16xi32>], vector<16xf32>,
      %slice3A_1217 = vector.extract_strided_slice %get3A_15 {offsets = [10], sizes = [1], strides = [1]} : vector<16xi32> to vector<1xi32>
      %squeeze3A_1218 = vector.extract %slice3A_1217[0] : i32 from vector<1xi32>
      %shift_right_arithmetic3A_1219 = arith.constant 7 : i32
      %shift_right_arithmetic3A_1220 = arith.shrsi %squeeze3A_1218, %shift_right_arithmetic3A_1219 : i32
      %mul3A_1221 = arith.constant 128 : i32
      %mul3A_1222 = arith.muli %shift_right_arithmetic3A_1220, %mul3A_1221 : i32
      %multiple_of3A_1223 = tpu.assume_multiple %mul3A_1222, 128 : i32
      %dma_wait3A_1224 = arith.constant 0 : i32
      %dma_wait3A_1225 = tpu.memref_slice %arg3[%dma_wait3A_1224, %multiple_of3A_1223] : memref<64x1000001xf32, #tpu.memory_space<hbm>> -> memref<64x128xf32, #tpu.memory_space<hbm>>
      %dma_wait3A_1226 = arith.constant 0 : i32
      %dma_wait3A_1227 = tpu.memref_slice %arg3[%dma_wait3A_1226, %multiple_of3A_1223] : memref<64x1000001xf32, #tpu.memory_space<hbm>> -> memref<64x128xf32, #tpu.memory_space<hbm>>
      tpu.wait_dma2 semaphore(%arg22 : memref<!tpu.dma_semaphore, #tpu.memory_space<semaphore_mem>>) src(%dma_wait3A_1227 : memref<64x128xf32, #tpu.memory_space<hbm>>) dst(%arg10 : memref<64x128xf32, #tpu.memory_space<vmem>>)
      %add3A_1228 = arith.constant 26 : i32
      %add3A_1229 = arith.addi %mul3A_10, %add3A_1228 : i32
      %and3A_1230 = arith.constant 127 : i32
      %and3A_1231 = arith.andi %squeeze3A_1218, %and3A_1230 : i32
      %broadcast_in_dim3A_1232 = vector.broadcast %and3A_1231 : i32 to vector<16xi32>
      %broadcast_in_dim3A_1233 = vector.broadcast %add3A_1229 : i32 to vector<16xi32>
      %add3A_1234 = arith.constant 0 : i32
      %add3A_1235 = vector.broadcast %add3A_1234 : i32 to vector<16xi32>
      %add3A_1236 = arith.addi %iota3A, %add3A_1235 : vector<16xi32>
      %gather3A_1237 = tpu.vector_load_idx %arg10[%add3A_1236, %broadcast_in_dim3A_1232] : memref<64x128xf32, #tpu.memory_space<vmem>>[vector<16xi32>, vector<16xi32>], vector<16xf32>,
      tpu.vector_store_idx %arg17[%add3A_1236, %broadcast_in_dim3A_1233], %gather3A_1237 : memref<64x512xf32, #tpu.memory_space<vmem>>[vector<16xi32>, vector<16xi32>], vector<16xf32>,
      %add3A_1238 = arith.constant 16 : i32
      %add3A_1239 = vector.broadcast %add3A_1238 : i32 to vector<16xi32>
      %add3A_1240 = arith.addi %iota3A, %add3A_1239 : vector<16xi32>
      %gather3A_1241 = tpu.vector_load_idx %arg10[%add3A_1240, %broadcast_in_dim3A_1232] : memref<64x128xf32, #tpu.memory_space<vmem>>[vector<16xi32>, vector<16xi32>], vector<16xf32>,
      tpu.vector_store_idx %arg17[%add3A_1240, %broadcast_in_dim3A_1233], %gather3A_1241 : memref<64x512xf32, #tpu.memory_space<vmem>>[vector<16xi32>, vector<16xi32>], vector<16xf32>,
      %add3A_1242 = arith.constant 32 : i32
      %add3A_1243 = vector.broadcast %add3A_1242 : i32 to vector<16xi32>
      %add3A_1244 = arith.addi %iota3A, %add3A_1243 : vector<16xi32>
      %gather3A_1245 = tpu.vector_load_idx %arg10[%add3A_1244, %broadcast_in_dim3A_1232] : memref<64x128xf32, #tpu.memory_space<vmem>>[vector<16xi32>, vector<16xi32>], vector<16xf32>,
      tpu.vector_store_idx %arg17[%add3A_1244, %broadcast_in_dim3A_1233], %gather3A_1245 : memref<64x512xf32, #tpu.memory_space<vmem>>[vector<16xi32>, vector<16xi32>], vector<16xf32>,
      %add3A_1246 = arith.constant 48 : i32
      %add3A_1247 = vector.broadcast %add3A_1246 : i32 to vector<16xi32>
      %add3A_1248 = arith.addi %iota3A, %add3A_1247 : vector<16xi32>
      %gather3A_1249 = tpu.vector_load_idx %arg10[%add3A_1248, %broadcast_in_dim3A_1232] : memref<64x128xf32, #tpu.memory_space<vmem>>[vector<16xi32>, vector<16xi32>], vector<16xf32>,
      tpu.vector_store_idx %arg17[%add3A_1248, %broadcast_in_dim3A_1233], %gather3A_1249 : memref<64x512xf32, #tpu.memory_space<vmem>>[vector<16xi32>, vector<16xi32>], vector<16xf32>,
      %slice3A_1250 = vector.extract_strided_slice %get3A_15 {offsets = [11], sizes = [1], strides = [1]} : vector<16xi32> to vector<1xi32>
      %squeeze3A_1251 = vector.extract %slice3A_1250[0] : i32 from vector<1xi32>
      %shift_right_arithmetic3A_1252 = arith.constant 7 : i32
      %shift_right_arithmetic3A_1253 = arith.shrsi %squeeze3A_1251, %shift_right_arithmetic3A_1252 : i32
      %mul3A_1254 = arith.constant 128 : i32
      %mul3A_1255 = arith.muli %shift_right_arithmetic3A_1253, %mul3A_1254 : i32
      %multiple_of3A_1256 = tpu.assume_multiple %mul3A_1255, 128 : i32
      %dma_wait3A_1257 = arith.constant 0 : i32
      %dma_wait3A_1258 = tpu.memref_slice %arg3[%dma_wait3A_1257, %multiple_of3A_1256] : memref<64x1000001xf32, #tpu.memory_space<hbm>> -> memref<64x128xf32, #tpu.memory_space<hbm>>
      %dma_wait3A_1259 = arith.constant 0 : i32
      %dma_wait3A_1260 = tpu.memref_slice %arg3[%dma_wait3A_1259, %multiple_of3A_1256] : memref<64x1000001xf32, #tpu.memory_space<hbm>> -> memref<64x128xf32, #tpu.memory_space<hbm>>
      tpu.wait_dma2 semaphore(%arg23 : memref<!tpu.dma_semaphore, #tpu.memory_space<semaphore_mem>>) src(%dma_wait3A_1260 : memref<64x128xf32, #tpu.memory_space<hbm>>) dst(%arg11 : memref<64x128xf32, #tpu.memory_space<vmem>>)
      %add3A_1261 = arith.constant 27 : i32
      %add3A_1262 = arith.addi %mul3A_10, %add3A_1261 : i32
      %and3A_1263 = arith.constant 127 : i32
      %and3A_1264 = arith.andi %squeeze3A_1251, %and3A_1263 : i32
      %broadcast_in_dim3A_1265 = vector.broadcast %and3A_1264 : i32 to vector<16xi32>
      %broadcast_in_dim3A_1266 = vector.broadcast %add3A_1262 : i32 to vector<16xi32>
      %add3A_1267 = arith.constant 0 : i32
      %add3A_1268 = vector.broadcast %add3A_1267 : i32 to vector<16xi32>
      %add3A_1269 = arith.addi %iota3A, %add3A_1268 : vector<16xi32>
      %gather3A_1270 = tpu.vector_load_idx %arg11[%add3A_1269, %broadcast_in_dim3A_1265] : memref<64x128xf32, #tpu.memory_space<vmem>>[vector<16xi32>, vector<16xi32>], vector<16xf32>,
      tpu.vector_store_idx %arg17[%add3A_1269, %broadcast_in_dim3A_1266], %gather3A_1270 : memref<64x512xf32, #tpu.memory_space<vmem>>[vector<16xi32>, vector<16xi32>], vector<16xf32>,
      %add3A_1271 = arith.constant 16 : i32
      %add3A_1272 = vector.broadcast %add3A_1271 : i32 to vector<16xi32>
      %add3A_1273 = arith.addi %iota3A, %add3A_1272 : vector<16xi32>
      %gather3A_1274 = tpu.vector_load_idx %arg11[%add3A_1273, %broadcast_in_dim3A_1265] : memref<64x128xf32, #tpu.memory_space<vmem>>[vector<16xi32>, vector<16xi32>], vector<16xf32>,
      tpu.vector_store_idx %arg17[%add3A_1273, %broadcast_in_dim3A_1266], %gather3A_1274 : memref<64x512xf32, #tpu.memory_space<vmem>>[vector<16xi32>, vector<16xi32>], vector<16xf32>,
      %add3A_1275 = arith.constant 32 : i32
      %add3A_1276 = vector.broadcast %add3A_1275 : i32 to vector<16xi32>
      %add3A_1277 = arith.addi %iota3A, %add3A_1276 : vector<16xi32>
      %gather3A_1278 = tpu.vector_load_idx %arg11[%add3A_1277, %broadcast_in_dim3A_1265] : memref<64x128xf32, #tpu.memory_space<vmem>>[vector<16xi32>, vector<16xi32>], vector<16xf32>,
      tpu.vector_store_idx %arg17[%add3A_1277, %broadcast_in_dim3A_1266], %gather3A_1278 : memref<64x512xf32, #tpu.memory_space<vmem>>[vector<16xi32>, vector<16xi32>], vector<16xf32>,
      %add3A_1279 = arith.constant 48 : i32
      %add3A_1280 = vector.broadcast %add3A_1279 : i32 to vector<16xi32>
      %add3A_1281 = arith.addi %iota3A, %add3A_1280 : vector<16xi32>
      %gather3A_1282 = tpu.vector_load_idx %arg11[%add3A_1281, %broadcast_in_dim3A_1265] : memref<64x128xf32, #tpu.memory_space<vmem>>[vector<16xi32>, vector<16xi32>], vector<16xf32>,
      tpu.vector_store_idx %arg17[%add3A_1281, %broadcast_in_dim3A_1266], %gather3A_1282 : memref<64x512xf32, #tpu.memory_space<vmem>>[vector<16xi32>, vector<16xi32>], vector<16xf32>,
      %slice3A_1283 = vector.extract_strided_slice %get3A_15 {offsets = [12], sizes = [1], strides = [1]} : vector<16xi32> to vector<1xi32>
      %squeeze3A_1284 = vector.extract %slice3A_1283[0] : i32 from vector<1xi32>
      %shift_right_arithmetic3A_1285 = arith.constant 7 : i32
      %shift_right_arithmetic3A_1286 = arith.shrsi %squeeze3A_1284, %shift_right_arithmetic3A_1285 : i32
      %mul3A_1287 = arith.constant 128 : i32
      %mul3A_1288 = arith.muli %shift_right_arithmetic3A_1286, %mul3A_1287 : i32
      %multiple_of3A_1289 = tpu.assume_multiple %mul3A_1288, 128 : i32
      %dma_wait3A_1290 = arith.constant 0 : i32
      %dma_wait3A_1291 = tpu.memref_slice %arg3[%dma_wait3A_1290, %multiple_of3A_1289] : memref<64x1000001xf32, #tpu.memory_space<hbm>> -> memref<64x128xf32, #tpu.memory_space<hbm>>
      %dma_wait3A_1292 = arith.constant 0 : i32
      %dma_wait3A_1293 = tpu.memref_slice %arg3[%dma_wait3A_1292, %multiple_of3A_1289] : memref<64x1000001xf32, #tpu.memory_space<hbm>> -> memref<64x128xf32, #tpu.memory_space<hbm>>
      tpu.wait_dma2 semaphore(%arg24 : memref<!tpu.dma_semaphore, #tpu.memory_space<semaphore_mem>>) src(%dma_wait3A_1293 : memref<64x128xf32, #tpu.memory_space<hbm>>) dst(%arg12 : memref<64x128xf32, #tpu.memory_space<vmem>>)
      %add3A_1294 = arith.constant 28 : i32
      %add3A_1295 = arith.addi %mul3A_10, %add3A_1294 : i32
      %and3A_1296 = arith.constant 127 : i32
      %and3A_1297 = arith.andi %squeeze3A_1284, %and3A_1296 : i32
      %broadcast_in_dim3A_1298 = vector.broadcast %and3A_1297 : i32 to vector<16xi32>
      %broadcast_in_dim3A_1299 = vector.broadcast %add3A_1295 : i32 to vector<16xi32>
      %add3A_1300 = arith.constant 0 : i32
      %add3A_1301 = vector.broadcast %add3A_1300 : i32 to vector<16xi32>
      %add3A_1302 = arith.addi %iota3A, %add3A_1301 : vector<16xi32>
      %gather3A_1303 = tpu.vector_load_idx %arg12[%add3A_1302, %broadcast_in_dim3A_1298] : memref<64x128xf32, #tpu.memory_space<vmem>>[vector<16xi32>, vector<16xi32>], vector<16xf32>,
      tpu.vector_store_idx %arg17[%add3A_1302, %broadcast_in_dim3A_1299], %gather3A_1303 : memref<64x512xf32, #tpu.memory_space<vmem>>[vector<16xi32>, vector<16xi32>], vector<16xf32>,
      %add3A_1304 = arith.constant 16 : i32
      %add3A_1305 = vector.broadcast %add3A_1304 : i32 to vector<16xi32>
      %add3A_1306 = arith.addi %iota3A, %add3A_1305 : vector<16xi32>
      %gather3A_1307 = tpu.vector_load_idx %arg12[%add3A_1306, %broadcast_in_dim3A_1298] : memref<64x128xf32, #tpu.memory_space<vmem>>[vector<16xi32>, vector<16xi32>], vector<16xf32>,
      tpu.vector_store_idx %arg17[%add3A_1306, %broadcast_in_dim3A_1299], %gather3A_1307 : memref<64x512xf32, #tpu.memory_space<vmem>>[vector<16xi32>, vector<16xi32>], vector<16xf32>,
      %add3A_1308 = arith.constant 32 : i32
      %add3A_1309 = vector.broadcast %add3A_1308 : i32 to vector<16xi32>
      %add3A_1310 = arith.addi %iota3A, %add3A_1309 : vector<16xi32>
      %gather3A_1311 = tpu.vector_load_idx %arg12[%add3A_1310, %broadcast_in_dim3A_1298] : memref<64x128xf32, #tpu.memory_space<vmem>>[vector<16xi32>, vector<16xi32>], vector<16xf32>,
      tpu.vector_store_idx %arg17[%add3A_1310, %broadcast_in_dim3A_1299], %gather3A_1311 : memref<64x512xf32, #tpu.memory_space<vmem>>[vector<16xi32>, vector<16xi32>], vector<16xf32>,
      %add3A_1312 = arith.constant 48 : i32
      %add3A_1313 = vector.broadcast %add3A_1312 : i32 to vector<16xi32>
      %add3A_1314 = arith.addi %iota3A, %add3A_1313 : vector<16xi32>
      %gather3A_1315 = tpu.vector_load_idx %arg12[%add3A_1314, %broadcast_in_dim3A_1298] : memref<64x128xf32, #tpu.memory_space<vmem>>[vector<16xi32>, vector<16xi32>], vector<16xf32>,
      tpu.vector_store_idx %arg17[%add3A_1314, %broadcast_in_dim3A_1299], %gather3A_1315 : memref<64x512xf32, #tpu.memory_space<vmem>>[vector<16xi32>, vector<16xi32>], vector<16xf32>,
      %slice3A_1316 = vector.extract_strided_slice %get3A_15 {offsets = [13], sizes = [1], strides = [1]} : vector<16xi32> to vector<1xi32>
      %squeeze3A_1317 = vector.extract %slice3A_1316[0] : i32 from vector<1xi32>
      %shift_right_arithmetic3A_1318 = arith.constant 7 : i32
      %shift_right_arithmetic3A_1319 = arith.shrsi %squeeze3A_1317, %shift_right_arithmetic3A_1318 : i32
      %mul3A_1320 = arith.constant 128 : i32
      %mul3A_1321 = arith.muli %shift_right_arithmetic3A_1319, %mul3A_1320 : i32
      %multiple_of3A_1322 = tpu.assume_multiple %mul3A_1321, 128 : i32
      %dma_wait3A_1323 = arith.constant 0 : i32
      %dma_wait3A_1324 = tpu.memref_slice %arg3[%dma_wait3A_1323, %multiple_of3A_1322] : memref<64x1000001xf32, #tpu.memory_space<hbm>> -> memref<64x128xf32, #tpu.memory_space<hbm>>
      %dma_wait3A_1325 = arith.constant 0 : i32
      %dma_wait3A_1326 = tpu.memref_slice %arg3[%dma_wait3A_1325, %multiple_of3A_1322] : memref<64x1000001xf32, #tpu.memory_space<hbm>> -> memref<64x128xf32, #tpu.memory_space<hbm>>
      tpu.wait_dma2 semaphore(%arg25 : memref<!tpu.dma_semaphore, #tpu.memory_space<semaphore_mem>>) src(%dma_wait3A_1326 : memref<64x128xf32, #tpu.memory_space<hbm>>) dst(%arg13 : memref<64x128xf32, #tpu.memory_space<vmem>>)
      %add3A_1327 = arith.constant 29 : i32
      %add3A_1328 = arith.addi %mul3A_10, %add3A_1327 : i32
      %and3A_1329 = arith.constant 127 : i32
      %and3A_1330 = arith.andi %squeeze3A_1317, %and3A_1329 : i32
      %broadcast_in_dim3A_1331 = vector.broadcast %and3A_1330 : i32 to vector<16xi32>
      %broadcast_in_dim3A_1332 = vector.broadcast %add3A_1328 : i32 to vector<16xi32>
      %add3A_1333 = arith.constant 0 : i32
      %add3A_1334 = vector.broadcast %add3A_1333 : i32 to vector<16xi32>
      %add3A_1335 = arith.addi %iota3A, %add3A_1334 : vector<16xi32>
      %gather3A_1336 = tpu.vector_load_idx %arg13[%add3A_1335, %broadcast_in_dim3A_1331] : memref<64x128xf32, #tpu.memory_space<vmem>>[vector<16xi32>, vector<16xi32>], vector<16xf32>,
      tpu.vector_store_idx %arg17[%add3A_1335, %broadcast_in_dim3A_1332], %gather3A_1336 : memref<64x512xf32, #tpu.memory_space<vmem>>[vector<16xi32>, vector<16xi32>], vector<16xf32>,
      %add3A_1337 = arith.constant 16 : i32
      %add3A_1338 = vector.broadcast %add3A_1337 : i32 to vector<16xi32>
      %add3A_1339 = arith.addi %iota3A, %add3A_1338 : vector<16xi32>
      %gather3A_1340 = tpu.vector_load_idx %arg13[%add3A_1339, %broadcast_in_dim3A_1331] : memref<64x128xf32, #tpu.memory_space<vmem>>[vector<16xi32>, vector<16xi32>], vector<16xf32>,
      tpu.vector_store_idx %arg17[%add3A_1339, %broadcast_in_dim3A_1332], %gather3A_1340 : memref<64x512xf32, #tpu.memory_space<vmem>>[vector<16xi32>, vector<16xi32>], vector<16xf32>,
      %add3A_1341 = arith.constant 32 : i32
      %add3A_1342 = vector.broadcast %add3A_1341 : i32 to vector<16xi32>
      %add3A_1343 = arith.addi %iota3A, %add3A_1342 : vector<16xi32>
      %gather3A_1344 = tpu.vector_load_idx %arg13[%add3A_1343, %broadcast_in_dim3A_1331] : memref<64x128xf32, #tpu.memory_space<vmem>>[vector<16xi32>, vector<16xi32>], vector<16xf32>,
      tpu.vector_store_idx %arg17[%add3A_1343, %broadcast_in_dim3A_1332], %gather3A_1344 : memref<64x512xf32, #tpu.memory_space<vmem>>[vector<16xi32>, vector<16xi32>], vector<16xf32>,
      %add3A_1345 = arith.constant 48 : i32
      %add3A_1346 = vector.broadcast %add3A_1345 : i32 to vector<16xi32>
      %add3A_1347 = arith.addi %iota3A, %add3A_1346 : vector<16xi32>
      %gather3A_1348 = tpu.vector_load_idx %arg13[%add3A_1347, %broadcast_in_dim3A_1331] : memref<64x128xf32, #tpu.memory_space<vmem>>[vector<16xi32>, vector<16xi32>], vector<16xf32>,
      tpu.vector_store_idx %arg17[%add3A_1347, %broadcast_in_dim3A_1332], %gather3A_1348 : memref<64x512xf32, #tpu.memory_space<vmem>>[vector<16xi32>, vector<16xi32>], vector<16xf32>,
      %slice3A_1349 = vector.extract_strided_slice %get3A_15 {offsets = [14], sizes = [1], strides = [1]} : vector<16xi32> to vector<1xi32>
      %squeeze3A_1350 = vector.extract %slice3A_1349[0] : i32 from vector<1xi32>
      %shift_right_arithmetic3A_1351 = arith.constant 7 : i32
      %shift_right_arithmetic3A_1352 = arith.shrsi %squeeze3A_1350, %shift_right_arithmetic3A_1351 : i32
      %mul3A_1353 = arith.constant 128 : i32
      %mul3A_1354 = arith.muli %shift_right_arithmetic3A_1352, %mul3A_1353 : i32
      %multiple_of3A_1355 = tpu.assume_multiple %mul3A_1354, 128 : i32
      %dma_wait3A_1356 = arith.constant 0 : i32
      %dma_wait3A_1357 = tpu.memref_slice %arg3[%dma_wait3A_1356, %multiple_of3A_1355] : memref<64x1000001xf32, #tpu.memory_space<hbm>> -> memref<64x128xf32, #tpu.memory_space<hbm>>
      %dma_wait3A_1358 = arith.constant 0 : i32
      %dma_wait3A_1359 = tpu.memref_slice %arg3[%dma_wait3A_1358, %multiple_of3A_1355] : memref<64x1000001xf32, #tpu.memory_space<hbm>> -> memref<64x128xf32, #tpu.memory_space<hbm>>
      tpu.wait_dma2 semaphore(%arg26 : memref<!tpu.dma_semaphore, #tpu.memory_space<semaphore_mem>>) src(%dma_wait3A_1359 : memref<64x128xf32, #tpu.memory_space<hbm>>) dst(%arg14 : memref<64x128xf32, #tpu.memory_space<vmem>>)
      %add3A_1360 = arith.constant 30 : i32
      %add3A_1361 = arith.addi %mul3A_10, %add3A_1360 : i32
      %and3A_1362 = arith.constant 127 : i32
      %and3A_1363 = arith.andi %squeeze3A_1350, %and3A_1362 : i32
      %broadcast_in_dim3A_1364 = vector.broadcast %and3A_1363 : i32 to vector<16xi32>
      %broadcast_in_dim3A_1365 = vector.broadcast %add3A_1361 : i32 to vector<16xi32>
      %add3A_1366 = arith.constant 0 : i32
      %add3A_1367 = vector.broadcast %add3A_1366 : i32 to vector<16xi32>
      %add3A_1368 = arith.addi %iota3A, %add3A_1367 : vector<16xi32>
      %gather3A_1369 = tpu.vector_load_idx %arg14[%add3A_1368, %broadcast_in_dim3A_1364] : memref<64x128xf32, #tpu.memory_space<vmem>>[vector<16xi32>, vector<16xi32>], vector<16xf32>,
      tpu.vector_store_idx %arg17[%add3A_1368, %broadcast_in_dim3A_1365], %gather3A_1369 : memref<64x512xf32, #tpu.memory_space<vmem>>[vector<16xi32>, vector<16xi32>], vector<16xf32>,
      %add3A_1370 = arith.constant 16 : i32
      %add3A_1371 = vector.broadcast %add3A_1370 : i32 to vector<16xi32>
      %add3A_1372 = arith.addi %iota3A, %add3A_1371 : vector<16xi32>
      %gather3A_1373 = tpu.vector_load_idx %arg14[%add3A_1372, %broadcast_in_dim3A_1364] : memref<64x128xf32, #tpu.memory_space<vmem>>[vector<16xi32>, vector<16xi32>], vector<16xf32>,
      tpu.vector_store_idx %arg17[%add3A_1372, %broadcast_in_dim3A_1365], %gather3A_1373 : memref<64x512xf32, #tpu.memory_space<vmem>>[vector<16xi32>, vector<16xi32>], vector<16xf32>,
      %add3A_1374 = arith.constant 32 : i32
      %add3A_1375 = vector.broadcast %add3A_1374 : i32 to vector<16xi32>
      %add3A_1376 = arith.addi %iota3A, %add3A_1375 : vector<16xi32>
      %gather3A_1377 = tpu.vector_load_idx %arg14[%add3A_1376, %broadcast_in_dim3A_1364] : memref<64x128xf32, #tpu.memory_space<vmem>>[vector<16xi32>, vector<16xi32>], vector<16xf32>,
      tpu.vector_store_idx %arg17[%add3A_1376, %broadcast_in_dim3A_1365], %gather3A_1377 : memref<64x512xf32, #tpu.memory_space<vmem>>[vector<16xi32>, vector<16xi32>], vector<16xf32>,
      %add3A_1378 = arith.constant 48 : i32
      %add3A_1379 = vector.broadcast %add3A_1378 : i32 to vector<16xi32>
      %add3A_1380 = arith.addi %iota3A, %add3A_1379 : vector<16xi32>
      %gather3A_1381 = tpu.vector_load_idx %arg14[%add3A_1380, %broadcast_in_dim3A_1364] : memref<64x128xf32, #tpu.memory_space<vmem>>[vector<16xi32>, vector<16xi32>], vector<16xf32>,
      tpu.vector_store_idx %arg17[%add3A_1380, %broadcast_in_dim3A_1365], %gather3A_1381 : memref<64x512xf32, #tpu.memory_space<vmem>>[vector<16xi32>, vector<16xi32>], vector<16xf32>,
      %slice3A_1382 = vector.extract_strided_slice %get3A_15 {offsets = [15], sizes = [1], strides = [1]} : vector<16xi32> to vector<1xi32>
      %squeeze3A_1383 = vector.extract %slice3A_1382[0] : i32 from vector<1xi32>
      %shift_right_arithmetic3A_1384 = arith.constant 7 : i32
      %shift_right_arithmetic3A_1385 = arith.shrsi %squeeze3A_1383, %shift_right_arithmetic3A_1384 : i32
      %mul3A_1386 = arith.constant 128 : i32
      %mul3A_1387 = arith.muli %shift_right_arithmetic3A_1385, %mul3A_1386 : i32
      %multiple_of3A_1388 = tpu.assume_multiple %mul3A_1387, 128 : i32
      %dma_wait3A_1389 = arith.constant 0 : i32
      %dma_wait3A_1390 = tpu.memref_slice %arg3[%dma_wait3A_1389, %multiple_of3A_1388] : memref<64x1000001xf32, #tpu.memory_space<hbm>> -> memref<64x128xf32, #tpu.memory_space<hbm>>
      %dma_wait3A_1391 = arith.constant 0 : i32
      %dma_wait3A_1392 = tpu.memref_slice %arg3[%dma_wait3A_1391, %multiple_of3A_1388] : memref<64x1000001xf32, #tpu.memory_space<hbm>> -> memref<64x128xf32, #tpu.memory_space<hbm>>
      tpu.wait_dma2 semaphore(%arg27 : memref<!tpu.dma_semaphore, #tpu.memory_space<semaphore_mem>>) src(%dma_wait3A_1392 : memref<64x128xf32, #tpu.memory_space<hbm>>) dst(%arg15 : memref<64x128xf32, #tpu.memory_space<vmem>>)
      %add3A_1393 = arith.constant 31 : i32
      %add3A_1394 = arith.addi %mul3A_10, %add3A_1393 : i32
      %and3A_1395 = arith.constant 127 : i32
      %and3A_1396 = arith.andi %squeeze3A_1383, %and3A_1395 : i32
      %broadcast_in_dim3A_1397 = vector.broadcast %and3A_1396 : i32 to vector<16xi32>
      %broadcast_in_dim3A_1398 = vector.broadcast %add3A_1394 : i32 to vector<16xi32>
      %add3A_1399 = arith.constant 0 : i32
      %add3A_1400 = vector.broadcast %add3A_1399 : i32 to vector<16xi32>
      %add3A_1401 = arith.addi %iota3A, %add3A_1400 : vector<16xi32>
      %gather3A_1402 = tpu.vector_load_idx %arg15[%add3A_1401, %broadcast_in_dim3A_1397] : memref<64x128xf32, #tpu.memory_space<vmem>>[vector<16xi32>, vector<16xi32>], vector<16xf32>,
      tpu.vector_store_idx %arg17[%add3A_1401, %broadcast_in_dim3A_1398], %gather3A_1402 : memref<64x512xf32, #tpu.memory_space<vmem>>[vector<16xi32>, vector<16xi32>], vector<16xf32>,
      %add3A_1403 = arith.constant 16 : i32
      %add3A_1404 = vector.broadcast %add3A_1403 : i32 to vector<16xi32>
      %add3A_1405 = arith.addi %iota3A, %add3A_1404 : vector<16xi32>
      %gather3A_1406 = tpu.vector_load_idx %arg15[%add3A_1405, %broadcast_in_dim3A_1397] : memref<64x128xf32, #tpu.memory_space<vmem>>[vector<16xi32>, vector<16xi32>], vector<16xf32>,
      tpu.vector_store_idx %arg17[%add3A_1405, %broadcast_in_dim3A_1398], %gather3A_1406 : memref<64x512xf32, #tpu.memory_space<vmem>>[vector<16xi32>, vector<16xi32>], vector<16xf32>,
      %add3A_1407 = arith.constant 32 : i32
      %add3A_1408 = vector.broadcast %add3A_1407 : i32 to vector<16xi32>
      %add3A_1409 = arith.addi %iota3A, %add3A_1408 : vector<16xi32>
      %gather3A_1410 = tpu.vector_load_idx %arg15[%add3A_1409, %broadcast_in_dim3A_1397] : memref<64x128xf32, #tpu.memory_space<vmem>>[vector<16xi32>, vector<16xi32>], vector<16xf32>,
      tpu.vector_store_idx %arg17[%add3A_1409, %broadcast_in_dim3A_1398], %gather3A_1410 : memref<64x512xf32, #tpu.memory_space<vmem>>[vector<16xi32>, vector<16xi32>], vector<16xf32>,
      %add3A_1411 = arith.constant 48 : i32
      %add3A_1412 = vector.broadcast %add3A_1411 : i32 to vector<16xi32>
      %add3A_1413 = arith.addi %iota3A, %add3A_1412 : vector<16xi32>
      %gather3A_1414 = tpu.vector_load_idx %arg15[%add3A_1413, %broadcast_in_dim3A_1397] : memref<64x128xf32, #tpu.memory_space<vmem>>[vector<16xi32>, vector<16xi32>], vector<16xf32>,
      tpu.vector_store_idx %arg17[%add3A_1413, %broadcast_in_dim3A_1398], %gather3A_1414 : memref<64x512xf32, #tpu.memory_space<vmem>>[vector<16xi32>, vector<16xi32>], vector<16xf32>,
    }
    %scan3A_7 = arith.constant 16 : i32
    "tpu.region"() ({
      %run_scoped3A = tpu.sem_alloc : memref<!tpu.dma_semaphore, #tpu.memory_space<semaphore_mem>>
      %dma_start3A = arith.constant 0 : i32
      %dma_start3A_8 = tpu.memref_slice %arg4[%dma_start3A, %mul3A_2] : memref<64x16384xf32, #tpu.memory_space<hbm>> -> memref<64x512xf32, #tpu.memory_space<hbm>>
      %dma_start3A_9 = arith.constant 0 : i32
      %dma_start3A_10 = tpu.memref_slice %arg4[%dma_start3A_9, %mul3A_2] : memref<64x16384xf32, #tpu.memory_space<hbm>> -> memref<64x512xf32, #tpu.memory_space<hbm>>
      tpu.enqueue_dma source(%arg17 : memref<64x512xf32, #tpu.memory_space<vmem>>) target(%dma_start3A_10 : memref<64x512xf32, #tpu.memory_space<hbm>>) target_semaphore(%run_scoped3A : memref<!tpu.dma_semaphore, #tpu.memory_space<semaphore_mem>>)
      %dma_wait3A = arith.constant 0 : i32
      %dma_wait3A_11 = tpu.memref_slice %arg4[%dma_wait3A, %mul3A_2] : memref<64x16384xf32, #tpu.memory_space<hbm>> -> memref<64x512xf32, #tpu.memory_space<hbm>>
      %dma_wait3A_12 = arith.constant 0 : i32
      %dma_wait3A_13 = tpu.memref_slice %arg4[%dma_wait3A_12, %mul3A_2] : memref<64x16384xf32, #tpu.memory_space<hbm>> -> memref<64x512xf32, #tpu.memory_space<hbm>>
      tpu.wait_dma2 semaphore(%run_scoped3A : memref<!tpu.dma_semaphore, #tpu.memory_space<semaphore_mem>>) src(%arg17 : memref<64x512xf32, #tpu.memory_space<vmem>>) dst(%dma_wait3A_13 : memref<64x512xf32, #tpu.memory_space<hbm>>)
      tpu.yield
    }) : () -> ()
    return
  }
}

</mosaic_0001>

<sc_bundles>
// kernel: kernel.3.cloned.1.call-start
scs
__scs_entry_jumppad:
0x0: {  	(pc) =	sbr.rel $0x88, $3  }
0x1: {  	(tag) =	ssettag $0x0;
	lr =	simm.s32 $0x1  }
0x2: {  	[smem:$0x3F9F] =	sst lr;
	_ =	strace $0xD0000000  }
0x3: {  	_ = 	snop  }
0x4: {  	_ = 	snop  }
0x5: {  	_ = 	snop  }
0x6: {  	_ = 	snop  }
0x7: {  	_ = 	snop  }
__scs_overlays_trampoline_lowered:
0x8: {  	[smem:$0x3FAE] =	sst s0  }
0x9: {  	[smem:$0x3FAF] =	sst s1  }
0xa: {  	[smem:$0x3FB0] =	sst s2  }
0xb: {  	[smem:$0x3FB1] =	sst s3  }
0xc: {  	[smem:$0x3FB2] =	sst s4  }
0xd: {  	[smem:$0x3FB3] =	sst s5  }
0xe: {  	[smem:$0x3FB4] =	sst s6  }
0xf: {  	[smem:$0x3FB5] =	sst s7  }
0x10: {  	[smem:$0x3FB6] =	sst s8  }
0x11: {  	[smem:$0x3FB7] =	sst s9;
	s0 =	simm.s32 @!p0 $0x0  }
0x12: {  	s1 =	sld [smem:$0x3F9D];
	s0 =	simm.s32 @p0 $0x1  }
0x13: {  	[smem:$0x3FB8] =	sst s0;
	s0 =	simm.s32 @!p1 $0x0  }
0x14: {  	s2 =	sld [smem:$0x3F9C];
	s0 =	simm.s32 @p1 $0x1  }
0x15: {  	[smem:$0x3FB9] =	sst s0;
	s0 =	simm.s32 @!p2 $0x0  }
0x16: {  	s3 =	sld [smem:$0x3FDB];
	s0 =	simm.s32 @p2 $0x1  }
0x17: {  	s4 =	simm.s32 $0x1BF5;
	[smem:$0x3FBB] =	sst s0  }
0x18: {  	s0 =	sld [smem:$0x3F9E];
	_ =	swait.ge [sflag:s4], $0x0  }
0x19: {  	s7 =	sld [smem:$0x3F9F]  }
0x1a: {  	s8 =	sadd.s32 $0xFFFFE003, lr  }
0x1b: {  	s9 =	sadd.s32 $0xFFFFFEF7, lr;
	s5 =	simm.s32 $0xFFFFFFFF;
	p2 =	slt.u32 s8, $0xFFFFF086  }
0x1c: {  	p1 =	slt.u32 s9, $0xF7A;
	s5 =	simm.s32 @!p2 $0x0  }
0x1d: {  	s5 =	simm.s32 @p1 $0x1;
	p0 =	seq.s32 s7, s2  }
0x1e: {  	s7 =	smul.u32 @!p0 $0xF7A, s2;
	p2 =	seq.s32 @!p0 s5, $0x0  }
0x1f: {  	s9 =	smul.u32 $0xF7A, s1;
	s8 =	simm.s32 @!p0 $0x1BF5;
	p2 =	por !p2, p0  }
0x20: {  	[sflag:s8] =	ssyncset.s32 @!p0 $0xFFFFF086;
	s6 =	sadd.s32 @!p0 s3, s7;
	s7 =	simm.s32 @!p0 $0x108  }
0x21: {  	s3 =	sadd.s32 s3, s9;
	s6 =	sadd.s32 @!p0 $0x88, s6;
	s7 =	simm.s32 @p2 $0x1082  }
0x22: {  	[simem:s7], [sflag:s8] =	dma.local @!p0 [hbm:s6], $0xF7A  }
0x23: {  	s9 =	sor.u32 $0xD0000000, s2;
	s6 =	simm.s32 $0x108;
	_ =	swait.ge @!p0 [sflag:s8], $0x0  }
0x24: {  	s3 =	sadd.s32 $0x88, s3;
	s6 =	simm.s32 @!p1 $0x1082;
	[sflag:s4] =	ssyncset.s32 $0xFFFFF086  }
0x25: {  	[simem:s6], [sflag:s4] =	dma.local [hbm:s3], $0xF7A  }
0x26: {  	[smem:$0x3F9F] =	sst s1;
	(tag) =	ssettag s2;
	_ =	strace s9  }
0x27: {  	s1 =	sld [smem:$0x3FAF]  }
0x28: {  	s2 =	sld [smem:$0x3FB0]  }
0x29: {  	s4 =	sld [smem:$0x3FB2]  }
0x2a: {  	p0 =	seq.s32 s5, $0x0;
	s5 =	sld [smem:$0x3FB3]  }
0x2b: {  	s6 =	sld [smem:$0x3FB4]  }
0x2c: {  	s7 =	sld [smem:$0x3FB5]  }
0x2d: {  	s3 =	simm.s32 $0x108;
	s8 =	sld [smem:$0x3FB6]  }
0x2e: {  	s3 =	simm.s32 @!p0 $0x1082;
	s9 =	sld [smem:$0x3FB7]  }
0x2f: {  	lr =	sadd.s32 s0, s3;
	s0 =	sld [smem:$0x3FAE]  }
0x30: {  	s3 =	sld [smem:$0x3FB1]  }
0x31: {  	[smem:$0x3FBA] =	sst s10  }
0x32: {  	s10 =	sld [smem:$0x3FB8];
	_ =	sdelay $0x3  }
0x33: {  	p0 =	seq.s32 s10, $0x1;
	s10 =	sld [smem:$0x3FBA];
	_ =	sdelay $0x3  }
0x34: {  	[smem:$0x3FBA] =	sst s10  }
0x35: {  	s10 =	sld [smem:$0x3FB9];
	_ =	sdelay $0x3  }
0x36: {  	p1 =	seq.s32 s10, $0x1;
	s10 =	sld [smem:$0x3FBA];
	_ =	sdelay $0x3  }
0x37: {  	[smem:$0x3FBA] =	sst s10  }
0x38: {  	s10 =	sld [smem:$0x3FBB]  }
0x39: {  	_ = 	snop;
	(pc) =	sbr.ind lr, $3  }
0x3a: {  	_ = 	snop  }
0x3b: {  	_ = 	snop  }
0x3c: {  	p2 =	seq.s32 s10, $0x1;
	s10 =	sld [smem:$0x3FBA]  }
0x3d: {  	_ =	shalt  }
0x3e: {  	_ =	shalt  }
0x3f: {  	_ =	shalt  }
0x40: {  	_ =	shalt  }
0x41: {  	_ =	shalt  }
0x42: {  	_ =	shalt  }
0x43: {  	_ =	shalt  }
0x44: {  	_ =	shalt  }
0x45: {  	_ =	shalt  }
0x46: {  	_ =	shalt  }
0x47: {  	_ =	shalt  }
0x48: {  	_ =	shalt  }
0x49: {  	_ =	shalt  }
0x4a: {  	_ =	shalt  }
0x4b: {  	_ =	shalt  }
0x4c: {  	_ =	shalt  }
0x4d: {  	_ =	shalt  }
0x4e: {  	_ =	shalt  }
0x4f: {  	_ =	shalt  }
0x50: {  	_ =	shalt  }
0x51: {  	_ =	shalt  }
0x52: {  	_ =	shalt  }
0x53: {  	_ =	shalt  }
0x54: {  	_ =	shalt  }
0x55: {  	_ =	shalt  }
0x56: {  	_ =	shalt  }
0x57: {  	_ =	shalt  }
0x58: {  	_ =	shalt  }
0x59: {  	_ =	shalt  }
0x5a: {  	_ =	shalt  }
0x5b: {  	_ =	shalt  }
0x5c: {  	_ =	shalt  }
0x5d: {  	_ =	shalt  }
0x5e: {  	_ =	shalt  }
0x5f: {  	_ =	shalt  }
0x60: {  	_ =	shalt  }
0x61: {  	_ =	shalt  }
0x62: {  	_ =	shalt  }
0x63: {  	_ =	shalt  }
0x64: {  	_ =	shalt  }
0x65: {  	_ =	shalt  }
0x66: {  	_ =	shalt  }
0x67: {  	_ =	shalt  }
0x68: {  	_ =	shalt  }
0x69: {  	_ =	shalt  }
0x6a: {  	_ =	shalt  }
0x6b: {  	_ =	shalt  }
0x6c: {  	_ =	shalt  }
0x6d: {  	_ =	shalt  }
0x6e: {  	_ =	shalt  }
0x6f: {  	_ =	shalt  }
0x70: {  	_ =	shalt  }
0x71: {  	_ =	shalt  }
0x72: {  	_ =	shalt  }
0x73: {  	_ =	shalt  }
0x74: {  	_ =	shalt  }
0x75: {  	_ =	shalt  }
0x76: {  	_ =	shalt  }
0x77: {  	_ =	shalt  }
0x78: {  	_ =	shalt  }
0x79: {  	_ =	shalt  }
0x7a: {  	_ =	shalt  }
0x7b: {  	_ =	shalt  }
0x7c: {  	_ =	shalt  }
0x7d: {  	_ =	shalt  }
0x7e: {  	_ =	shalt  }
0x7f: {  	_ =	shalt  }
0x80: {  	_ =	shalt  }
0x81: {  	_ =	shalt  }
0x82: {  	_ =	shalt  }
0x83: {  	_ =	shalt  }
0x84: {  	_ =	shalt  }
0x85: {  	_ =	shalt  }
0x86: {  	_ =	shalt  }
0x87: {  	_ =	shalt  }
.Lfunc_end0:
.L_simem_size_0:
called_computation_lowered:
.L_overlay_start_0:
0x88: {  	s2 =	sld [smem:$0x3FD9]  }
0x89: {  	s3 =	sld [smem:$0x3FFE];
	_ =	sdelay $0x1  }
0x8a: {  	s1 =	srdreg.scid  }
0x8b: {  	s0 =	sand.u32 $0x1, s1  }
0x8c: {  	s15 =	sshll.u32 s0, $0xA;
	s2 =	sadd.s32 s3, s2  }
0x8d: {  	s2 =	sadd.s32 s2, s15  }
0x8e: {  	[smem:$0x3FC6] =	sst s2  }
0x8f: {  	_ = 	snop  }
0x90: {  	s2 =	sld [smem:$0x3FD0];
	_ =	sdelay $0x1  }
0x91: {  	s16 =	sld [smem:$0x3FC9]  }
0x92: {  	s5 =	simm.s32 $0xA;
	s6 =	simm.s32 $0x10;
	s4 =	sld [smem:$0x3FC8]  }
0x93: {  	[smem:s6], [sflag:s5] =	dma.local [hbm:s2], $0x1  }
0x94: {  	_ =	swait.eq [sflag:s5], $0x1  }
0x95: {  	[sflag:s5] =	ssyncset.done $0x0  }
0x96: {  	[sflag:s5] =	ssyncadd.s32 $0xFFFFFFFF  }
0x97: {  	s17 =	sld [smem:$0x10];
	(tm) =	ssettm $0x1  }
0x98: {  	s18 =	sld [smem:$0x3FFB];
	_ =	sdelay $0x3  }
0x99: {  	_ =	strace s18  }
0x9a: {  	s5 =	sld [smem:$0x3FFC];
	_ =	sdelay $0x3  }
0x9b: {  	_ =	strace s5  }
0x9c: {  	s5 =	sld [smem:$0x3FFD];
	_ =	sdelay $0x3  }
0x9d: {  	_ =	strace s5  }
0x9e: {  	_ =	strace $0x8FFFFFFF  }
0x9f: {  	s19 =	sld [smem:$0x3FDB];
	_ =	sdelay $0x1  }
0xa0: {  	s20 =	simm.s32 $_scs_section_size  }
0xa1: {  	s7 =	simm.s32 $_size__tile_overlayer_lowered;
	s8 =	simm.s32 $_tile_overlayer_lowered  }
0xa2: {  	s23 =	simm.s32 $0x1BFF;
	s22 =	sshll.u32 s8, $0x1;
	s5 =	sadd.s32 s20, s19  }
0xa3: {  	s9 =	simm.s32 $0x0;
	s21 =	sshll.u32 s7, $0x1;
	s7 =	sadd.s32 s22, s5  }
0xa4: {  	[timem:s9], [sflag:s23] =	dma.local [hbm:s7], s21  }
0xa5: {  	_ =	swait.ge [sflag:s23], s21  }
0xa6: {  	s6 =	ssub.s32 $0x0, s21;
	[sflag:s23] =	ssyncset.done $0x0  }
0xa7: {  	[sflag:s23] =	ssyncadd.s32 s6;
	_ =	sdelay $0x1  }
0xa8: {  	s24 =	simm.s32 $0x1B8B  }
0xa9: {  	_ =	swait.ge [sflag:s24], $0x1  }
0xaa: {  	[sflag:s24] =	ssyncset.done $0x0  }
0xab: {  	s25 =	simm.s32 $0x1B8E;
	[sflag:s24] =	ssyncadd.s32 $0xFFFFFFFF  }
0xac: {  	s26 =	simm.s32 $execute0_lowered;
	[smem:$0x3FD2] =	sst s25  }
0xad: {  	s6 =	sshll.u32 s26, $0x1;
	_ =	strace $0x80000046;
	[dreg:$0x1] =	wrdreg $0xFFFFFFFF  }
0xae: {  	s28 =	simm.s32 $_size_execute0_lowered;
	s5 =	sadd.s32 s5, s6;
	[dreg:$0x0] =	wrdreg $0x0  }
0xaf: {  	s6 =	sshll.u32 s28, $0x1;
	[dreg:$0x2] =	wrdreg s5  }
0xb0: {  	[dreg:$0x3] =	wrdreg s6  }
0xb1: {  	[dreg:$0x4] =	wrdreg $0xC0  }
0xb2: {  	_ =	task [dreg:s9], $0x5FFFF  }
0xb3: {  	[dreg:$0x1] =	wrdreg $0xFFFFFFFF  }
0xb4: {  	[dreg:$0x0] =	wrdreg $0x60  }
0xb5: {  	[dreg:$0x2] =	wrdreg s16  }
0xb6: {  	[dreg:$0x3] =	wrdreg s4  }
0xb7: {  	[dreg:$0x4] =	wrdreg s17  }
0xb8: {  	[dreg:$0x5] =	wrdreg $0x9  }
0xb9: {  	_ =	task.clear_ibuf [dreg:s9], $0x6FFFF;
	_ =	strace $0x90000046  }
0xba: {  	s29 =	simm.s32 $0x9;
	_ =	strace $0x80000048  }
0xbb: {  	_ =	swait.ge [sflag:s29], $0x1  }
0xbc: {  	[sflag:s29] =	ssyncadd.s32 $0xFFFFFFFF  }
0xbd: {  	_ =	strace $0x90000048  }
0xbe: {  	_ =	sfence  }
0xbf: {  	s30 =	sld [smem:$0x0];
	_ =	sdelay $0x2  }
0xc0: {  	s31 =	sshll.u32 s1, $0xD;
	s1 =	sshrl.u32 s1, $0x2  }
0xc1: {  	s3 =	sand.u32 $0x4000, s31;
	s1 =	sadd.s32 s1, s30  }
0xc2: {  	s0 =	sor.u32 s3, s0;
	s1 =	sshll.u32 s1, $0x11  }
0xc3: {  	s0 =	sor.u32 s1, s0  }
0xc4: {  	s0 =	sadd.s32 $0x8F2B, s0  }
0xc5: {  	[sflag:s0] =	ssyncadd.remote.s32 $0x1  }
0xc6: {  	_ =	sfence.sel $0xFFFF  }
0xc7: {  	[dreg:$0x0] =	wrdreg $0xFFFFFFFF;
	(pc) =	sbr.abs _section_cstart, $3  }
0xc8: {  	[dreg:$0x1] =	wrdreg $0xFFFFFFFF  }
0xc9: {  	_ =	task.clear_ibuf [dreg:s9], $0x2FFFF;
	_ =	strace $0x9FFFFFFF  }
0xca: {  	(tm) =	ssettm $0x7FFFFFFF  }
0xcb: {  	_ =	shalt  }
tec
execute0_lowered:
.L_overlay_start_1:
0x0: {  	(tag) =	ssettag $0x1  }
0x1: {  	v0 =	vimm.s32 $0x1380;
	vm14 =	vcmask $0x300;
	vm13 =	vcmask $0x704  }
0x2: {  	vm12 =	vcmask $0xB08;
	vm11 =	vcmask $0xF0C;
	vm10 =	vcmask $0x1310  }
0x3: {  	vm9 =	vcmask $0x1714;
	vm8 =	vcmask $0x1B18;
	vm7 =	vcmask $0x1F1C  }
0x4: {  	vm6 =	vcmask $0x2320;
	vm5 =	vcmask $0x2724;
	vm4 =	vcmask $0x2B28  }
0x5: {  	vm3 =	vcmask $0x2F2C;
	v1 =	vlaneseq.u32;
	vm2 =	vcmask $0x3330  }
0x6: {  	vm1 =	vcmask $0x3734;
	vm0 =	vcmask $0x3B38;
	v3 =	vimm.s32 $0x3380  }
0x7: {  	v4 =	vimm.s32 $0x5380;
	v5 =	vimm.s32 $0x7380;
	v0 =	vsel vm14, $0x0, v0  }
0x8: {  	v3 =	vsel vm14, $0x2000, v3;
	v4 =	vsel vm14, $0x4000, v4;
	v5 =	vsel vm14, $0x6000, v5  }
0x9: {  	v0 =	vsel vm13, $0x80, v0;
	v3 =	vsel vm13, $0x2080, v3;
	v4 =	vsel vm13, $0x4080, v4  }
0xa: {  	v5 =	vsel vm13, $0x6080, v5;
	v0 =	vsel vm12, $0x100, v0;
	v3 =	vsel vm12, $0x2100, v3  }
0xb: {  	v4 =	vsel vm12, $0x4100, v4;
	v5 =	vsel vm12, $0x6100, v5;
	v0 =	vsel vm11, $0x180, v0  }
0xc: {  	v3 =	vsel vm11, $0x2180, v3;
	v4 =	vsel vm11, $0x4180, v4;
	v5 =	vsel vm11, $0x6180, v5  }
0xd: {  	v0 =	vsel vm10, $0x200, v0;
	v3 =	vsel vm10, $0x2200, v3;
	v4 =	vsel vm10, $0x4200, v4  }
0xe: {  	s1 =	rddreg [dreg:$0x0];
	v5 =	vsel vm10, $0x6200, v5;
	v0 =	vsel vm9, $0x280, v0;
	v3 =	vsel vm9, $0x2280, v3  }
0xf: {  	s0 =	rddreg [dreg:$0x1];
	v4 =	vsel vm9, $0x4280, v4;
	v5 =	vsel vm9, $0x6280, v5;
	v0 =	vsel vm8, $0x300, v0  }
0x10: {  	s2 =	rddreg [dreg:$0x2];
	v3 =	vsel vm8, $0x2300, v3;
	v4 =	vsel vm8, $0x4300, v4;
	v5 =	vsel vm8, $0x6300, v5  }
0x11: {  	s3 =	srdreg.scid;
	s4 =	stileid.u32;
	v0 =	vsel vm7, $0x380, v0;
	v3 =	vsel vm7, $0x2380, v3;
	v4 =	vsel vm7, $0x4380, v4  }
0x12: {  	s6 =	simm.s32 $0x0;
	s8 =	simm.s32 $0x7A1400;
	s9 =	simm.s32 $0x400;
	v5 =	vsel vm7, $0x6380, v5;
	v0 =	vsel vm6, $0x1000, v0;
	v3 =	vsel vm6, $0x3000, v3  }
0x13: {  	s10 =	simm.s32 $0x200;
	s11 =	simm.s32 $0x4200;
	s12 =	simm.s32 $0x6200;
	v4 =	vsel vm6, $0x5000, v4;
	v5 =	vsel vm6, $0x7000, v5;
	v0 =	vsel vm5, $0x1080, v0  }
0x14: {  	s14 =	simm.s32 $0x8200;
	s15 =	simm.s32 $0xA200;
	s16 =	simm.s32 $0xC200;
	v3 =	vsel vm5, $0x3080, v3;
	v4 =	vsel vm5, $0x5080, v4;
	v5 =	vsel vm5, $0x7080, v5  }
0x15: {  	s17 =	simm.s32 $0xE200;
	s18 =	simm.s32 $0x10200;
	s19 =	simm.s32 $0x12200;
	v0 =	vsel vm4, $0x1100, v0;
	v3 =	vsel vm4, $0x3100, v3;
	v4 =	vsel vm4, $0x5100, v4  }
0x16: {  	s22 =	simm.s32 $0x16200;
	s20 =	simm.s32 $0x2;
	s3 =	sand.u32 $0x1, s3;
	v5 =	vsel vm4, $0x7100, v5;
	v2 =	vsel vm3, $0x1180, v0;
	v0 =	vmul.u32 $0x80, v1  }
0x17: {  	s4 =	sshll.u32 s4, $0xA;
	[smem:$0x7FF] =	sst s6;
	s5 =	sshll.u32 s3, $0x9;
	v3 =	vsel vm3, $0x3180, v3;
	v4 =	vsel vm3, $0x5180, v4;
	v5 =	vsel vm3, $0x7180, v5  }
0x18: {  	s3 =	ssub.s32 $0x2, s3;
	_ =	strace $0x80000047;
	s4 =	sor.u32 s5, s4;
	v1 =	vsel vm2, $0x1200, v2;
	v3 =	vsel vm2, $0x3200, v3;
	v6 =	vsel vm2, $0x5200, v4  }
0x19: {  	s28 =	sshrl.u32 s3, $0x1;
	s29 =	sshrl.u32 s4, $0x3;
	s30 =	sadd.s32 s2, s4;
	v5 =	vsel vm2, $0x7200, v5;
	v1 =	vsel vm1, $0x1280, v1;
	v2 =	vor.u32 $0x800, v0  }
0x1a: {  	s3 =	ssub.s32 s3, s28;
	s1 =	sadd.s32 s1, s29;
	[dreg:$0x5] =	wrdreg s30;
	v3 =	vsel vm1, $0x3280, v3;
	v4 =	vor.u32 $0x1000, v0;
	v6 =	vsel vm1, $0x5280, v6  }
0x1b: {  	s4 =	simm.s32 $0xC;
	s31 =	smax.u32 s3, $0x1;
	[dreg:$0x4] =	wrdreg s1;
	v7 =	vsel vm1, $0x7280, v5;
	v1 =	vsel vm0, $0x1300, v1;
	v3 =	vsel vm0, $0x3300, v3  }
0x1c: {  	s3 =	simm.s32 $0x0;
	[dreg:$0x6] =	wrdreg s31;
	s1 =	simm.s32 $0x2200;
	v5 =	vsel vm0, $0x5300, v6;
	v6 =	vor.u32 $0x1800, v0;
	v7 =	vsel vm0, $0x7300, v7  }
.LBB2_1:
0x1d: {  	[dreg:$0x7] =	wrdreg s3  }
0x1e: {  	s2 =	simm.s32 $0x0;
	s31 =	rddreg [dreg:$0x4]  }
0x1f: {  	[tilespmem:s2], [sflag:$0xC] =	stream.linear.gather [hbm4b:s31+s2], $0x200, $0x38;
	[tilespmem:$0x1E200] =	vst v63  }
0x20: {  	_ =	swait.ge [sflag:s4], $0x200  }
0x21: {  	[sflag:s4] =	ssyncset.done $0x0  }
0x22: {  	s5 =	simm.s32 $0x10;
	[sflag:s4] =	ssyncadd.s32 $0xFFFFFE00;
	s4 =	simm.s32 $0x1F  }
.LBB2_2:
0x23: {  	v9 =	vld [tilespmem:s5+$0xFFFFFFF0];
	_ =	sdelay $0x4  }
0x24: {  	(v2sf) =	vpush v9, $0x0;
	_ =	sdelay $0x2  }
0x25: {  	(v2sf) =	vpush v9, $0x1  }
0x26: {  	(v2sf) =	vpush v9, $0x2;
	_ =	sdelay $0x5  }
0x27: {  	(v2sf) =	vpush v9, $0x3;
	_ =	sdelay $0x4  }
0x28: {  	s6 =	spop (v2sf);
	(v2sf) =	vpush v9, $0x4;
	_ =	sdelay $0x2  }
0x29: {  	s2 =	sand.u32 $0xFFFFF80, s6;
	s7 =	spop (v2sf)  }
0x2a: {  	(v2sf) =	vpush v9, $0x5;
	s2 =	sadd.s32 s0, s2;
	s28 =	sand.u32 $0xFFFFF80, s7;
	s3 =	spop (v2sf)  }
0x2b: {  	v8 =	vld [tilespmem:s5+$0x0];
	(v2sf) =	vpush v9, $0x6;
	[tilespmem:s10], [sflag:$0x1] =	stream.strided.gather [hbm4b:s2+s9], $0x2000, s8, s9, $0x38  }
0x2c: {  	s2 =	sadd.s32 s0, s28;
	s29 =	sand.u32 $0xFFFFF80, s3  }
0x2d: {  	[tilespmem:s1], [sflag:$0x2] =	stream.strided.gather [hbm4b:s2+s9], $0x2000, s8, s9, $0x38;
	[tilespmem:$0x1E200] =	vst v63  }
0x2e: {  	(v2sf) =	vpush v9, $0x7;
	s2 =	sadd.s32 s0, s29  }
0x2f: {  	[tilespmem:s11], [sflag:$0x3] =	stream.strided.gather [hbm4b:s2+s9], $0x2000, s8, s9, $0x38;
	[tilespmem:$0x1E200] =	vst v63  }
0x30: {  	s2 =	spop (v2sf);
	(v2sf) =	vpush v9, $0x8;
	_ =	sdelay $0x1  }
0x31: {  	s21 =	sand.u32 $0xFFFFF80, s2  }
0x32: {  	s21 =	sadd.s32 s0, s21  }
0x33: {  	[tilespmem:s12], [sflag:$0x4] =	stream.strided.gather [hbm4b:s21+s9], $0x2000, s8, s9, $0x38;
	[tilespmem:$0x1E200] =	vst v63  }
0x34: {  	s21 =	spop (v2sf);
	(v2sf) =	vpush v9, $0x9  }
0x35: {  	s23 =	sand.u32 $0xFFFFF80, s21  }
0x36: {  	s23 =	sadd.s32 s0, s23  }
0x37: {  	[tilespmem:s14], [sflag:$0x5] =	stream.strided.gather [hbm4b:s23+s9], $0x2000, s8, s9, $0x38;
	[tilespmem:$0x1E200] =	vst v63  }
0x38: {  	s23 =	spop (v2sf);
	(v2sf) =	vpush v9, $0xA  }
0x39: {  	s25 =	sand.u32 $0xFFFFF80, s23;
	s24 =	spop (v2sf)  }
0x3a: {  	s25 =	sadd.s32 s0, s25;
	s26 =	sand.u32 $0xFFFFF80, s24  }
0x3b: {  	[tilespmem:s15], [sflag:$0x6] =	stream.strided.gather [hbm4b:s25+s9], $0x2000, s8, s9, $0x38;
	[tilespmem:$0x1E200] =	vst v63  }
0x3c: {  	s25 =	spop (v2sf);
	s26 =	sadd.s32 s0, s26  }
0x3d: {  	[tilespmem:s16], [sflag:$0x7] =	stream.strided.gather [hbm4b:s26+s9], $0x2000, s8, s9, $0x38;
	[tilespmem:$0x1E200] =	vst v63  }
0x3e: {  	s28 =	sand.u32 $0xFFFFF80, s25;
	s26 =	spop (v2sf)  }
0x3f: {  	s28 =	sadd.s32 s0, s28;
	s29 =	sand.u32 $0xFFFFF80, s26  }
0x40: {  	[tilespmem:s17], [sflag:$0x8] =	stream.strided.gather [hbm4b:s28+s9], $0x2000, s8, s9, $0x38;
	[tilespmem:$0x1E200] =	vst v63  }
0x41: {  	s29 =	sadd.s32 s0, s29  }
0x42: {  	[tilespmem:s18], [sflag:$0x9] =	stream.strided.gather [hbm4b:s29+s9], $0x2000, s8, s9, $0x38;
	[tilespmem:$0x1E200] =	vst v63  }
0x43: {  	s28 =	spop (v2sf)  }
0x44: {  	s30 =	sand.u32 $0xFFFFF80, s28  }
0x45: {  	s29 =	sadd.s32 s0, s30  }
0x46: {  	[tilespmem:s19], [sflag:$0xA] =	stream.strided.gather [hbm4b:s29+s9], $0x2000, s8, s9, $0x38;
	[tilespmem:$0x1E200] =	vst v63  }
0x47: {  	s29 =	spop (v2sf)  }
0x48: {  	s31 =	sadd.s32 $0xFFFFFFE1, s4;
	s6 =	sand.u32 $0x7F, s6;
	s30 =	sand.u32 $0xFFFFF80, s29  }
0x49: {  	v10 =	vor.u32 s6, v0;
	s10 =	simm.s32 $0x14200;
	s1 =	simm.s32 $0x1;
	s30 =	sadd.s32 s0, s30  }
0x4a: {  	v11 =	vmov s31;
	[tilespmem:s10], [sflag:$0xB] =	stream.strided.gather [hbm4b:s30+s9], $0x2000, s8, s9, $0x38;
	[tilespmem:$0x1E200] =	vst v63  }
0x4b: {  	v12 =	vshll.u32 v11, $0x3;
	_ =	swait.ge [sflag:s1], $0x2000  }
0x4c: {  	v11 =	vand.u32 $0x60, v11;
	v12 =	vand.u32 $0xC00, v12;
	[sflag:s1] =	ssyncset.done $0x0  }
0x4d: {  	v11 =	vor.u32 v11, v12;
	s11 =	simm.s32 $0x200;
	[sflag:s1] =	ssyncadd.s32 $0xFFFFE000  }
0x4e: {  	v12 =	vor.u32 v1, v11;
	v10 =	vld.idx.msk [tilespmem:v10+s11+$0x0], $0xffff  }
0x4f: {  	v13 =	vor.u32 s6, v2;
	_ =	sdelay $0x3  }
0x50: {  	[tilespmem:v12+s22+$0x0] =	vst.idx.msk $0xffff, v10  }
0x51: {  	v43 =	vor.u32 v3, v11;
	(v2sf) =	vpush v9, $0xB;
	v10 =	vld.idx.msk [tilespmem:v13+s11+$0x0], $0xffff  }
0x52: {  	v44 =	vor.u32 s6, v4;
	_ =	sdelay $0x3  }
0x53: {  	[tilespmem:v43+s22+$0x0] =	vst.idx.msk $0xffff, v10  }
0x54: {  	v45 =	vor.u32 v5, v11;
	v10 =	vld.idx.msk [tilespmem:v44+s11+$0x0], $0xffff  }
0x55: {  	v46 =	vor.u32 s6, v6;
	_ =	sdelay $0x3  }
0x56: {  	[tilespmem:v45+s22+$0x0] =	vst.idx.msk $0xffff, v10  }
0x57: {  	v11 =	vor.u32 v7, v11;
	v10 =	vld.idx.msk [tilespmem:v46+s11+$0x0], $0xffff;
	_ =	sdelay $0x2  }
0x58: {  	s6 =	spop (v2sf)  }
0x59: {  	s7 =	sand.u32 $0x7F, s7;
	s31 =	sand.u32 $0xFFFFF80, s6  }
0x5a: {  	v47 =	vor.u32 s7, v0;
	s30 =	sadd.s32 s0, s31;
	s31 =	sadd.s32 $0xFFFFFFE2, s4;
	[tilespmem:v11+s22+$0x0] =	vst.idx.msk $0xffff, v10  }
0x5b: {  	v48 =	vmov s31;
	[tilespmem:s11], [sflag:$0x1] =	stream.strided.gather [hbm4b:s30+s9], $0x2000, s8, s9, $0x38;
	[tilespmem:$0x1E200] =	vst v63  }
0x5c: {  	v49 =	vshll.u32 v48, $0x3;
	_ =	swait.ge [sflag:s20], $0x2000  }
0x5d: {  	v12 =	vand.u32 $0xC00, v49;
	v11 =	vand.u32 $0x61, v48;
	[sflag:s20] =	ssyncset.done $0x0  }
0x5e: {  	s12 =	simm.s32 $0x2200;
	v11 =	vor.u32 v11, v12;
	[sflag:s20] =	ssyncadd.s32 $0xFFFFE000  }
0x5f: {  	v12 =	vor.u32 v1, v11;
	v10 =	vld.idx.msk [tilespmem:v47+s12+$0x0], $0xffff  }
0x60: {  	v50 =	vor.u32 s7, v2;
	_ =	sdelay $0x3  }
0x61: {  	[tilespmem:v12+s22+$0x0] =	vst.idx.msk $0xffff, v10  }
0x62: {  	v51 =	vor.u32 v3, v11;
	(v2sf) =	vpush v9, $0xC;
	v10 =	vld.idx.msk [tilespmem:v50+s12+$0x0], $0xffff  }
0x63: {  	v52 =	vor.u32 s7, v4;
	_ =	sdelay $0x3  }
0x64: {  	[tilespmem:v51+s22+$0x0] =	vst.idx.msk $0xffff, v10  }
0x65: {  	v53 =	vor.u32 v5, v11;
	v10 =	vld.idx.msk [tilespmem:v52+s12+$0x0], $0xffff  }
0x66: {  	v54 =	vor.u32 s7, v6;
	_ =	sdelay $0x3  }
0x67: {  	[tilespmem:v53+s22+$0x0] =	vst.idx.msk $0xffff, v10  }
0x68: {  	v11 =	vor.u32 v7, v11;
	v10 =	vld.idx.msk [tilespmem:v54+s12+$0x0], $0xffff;
	_ =	sdelay $0x2  }
0x69: {  	s7 =	spop (v2sf)  }
0x6a: {  	s3 =	sand.u32 $0x7F, s3;
	s31 =	sand.u32 $0xFFFFF80, s7  }
0x6b: {  	s13 =	simm.s32 $0x3;
	v55 =	vor.u32 s3, v0;
	s30 =	sadd.s32 s0, s31;
	s31 =	sadd.s32 $0xFFFFFFE3, s4;
	[tilespmem:v11+s22+$0x0] =	vst.idx.msk $0xffff, v10  }
0x6c: {  	v56 =	vmov s31;
	[tilespmem:s12], [sflag:$0x2] =	stream.strided.gather [hbm4b:s30+s9], $0x2000, s8, s9, $0x38;
	[tilespmem:$0x1E200] =	vst v63  }
0x6d: {  	v57 =	vshll.u32 v56, $0x3;
	_ =	swait.ge [sflag:s13], $0x2000  }
0x6e: {  	v12 =	vand.u32 $0xC00, v57;
	v11 =	vand.u32 $0x62, v56;
	[sflag:s13] =	ssyncset.done $0x0  }
0x6f: {  	s11 =	simm.s32 $0x4200;
	v11 =	vor.u32 v11, v12;
	[sflag:s13] =	ssyncadd.s32 $0xFFFFE000  }
0x70: {  	v12 =	vor.u32 v1, v11;
	v10 =	vld.idx.msk [tilespmem:v55+s11+$0x0], $0xffff  }
0x71: {  	v58 =	vor.u32 s3, v2;
	_ =	sdelay $0x3  }
0x72: {  	(v2sf) =	vpush v9, $0xD;
	[tilespmem:v12+s22+$0x0] =	vst.idx.msk $0xffff, v10  }
0x73: {  	v59 =	vor.u32 v3, v11;
	v10 =	vld.idx.msk [tilespmem:v58+s11+$0x0], $0xffff  }
0x74: {  	v60 =	vor.u32 s3, v4;
	_ =	sdelay $0x3  }
0x75: {  	[tilespmem:v59+s22+$0x0] =	vst.idx.msk $0xffff, v10  }
0x76: {  	v61 =	vor.u32 v5, v11;
	v10 =	vld.idx.msk [tilespmem:v60+s11+$0x0], $0xffff  }
0x77: {  	v62 =	vor.u32 s3, v6;
	_ =	sdelay $0x3  }
0x78: {  	[tilespmem:v61+s22+$0x0] =	vst.idx.msk $0xffff, v10  }
0x79: {  	v11 =	vor.u32 v7, v11;
	v10 =	vld.idx.msk [tilespmem:v62+s11+$0x0], $0xffff;
	_ =	sdelay $0x1  }
0x7a: {  	s3 =	spop (v2sf)  }
0x7b: {  	s31 =	sand.u32 $0xFFFFF80, s3  }
0x7c: {  	s2 =	sand.u32 $0x7F, s2;
	s30 =	sadd.s32 s0, s31;
	s31 =	sadd.s32 $0xFFFFFFE4, s4  }
0x7d: {  	v63 =	vor.u32 s2, v0;
	v16 =	vmov s31;
	s31 =	simm.s32 $0x4;
	[tilespmem:v11+s22+$0x0] =	vst.idx.msk $0xffff, v10  }
0x7e: {  	[tilespmem:s11], [sflag:$0x3] =	stream.strided.gather [hbm4b:s30+s9], $0x2000, s8, s9, $0x38;
	[tilespmem:$0x1E200] =	vst v63  }
0x7f: {  	v17 =	vshll.u32 v16, $0x3;
	_ =	swait.ge [sflag:s31], $0x2000;
	s31 =	simm.s32 $0x4  }
0x80: {  	v12 =	vand.u32 $0xC00, v17;
	v11 =	vand.u32 $0x63, v16;
	[sflag:s31] =	ssyncset.done $0x0;
	s31 =	simm.s32 $0x4  }
0x81: {  	s14 =	simm.s32 $0x6200;
	v11 =	vor.u32 v11, v12;
	[sflag:s31] =	ssyncadd.s32 $0xFFFFE000  }
0x82: {  	v12 =	vor.u32 v1, v11;
	v10 =	vld.idx.msk [tilespmem:v63+s14+$0x0], $0xffff  }
0x83: {  	v18 =	vor.u32 s2, v2;
	_ =	sdelay $0x3  }
0x84: {  	(v2sf) =	vpush v9, $0xE;
	[tilespmem:v12+s22+$0x0] =	vst.idx.msk $0xffff, v10  }
0x85: {  	v19 =	vor.u32 v3, v11;
	v10 =	vld.idx.msk [tilespmem:v18+s14+$0x0], $0xffff  }
0x86: {  	v20 =	vor.u32 s2, v4;
	_ =	sdelay $0x3  }
0x87: {  	[tilespmem:v19+s22+$0x0] =	vst.idx.msk $0xffff, v10  }
0x88: {  	v21 =	vor.u32 v5, v11;
	v10 =	vld.idx.msk [tilespmem:v20+s14+$0x0], $0xffff  }
0x89: {  	v22 =	vor.u32 s2, v6;
	_ =	sdelay $0x3  }
0x8a: {  	[tilespmem:v21+s22+$0x0] =	vst.idx.msk $0xffff, v10  }
0x8b: {  	v11 =	vor.u32 v7, v11;
	v10 =	vld.idx.msk [tilespmem:v22+s14+$0x0], $0xffff;
	_ =	sdelay $0x1  }
0x8c: {  	s2 =	spop (v2sf)  }
0x8d: {  	s31 =	sand.u32 $0xFFFFF80, s2  }
0x8e: {  	s21 =	sand.u32 $0x7F, s21;
	s30 =	sadd.s32 s0, s31;
	s31 =	sadd.s32 $0xFFFFFFE5, s4  }
0x8f: {  	v23 =	vor.u32 s21, v0;
	v24 =	vmov s31;
	s31 =	simm.s32 $0x5;
	[tilespmem:v11+s22+$0x0] =	vst.idx.msk $0xffff, v10  }
0x90: {  	[tilespmem:s14], [sflag:$0x4] =	stream.strided.gather [hbm4b:s30+s9], $0x2000, s8, s9, $0x38;
	[tilespmem:$0x1E200] =	vst v63  }
0x91: {  	v25 =	vshll.u32 v24, $0x3;
	_ =	swait.ge [sflag:s31], $0x2000;
	s31 =	simm.s32 $0x5  }
0x92: {  	v12 =	vand.u32 $0xC00, v25;
	v11 =	vand.u32 $0x64, v24;
	[sflag:s31] =	ssyncset.done $0x0;
	s31 =	simm.s32 $0x5  }
0x93: {  	s14 =	simm.s32 $0x8200;
	v11 =	vor.u32 v11, v12;
	[sflag:s31] =	ssyncadd.s32 $0xFFFFE000  }
0x94: {  	v12 =	vor.u32 v1, v11;
	v10 =	vld.idx.msk [tilespmem:v23+s14+$0x0], $0xffff  }
0x95: {  	v26 =	vor.u32 s21, v2;
	_ =	sdelay $0x3  }
0x96: {  	(v2sf) =	vpush v9, $0xF;
	[tilespmem:v12+s22+$0x0] =	vst.idx.msk $0xffff, v10  }
0x97: {  	v27 =	vor.u32 v3, v11;
	v10 =	vld.idx.msk [tilespmem:v26+s14+$0x0], $0xffff  }
0x98: {  	v28 =	vor.u32 s21, v4;
	_ =	sdelay $0x3  }
0x99: {  	[tilespmem:v27+s22+$0x0] =	vst.idx.msk $0xffff, v10  }
0x9a: {  	v29 =	vor.u32 v5, v11;
	v9 =	vld.idx.msk [tilespmem:v28+s14+$0x0], $0xffff  }
0x9b: {  	v30 =	vor.u32 s21, v6;
	_ =	sdelay $0x3  }
0x9c: {  	[tilespmem:v29+s22+$0x0] =	vst.idx.msk $0xffff, v9  }
0x9d: {  	v31 =	vor.u32 v7, v11;
	v9 =	vld.idx.msk [tilespmem:v30+s14+$0x0], $0xffff;
	_ =	sdelay $0x1  }
0x9e: {  	s21 =	spop (v2sf)  }
0x9f: {  	s31 =	sand.u32 $0xFFFFF80, s21  }
0xa0: {  	s23 =	sand.u32 $0x7F, s23;
	s30 =	sadd.s32 s0, s31;
	s31 =	sadd.s32 $0xFFFFFFE6, s4  }
0xa1: {  	v32 =	vor.u32 s23, v0;
	v33 =	vmov s31;
	s31 =	simm.s32 $0x6;
	[tilespmem:v31+s22+$0x0] =	vst.idx.msk $0xffff, v9  }
0xa2: {  	[tilespmem:s14], [sflag:$0x5] =	stream.strided.gather [hbm4b:s30+s9], $0x2000, s8, s9, $0x38;
	[tilespmem:$0x1E200] =	vst v63  }
0xa3: {  	v34 =	vshll.u32 v33, $0x3;
	_ =	swait.ge [sflag:s31], $0x2000;
	s31 =	simm.s32 $0x6  }
0xa4: {  	v10 =	vand.u32 $0x65, v33;
	v11 =	vand.u32 $0xC00, v34;
	[sflag:s31] =	ssyncset.done $0x0;
	s31 =	simm.s32 $0x6  }
0xa5: {  	v10 =	vor.u32 v10, v11;
	[sflag:s31] =	ssyncadd.s32 $0xFFFFE000  }
0xa6: {  	v11 =	vor.u32 v1, v10;
	v9 =	vld.idx.msk [tilespmem:v32+s15+$0x0], $0xffff  }
0xa7: {  	v35 =	vor.u32 s23, v2;
	_ =	sdelay $0x3  }
0xa8: {  	(v2sf) =	vpush v8, $0x0;
	[tilespmem:v11+s22+$0x0] =	vst.idx.msk $0xffff, v9  }
0xa9: {  	v36 =	vor.u32 v3, v10;
	v9 =	vld.idx.msk [tilespmem:v35+s15+$0x0], $0xffff  }
0xaa: {  	v37 =	vor.u32 s23, v4;
	_ =	sdelay $0x3  }
0xab: {  	[tilespmem:v36+s22+$0x0] =	vst.idx.msk $0xffff, v9  }
0xac: {  	v38 =	vor.u32 v5, v10;
	v9 =	vld.idx.msk [tilespmem:v37+s15+$0x0], $0xffff  }
0xad: {  	v39 =	vor.u32 s23, v6;
	_ =	sdelay $0x3  }
0xae: {  	[tilespmem:v38+s22+$0x0] =	vst.idx.msk $0xffff, v9  }
0xaf: {  	v10 =	vor.u32 v7, v10;
	v9 =	vld.idx.msk [tilespmem:v39+s15+$0x0], $0xffff;
	_ =	sdelay $0x1  }
0xb0: {  	s23 =	spop (v2sf)  }
0xb1: {  	s31 =	sand.u32 $0xFFFFF80, s23  }
0xb2: {  	s24 =	sand.u32 $0x7F, s24;
	s30 =	sadd.s32 s0, s31;
	s31 =	sadd.s32 $0xFFFFFFE7, s4  }
0xb3: {  	v40 =	vor.u32 s24, v0;
	v41 =	vmov s31;
	s31 =	simm.s32 $0x7;
	[tilespmem:v10+s22+$0x0] =	vst.idx.msk $0xffff, v9  }
0xb4: {  	[tilespmem:s15], [sflag:$0x6] =	stream.strided.gather [hbm4b:s30+s9], $0x2000, s8, s9, $0x38;
	[tilespmem:$0x1E200] =	vst v63  }
0xb5: {  	v42 =	vshll.u32 v41, $0x3;
	_ =	swait.ge [sflag:s31], $0x2000;
	s31 =	simm.s32 $0x7  }
0xb6: {  	v11 =	vand.u32 $0xC00, v42;
	v10 =	vand.u32 $0x66, v41;
	[sflag:s31] =	ssyncset.done $0x0;
	s31 =	simm.s32 $0x7  }
0xb7: {  	v10 =	vor.u32 v10, v11;
	[sflag:s31] =	ssyncadd.s32 $0xFFFFE000  }
0xb8: {  	v11 =	vor.u32 v1, v10;
	v9 =	vld.idx.msk [tilespmem:v40+s16+$0x0], $0xffff  }
0xb9: {  	v43 =	vor.u32 s24, v2;
	_ =	sdelay $0x3  }
0xba: {  	(v2sf) =	vpush v8, $0x1;
	[tilespmem:v11+s22+$0x0] =	vst.idx.msk $0xffff, v9  }
0xbb: {  	v44 =	vor.u32 v3, v10;
	v9 =	vld.idx.msk [tilespmem:v43+s16+$0x0], $0xffff  }
0xbc: {  	v45 =	vor.u32 s24, v4;
	_ =	sdelay $0x3  }
0xbd: {  	[tilespmem:v44+s22+$0x0] =	vst.idx.msk $0xffff, v9  }
0xbe: {  	v46 =	vor.u32 v5, v10;
	v9 =	vld.idx.msk [tilespmem:v45+s16+$0x0], $0xffff  }
0xbf: {  	v47 =	vor.u32 s24, v6;
	_ =	sdelay $0x3  }
0xc0: {  	[tilespmem:v46+s22+$0x0] =	vst.idx.msk $0xffff, v9  }
0xc1: {  	v10 =	vor.u32 v7, v10;
	v9 =	vld.idx.msk [tilespmem:v47+s16+$0x0], $0xffff;
	_ =	sdelay $0x1  }
0xc2: {  	s24 =	spop (v2sf)  }
0xc3: {  	s31 =	sand.u32 $0xFFFFF80, s24  }
0xc4: {  	s25 =	sand.u32 $0x7F, s25;
	s30 =	sadd.s32 s0, s31;
	s31 =	sadd.s32 $0xFFFFFFE8, s4  }
0xc5: {  	v48 =	vor.u32 s25, v0;
	v49 =	vmov s31;
	s31 =	simm.s32 $0x8;
	[tilespmem:v10+s22+$0x0] =	vst.idx.msk $0xffff, v9  }
0xc6: {  	[tilespmem:s16], [sflag:$0x7] =	stream.strided.gather [hbm4b:s30+s9], $0x2000, s8, s9, $0x38;
	[tilespmem:$0x1E200] =	vst v63  }
0xc7: {  	v50 =	vshll.u32 v49, $0x3;
	_ =	swait.ge [sflag:s31], $0x2000;
	s31 =	simm.s32 $0x8  }
0xc8: {  	v11 =	vand.u32 $0xC00, v50;
	v10 =	vand.u32 $0x67, v49;
	[sflag:s31] =	ssyncset.done $0x0;
	s31 =	simm.s32 $0x8  }
0xc9: {  	v10 =	vor.u32 v10, v11;
	[sflag:s31] =	ssyncadd.s32 $0xFFFFE000  }
0xca: {  	v11 =	vor.u32 v1, v10;
	v9 =	vld.idx.msk [tilespmem:v48+s17+$0x0], $0xffff  }
0xcb: {  	v51 =	vor.u32 s25, v2;
	_ =	sdelay $0x3  }
0xcc: {  	(v2sf) =	vpush v8, $0x2;
	[tilespmem:v11+s22+$0x0] =	vst.idx.msk $0xffff, v9  }
0xcd: {  	v52 =	vor.u32 v3, v10;
	v9 =	vld.idx.msk [tilespmem:v51+s17+$0x0], $0xffff  }
0xce: {  	v53 =	vor.u32 s25, v4;
	_ =	sdelay $0x3  }
0xcf: {  	[tilespmem:v52+s22+$0x0] =	vst.idx.msk $0xffff, v9  }
0xd0: {  	v54 =	vor.u32 v5, v10;
	v9 =	vld.idx.msk [tilespmem:v53+s17+$0x0], $0xffff  }
0xd1: {  	v55 =	vor.u32 s25, v6;
	_ =	sdelay $0x3  }
0xd2: {  	[tilespmem:v54+s22+$0x0] =	vst.idx.msk $0xffff, v9  }
0xd3: {  	v10 =	vor.u32 v7, v10;
	v9 =	vld.idx.msk [tilespmem:v55+s17+$0x0], $0xffff;
	_ =	sdelay $0x1  }
0xd4: {  	s25 =	spop (v2sf)  }
0xd5: {  	s31 =	sand.u32 $0xFFFFF80, s25  }
0xd6: {  	s26 =	sand.u32 $0x7F, s26;
	s30 =	sadd.s32 s0, s31;
	s31 =	sadd.s32 $0xFFFFFFE9, s4  }
0xd7: {  	v56 =	vor.u32 s26, v0;
	v57 =	vmov s31;
	s31 =	simm.s32 $0x9;
	[tilespmem:v10+s22+$0x0] =	vst.idx.msk $0xffff, v9  }
0xd8: {  	[tilespmem:s17], [sflag:$0x8] =	stream.strided.gather [hbm4b:s30+s9], $0x2000, s8, s9, $0x38;
	[tilespmem:$0x1E200] =	vst v63  }
0xd9: {  	v58 =	vshll.u32 v57, $0x3;
	_ =	swait.ge [sflag:s31], $0x2000;
	s31 =	simm.s32 $0x9  }
0xda: {  	v11 =	vand.u32 $0xC00, v58;
	v10 =	vand.u32 $0x68, v57;
	[sflag:s31] =	ssyncset.done $0x0;
	s31 =	simm.s32 $0x9  }
0xdb: {  	v10 =	vor.u32 v10, v11;
	[sflag:s31] =	ssyncadd.s32 $0xFFFFE000  }
0xdc: {  	v11 =	vor.u32 v1, v10;
	v9 =	vld.idx.msk [tilespmem:v56+s18+$0x0], $0xffff  }
0xdd: {  	v59 =	vor.u32 s26, v2;
	_ =	sdelay $0x3  }
0xde: {  	(v2sf) =	vpush v8, $0x3;
	[tilespmem:v11+s22+$0x0] =	vst.idx.msk $0xffff, v9  }
0xdf: {  	v60 =	vor.u32 v3, v10;
	v9 =	vld.idx.msk [tilespmem:v59+s18+$0x0], $0xffff  }
0xe0: {  	v61 =	vor.u32 s26, v4;
	_ =	sdelay $0x3  }
0xe1: {  	[tilespmem:v60+s22+$0x0] =	vst.idx.msk $0xffff, v9  }
0xe2: {  	v62 =	vor.u32 v5, v10;
	v9 =	vld.idx.msk [tilespmem:v61+s18+$0x0], $0xffff  }
0xe3: {  	v63 =	vor.u32 s26, v6;
	_ =	sdelay $0x3  }
0xe4: {  	[tilespmem:v62+s22+$0x0] =	vst.idx.msk $0xffff, v9  }
0xe5: {  	v10 =	vor.u32 v7, v10;
	v9 =	vld.idx.msk [tilespmem:v63+s18+$0x0], $0xffff;
	_ =	sdelay $0x1  }
0xe6: {  	s26 =	spop (v2sf)  }
0xe7: {  	s31 =	sand.u32 $0xFFFFF80, s26  }
0xe8: {  	s28 =	sand.u32 $0x7F, s28;
	s30 =	sadd.s32 s0, s31;
	s31 =	sadd.s32 $0xFFFFFFEA, s4  }
0xe9: {  	v16 =	vor.u32 s28, v0;
	v17 =	vmov s31;
	s31 =	simm.s32 $0xA;
	[tilespmem:v10+s22+$0x0] =	vst.idx.msk $0xffff, v9  }
0xea: {  	[tilespmem:s18], [sflag:$0x9] =	stream.strided.gather [hbm4b:s30+s9], $0x2000, s8, s9, $0x38;
	[tilespmem:$0x1E200] =	vst v63  }
0xeb: {  	v18 =	vshll.u32 v17, $0x3;
	_ =	swait.ge [sflag:s31], $0x2000;
	s31 =	simm.s32 $0xA  }
0xec: {  	v11 =	vand.u32 $0xC00, v18;
	v10 =	vand.u32 $0x69, v17;
	[sflag:s31] =	ssyncset.done $0x0;
	s31 =	simm.s32 $0xA  }
0xed: {  	v10 =	vor.u32 v10, v11;
	[sflag:s31] =	ssyncadd.s32 $0xFFFFE000  }
0xee: {  	v11 =	vor.u32 v1, v10;
	v9 =	vld.idx.msk [tilespmem:v16+s19+$0x0], $0xffff  }
0xef: {  	v19 =	vor.u32 s28, v2;
	_ =	sdelay $0x3  }
0xf0: {  	(v2sf) =	vpush v8, $0x4;
	[tilespmem:v11+s22+$0x0] =	vst.idx.msk $0xffff, v9  }
0xf1: {  	v20 =	vor.u32 v3, v10;
	v9 =	vld.idx.msk [tilespmem:v19+s19+$0x0], $0xffff  }
0xf2: {  	v21 =	vor.u32 s28, v4;
	_ =	sdelay $0x3  }
0xf3: {  	[tilespmem:v20+s22+$0x0] =	vst.idx.msk $0xffff, v9  }
0xf4: {  	v22 =	vor.u32 v5, v10;
	v9 =	vld.idx.msk [tilespmem:v21+s19+$0x0], $0xffff  }
0xf5: {  	v23 =	vor.u32 s28, v6;
	_ =	sdelay $0x3  }
0xf6: {  	[tilespmem:v22+s22+$0x0] =	vst.idx.msk $0xffff, v9  }
0xf7: {  	v10 =	vor.u32 v7, v10;
	v9 =	vld.idx.msk [tilespmem:v23+s19+$0x0], $0xffff;
	_ =	sdelay $0x1  }
0xf8: {  	s28 =	spop (v2sf)  }
0xf9: {  	s31 =	sand.u32 $0xFFFFF80, s28  }
0xfa: {  	s29 =	sand.u32 $0x7F, s29;
	s30 =	sadd.s32 s0, s31;
	s31 =	sadd.s32 $0xFFFFFFEB, s4  }
0xfb: {  	v24 =	vor.u32 s29, v0;
	v25 =	vmov s31;
	s31 =	simm.s32 $0xB;
	[tilespmem:v10+s22+$0x0] =	vst.idx.msk $0xffff, v9  }
0xfc: {  	[tilespmem:s19], [sflag:$0xA] =	stream.strided.gather [hbm4b:s30+s9], $0x2000, s8, s9, $0x38;
	[tilespmem:$0x1E200] =	vst v63  }
0xfd: {  	v26 =	vshll.u32 v25, $0x3;
	_ =	swait.ge [sflag:s31], $0x2000;
	s31 =	simm.s32 $0xB  }
0xfe: {  	v11 =	vand.u32 $0xC00, v26;
	v10 =	vand.u32 $0x6A, v25;
	[sflag:s31] =	ssyncset.done $0x0;
	s31 =	simm.s32 $0xB  }
0xff: {  	v10 =	vor.u32 v10, v11;
	[sflag:s31] =	ssyncadd.s32 $0xFFFFE000  }
0x100: {  	v11 =	vor.u32 v1, v10;
	v9 =	vld.idx.msk [tilespmem:v24+s10+$0x0], $0xffff  }
0x101: {  	v27 =	vor.u32 s29, v2;
	_ =	sdelay $0x3  }
0x102: {  	[tilespmem:v11+s22+$0x0] =	vst.idx.msk $0xffff, v9  }
0x103: {  	v28 =	vor.u32 v3, v10;
	(v2sf) =	vpush v8, $0x5;
	v9 =	vld.idx.msk [tilespmem:v27+s10+$0x0], $0xffff  }
0x104: {  	v29 =	vor.u32 s29, v4;
	_ =	sdelay $0x3  }
0x105: {  	[tilespmem:v28+s22+$0x0] =	vst.idx.msk $0xffff, v9  }
0x106: {  	v30 =	vor.u32 v5, v10;
	v9 =	vld.idx.msk [tilespmem:v29+s10+$0x0], $0xffff  }
0x107: {  	v31 =	vor.u32 s29, v6;
	_ =	sdelay $0x3  }
0x108: {  	[tilespmem:v30+s22+$0x0] =	vst.idx.msk $0xffff, v9  }
0x109: {  	v10 =	vor.u32 v7, v10;
	v9 =	vld.idx.msk [tilespmem:v31+s10+$0x0], $0xffff;
	_ =	sdelay $0x2  }
0x10a: {  	s29 =	spop (v2sf)  }
0x10b: {  	s6 =	sand.u32 $0x7F, s6;
	s31 =	sand.u32 $0xFFFFF80, s29  }
0x10c: {  	v32 =	vor.u32 s6, v0;
	s30 =	sadd.s32 s0, s31;
	s31 =	sadd.s32 $0xFFFFFFEC, s4;
	[tilespmem:v10+s22+$0x0] =	vst.idx.msk $0xffff, v9  }
0x10d: {  	v33 =	vmov s31;
	[tilespmem:s10], [sflag:$0xB] =	stream.strided.gather [hbm4b:s30+s9], $0x2000, s8, s9, $0x38;
	[tilespmem:$0x1E200] =	vst v63  }
0x10e: {  	v34 =	vshll.u32 v33, $0x3;
	_ =	swait.ge [sflag:s1], $0x2000  }
0x10f: {  	v11 =	vand.u32 $0xC00, v34;
	v10 =	vand.u32 $0x6B, v33;
	[sflag:s1] =	ssyncset.done $0x0  }
0x110: {  	s10 =	simm.s32 $0x200;
	v10 =	vor.u32 v10, v11;
	[sflag:s1] =	ssyncadd.s32 $0xFFFFE000  }
0x111: {  	v11 =	vor.u32 v1, v10;
	v9 =	vld.idx.msk [tilespmem:v32+s10+$0x0], $0xffff  }
0x112: {  	v35 =	vor.u32 s6, v2;
	_ =	sdelay $0x3  }
0x113: {  	[tilespmem:v11+s22+$0x0] =	vst.idx.msk $0xffff, v9  }
0x114: {  	v36 =	vor.u32 v3, v10;
	(v2sf) =	vpush v8, $0x6;
	v9 =	vld.idx.msk [tilespmem:v35+s10+$0x0], $0xffff  }
0x115: {  	v37 =	vor.u32 s6, v4;
	_ =	sdelay $0x3  }
0x116: {  	[tilespmem:v36+s22+$0x0] =	vst.idx.msk $0xffff, v9  }
0x117: {  	v38 =	vor.u32 v5, v10;
	v9 =	vld.idx.msk [tilespmem:v37+s10+$0x0], $0xffff  }
0x118: {  	v39 =	vor.u32 s6, v6;
	_ =	sdelay $0x3  }
0x119: {  	[tilespmem:v38+s22+$0x0] =	vst.idx.msk $0xffff, v9  }
0x11a: {  	v10 =	vor.u32 v7, v10;
	v9 =	vld.idx.msk [tilespmem:v39+s10+$0x0], $0xffff;
	_ =	sdelay $0x2  }
0x11b: {  	s6 =	spop (v2sf)  }
0x11c: {  	s7 =	sand.u32 $0x7F, s7;
	s31 =	sand.u32 $0xFFFFF80, s6  }
0x11d: {  	v40 =	vor.u32 s7, v0;
	s1 =	sadd.s32 $0xFFFFFFED, s4;
	s30 =	sadd.s32 s0, s31;
	[tilespmem:v10+s22+$0x0] =	vst.idx.msk $0xffff, v9  }
0x11e: {  	v41 =	vmov s1;
	[tilespmem:s10], [sflag:$0x1] =	stream.strided.gather [hbm4b:s30+s9], $0x2000, s8, s9, $0x38;
	[tilespmem:$0x1E200] =	vst v63  }
0x11f: {  	v42 =	vshll.u32 v41, $0x3;
	_ =	swait.ge [sflag:s20], $0x2000  }
0x120: {  	v11 =	vand.u32 $0xC00, v42;
	v10 =	vand.u32 $0x6C, v41;
	[sflag:s20] =	ssyncset.done $0x0  }
0x121: {  	v10 =	vor.u32 v10, v11;
	[sflag:s20] =	ssyncadd.s32 $0xFFFFE000  }
0x122: {  	v11 =	vor.u32 v1, v10;
	v9 =	vld.idx.msk [tilespmem:v40+s12+$0x0], $0xffff  }
0x123: {  	v43 =	vor.u32 s7, v2;
	_ =	sdelay $0x3  }
0x124: {  	[tilespmem:v11+s22+$0x0] =	vst.idx.msk $0xffff, v9  }
0x125: {  	v44 =	vor.u32 v3, v10;
	(v2sf) =	vpush v8, $0x7;
	v9 =	vld.idx.msk [tilespmem:v43+s12+$0x0], $0xffff  }
0x126: {  	v45 =	vor.u32 s7, v4;
	_ =	sdelay $0x3  }
0x127: {  	[tilespmem:v44+s22+$0x0] =	vst.idx.msk $0xffff, v9  }
0x128: {  	v46 =	vor.u32 v5, v10;
	v9 =	vld.idx.msk [tilespmem:v45+s12+$0x0], $0xffff  }
0x129: {  	v47 =	vor.u32 s7, v6;
	_ =	sdelay $0x3  }
0x12a: {  	[tilespmem:v46+s22+$0x0] =	vst.idx.msk $0xffff, v9  }
0x12b: {  	v10 =	vor.u32 v7, v10;
	v9 =	vld.idx.msk [tilespmem:v47+s12+$0x0], $0xffff;
	_ =	sdelay $0x2  }
0x12c: {  	s7 =	spop (v2sf)  }
0x12d: {  	s3 =	sand.u32 $0x7F, s3;
	s31 =	sand.u32 $0xFFFFF80, s7  }
0x12e: {  	v48 =	vor.u32 s3, v0;
	s30 =	sadd.s32 s0, s31;
	s31 =	sadd.s32 $0xFFFFFFEE, s4;
	[tilespmem:v10+s22+$0x0] =	vst.idx.msk $0xffff, v9  }
0x12f: {  	v49 =	vmov s31;
	[tilespmem:s12], [sflag:$0x2] =	stream.strided.gather [hbm4b:s30+s9], $0x2000, s8, s9, $0x38;
	[tilespmem:$0x1E200] =	vst v63  }
0x130: {  	v50 =	vshll.u32 v49, $0x3;
	_ =	swait.ge [sflag:s13], $0x2000  }
0x131: {  	v11 =	vand.u32 $0xC00, v50;
	v10 =	vand.u32 $0x6D, v49;
	[sflag:s13] =	ssyncset.done $0x0  }
0x132: {  	v10 =	vor.u32 v10, v11;
	[sflag:s13] =	ssyncadd.s32 $0xFFFFE000  }
0x133: {  	v11 =	vor.u32 v1, v10;
	v9 =	vld.idx.msk [tilespmem:v48+s11+$0x0], $0xffff  }
0x134: {  	v51 =	vor.u32 s3, v2;
	_ =	sdelay $0x3  }
0x135: {  	[tilespmem:v11+s22+$0x0] =	vst.idx.msk $0xffff, v9  }
0x136: {  	v52 =	vor.u32 v3, v10;
	(v2sf) =	vpush v8, $0x8;
	v9 =	vld.idx.msk [tilespmem:v51+s11+$0x0], $0xffff  }
0x137: {  	v53 =	vor.u32 s3, v4;
	_ =	sdelay $0x3  }
0x138: {  	[tilespmem:v52+s22+$0x0] =	vst.idx.msk $0xffff, v9  }
0x139: {  	v54 =	vor.u32 v5, v10;
	v9 =	vld.idx.msk [tilespmem:v53+s11+$0x0], $0xffff  }
0x13a: {  	v55 =	vor.u32 s3, v6;
	_ =	sdelay $0x3  }
0x13b: {  	[tilespmem:v54+s22+$0x0] =	vst.idx.msk $0xffff, v9  }
0x13c: {  	v10 =	vor.u32 v7, v10;
	v9 =	vld.idx.msk [tilespmem:v55+s11+$0x0], $0xffff;
	_ =	sdelay $0x2  }
0x13d: {  	s3 =	spop (v2sf)  }
0x13e: {  	s31 =	sand.u32 $0xFFFFF80, s3  }
0x13f: {  	s2 =	sand.u32 $0x7F, s2;
	s13 =	sadd.s32 $0xFFFFFFEF, s4;
	s30 =	sadd.s32 s0, s31;
	[tilespmem:v10+s22+$0x0] =	vst.idx.msk $0xffff, v9  }
0x140: {  	v56 =	vor.u32 s2, v0;
	[tilespmem:s11], [sflag:$0x3] =	stream.strided.gather [hbm4b:s30+s9], $0x2000, s8, s9, $0x38;
	[tilespmem:$0x1E200] =	vst v63  }
0x141: {  	v57 =	vmov s13;
	s30 =	simm.s32 $0x4  }
0x142: {  	v58 =	vshll.u32 v57, $0x3;
	s31 =	simm.s32 $0x4;
	_ =	swait.ge [sflag:s30], $0x2000  }
0x143: {  	v11 =	vand.u32 $0xC00, v58;
	v10 =	vand.u32 $0x6E, v57;
	s30 =	simm.s32 $0x4;
	[sflag:s31] =	ssyncset.done $0x0  }
0x144: {  	s12 =	simm.s32 $0x6200;
	v10 =	vor.u32 v10, v11;
	[sflag:s30] =	ssyncadd.s32 $0xFFFFE000  }
0x145: {  	v11 =	vor.u32 v1, v10;
	v9 =	vld.idx.msk [tilespmem:v56+s12+$0x0], $0xffff  }
0x146: {  	v59 =	vor.u32 s2, v2;
	_ =	sdelay $0x3  }
0x147: {  	[tilespmem:v11+s22+$0x0] =	vst.idx.msk $0xffff, v9  }
0x148: {  	v60 =	vor.u32 v3, v10;
	(v2sf) =	vpush v8, $0x9;
	v9 =	vld.idx.msk [tilespmem:v59+s12+$0x0], $0xffff  }
0x149: {  	v61 =	vor.u32 s2, v4;
	_ =	sdelay $0x3  }
0x14a: {  	[tilespmem:v60+s22+$0x0] =	vst.idx.msk $0xffff, v9  }
0x14b: {  	v62 =	vor.u32 v5, v10;
	v9 =	vld.idx.msk [tilespmem:v61+s12+$0x0], $0xffff  }
0x14c: {  	v63 =	vor.u32 s2, v6;
	_ =	sdelay $0x3  }
0x14d: {  	[tilespmem:v62+s22+$0x0] =	vst.idx.msk $0xffff, v9  }
0x14e: {  	v10 =	vor.u32 v7, v10;
	v9 =	vld.idx.msk [tilespmem:v63+s12+$0x0], $0xffff;
	_ =	sdelay $0x2  }
0x14f: {  	s2 =	spop (v2sf)  }
0x150: {  	s21 =	sand.u32 $0x7F, s21;
	s31 =	sand.u32 $0xFFFFF80, s2  }
0x151: {  	v14 =	vor.u32 s21, v0;
	s13 =	sadd.s32 $0xFFFFFFF0, s4;
	s30 =	sadd.s32 s0, s31;
	s31 =	simm.s32 $0x5;
	[tilespmem:v10+s22+$0x0] =	vst.idx.msk $0xffff, v9  }
0x152: {  	v15 =	vmov s13;
	[tilespmem:s12], [sflag:$0x4] =	stream.strided.gather [hbm4b:s30+s9], $0x2000, s8, s9, $0x38;
	[tilespmem:$0x1E200] =	vst v63  }
0x153: {  	v16 =	vshll.u32 v15, $0x3;
	s30 =	simm.s32 $0x5;
	_ =	swait.ge [sflag:s31], $0x2000  }
0x154: {  	v11 =	vand.u32 $0xC00, v16;
	v10 =	vand.u32 $0x6F, v15;
	s31 =	simm.s32 $0x5;
	[sflag:s30] =	ssyncset.done $0x0  }
0x155: {  	v10 =	vor.u32 v10, v11;
	[sflag:s31] =	ssyncadd.s32 $0xFFFFE000  }
0x156: {  	v11 =	vor.u32 v1, v10;
	v9 =	vld.idx.msk [tilespmem:v14+s14+$0x0], $0xffff  }
0x157: {  	v17 =	vor.u32 s21, v2;
	_ =	sdelay $0x3  }
0x158: {  	[tilespmem:v11+s22+$0x0] =	vst.idx.msk $0xffff, v9  }
0x159: {  	v18 =	vor.u32 v3, v10;
	(v2sf) =	vpush v8, $0xA;
	v9 =	vld.idx.msk [tilespmem:v17+s14+$0x0], $0xffff  }
0x15a: {  	v19 =	vor.u32 s21, v4;
	_ =	sdelay $0x3  }
0x15b: {  	[tilespmem:v18+s22+$0x0] =	vst.idx.msk $0xffff, v9  }
0x15c: {  	v20 =	vor.u32 v5, v10;
	v9 =	vld.idx.msk [tilespmem:v19+s14+$0x0], $0xffff  }
0x15d: {  	v21 =	vor.u32 s21, v6;
	_ =	sdelay $0x3  }
0x15e: {  	[tilespmem:v20+s22+$0x0] =	vst.idx.msk $0xffff, v9  }
0x15f: {  	v10 =	vor.u32 v7, v10;
	v9 =	vld.idx.msk [tilespmem:v21+s14+$0x0], $0xffff;
	_ =	sdelay $0x2  }
0x160: {  	s21 =	spop (v2sf)  }
0x161: {  	s30 =	sand.u32 $0xFFFFF80, s21  }
0x162: {  	s23 =	sand.u32 $0x7F, s23;
	s13 =	sadd.s32 $0xFFFFFFF1, s4;
	s30 =	sadd.s32 s0, s30;
	[tilespmem:v10+s22+$0x0] =	vst.idx.msk $0xffff, v9  }
0x163: {  	v22 =	vor.u32 s23, v0;
	[tilespmem:s14], [sflag:$0x5] =	stream.strided.gather [hbm4b:s30+s9], $0x2000, s8, s9, $0x38;
	[tilespmem:$0x1E200] =	vst v63  }
0x164: {  	v23 =	vmov s13;
	s30 =	simm.s32 $0x6  }
0x165: {  	v24 =	vshll.u32 v23, $0x3;
	s31 =	simm.s32 $0x6;
	_ =	swait.ge [sflag:s30], $0x2000  }
0x166: {  	v11 =	vand.u32 $0xC00, v24;
	v10 =	vand.u32 $0x70, v23;
	s30 =	simm.s32 $0x6;
	[sflag:s31] =	ssyncset.done $0x0  }
0x167: {  	v10 =	vor.u32 v10, v11;
	[sflag:s30] =	ssyncadd.s32 $0xFFFFE000  }
0x168: {  	v11 =	vor.u32 v1, v10;
	v9 =	vld.idx.msk [tilespmem:v22+s15+$0x0], $0xffff  }
0x169: {  	v25 =	vor.u32 s23, v2;
	_ =	sdelay $0x3  }
0x16a: {  	[tilespmem:v11+s22+$0x0] =	vst.idx.msk $0xffff, v9  }
0x16b: {  	v26 =	vor.u32 v3, v10;
	(v2sf) =	vpush v8, $0xB;
	v9 =	vld.idx.msk [tilespmem:v25+s15+$0x0], $0xffff  }
0x16c: {  	v27 =	vor.u32 s23, v4;
	_ =	sdelay $0x3  }
0x16d: {  	[tilespmem:v26+s22+$0x0] =	vst.idx.msk $0xffff, v9  }
0x16e: {  	v28 =	vor.u32 v5, v10;
	v9 =	vld.idx.msk [tilespmem:v27+s15+$0x0], $0xffff  }
0x16f: {  	v29 =	vor.u32 s23, v6;
	_ =	sdelay $0x3  }
0x170: {  	[tilespmem:v28+s22+$0x0] =	vst.idx.msk $0xffff, v9  }
0x171: {  	v10 =	vor.u32 v7, v10;
	v9 =	vld.idx.msk [tilespmem:v29+s15+$0x0], $0xffff;
	_ =	sdelay $0x2  }
0x172: {  	s23 =	spop (v2sf)  }
0x173: {  	s31 =	sand.u32 $0xFFFFF80, s23  }
0x174: {  	s24 =	sand.u32 $0x7F, s24;
	s13 =	sadd.s32 $0xFFFFFFF2, s4;
	s30 =	sadd.s32 s0, s31;
	[tilespmem:v10+s22+$0x0] =	vst.idx.msk $0xffff, v9  }
0x175: {  	v30 =	vor.u32 s24, v0;
	[tilespmem:s15], [sflag:$0x6] =	stream.strided.gather [hbm4b:s30+s9], $0x2000, s8, s9, $0x38;
	[tilespmem:$0x1E200] =	vst v63  }
0x176: {  	v31 =	vmov s13;
	s30 =	simm.s32 $0x7  }
0x177: {  	v32 =	vshll.u32 v31, $0x3;
	s31 =	simm.s32 $0x7;
	_ =	swait.ge [sflag:s30], $0x2000  }
0x178: {  	v11 =	vand.u32 $0xC00, v32;
	v10 =	vand.u32 $0x71, v31;
	s30 =	simm.s32 $0x7;
	[sflag:s31] =	ssyncset.done $0x0  }
0x179: {  	v10 =	vor.u32 v10, v11;
	[sflag:s30] =	ssyncadd.s32 $0xFFFFE000  }
0x17a: {  	v11 =	vor.u32 v1, v10;
	v9 =	vld.idx.msk [tilespmem:v30+s16+$0x0], $0xffff  }
0x17b: {  	v33 =	vor.u32 s24, v2;
	_ =	sdelay $0x3  }
0x17c: {  	[tilespmem:v11+s22+$0x0] =	vst.idx.msk $0xffff, v9  }
0x17d: {  	v34 =	vor.u32 v3, v10;
	(v2sf) =	vpush v8, $0xC;
	v9 =	vld.idx.msk [tilespmem:v33+s16+$0x0], $0xffff  }
0x17e: {  	v35 =	vor.u32 s24, v4;
	_ =	sdelay $0x3  }
0x17f: {  	[tilespmem:v34+s22+$0x0] =	vst.idx.msk $0xffff, v9  }
0x180: {  	v36 =	vor.u32 v5, v10;
	v9 =	vld.idx.msk [tilespmem:v35+s16+$0x0], $0xffff  }
0x181: {  	v37 =	vor.u32 s24, v6;
	_ =	sdelay $0x3  }
0x182: {  	[tilespmem:v36+s22+$0x0] =	vst.idx.msk $0xffff, v9  }
0x183: {  	v10 =	vor.u32 v7, v10;
	v9 =	vld.idx.msk [tilespmem:v37+s16+$0x0], $0xffff;
	_ =	sdelay $0x2  }
0x184: {  	s24 =	spop (v2sf)  }
0x185: {  	s31 =	sand.u32 $0xFFFFF80, s24  }
0x186: {  	s25 =	sand.u32 $0x7F, s25;
	s13 =	sadd.s32 $0xFFFFFFF3, s4;
	s30 =	sadd.s32 s0, s31;
	[tilespmem:v10+s22+$0x0] =	vst.idx.msk $0xffff, v9  }
0x187: {  	v38 =	vor.u32 s25, v0;
	[tilespmem:s16], [sflag:$0x7] =	stream.strided.gather [hbm4b:s30+s9], $0x2000, s8, s9, $0x38;
	[tilespmem:$0x1E200] =	vst v63  }
0x188: {  	v39 =	vmov s13;
	s30 =	simm.s32 $0x8  }
0x189: {  	v40 =	vshll.u32 v39, $0x3;
	s31 =	simm.s32 $0x8;
	_ =	swait.ge [sflag:s30], $0x2000  }
0x18a: {  	v11 =	vand.u32 $0xC00, v40;
	v10 =	vand.u32 $0x72, v39;
	s30 =	simm.s32 $0x8;
	[sflag:s31] =	ssyncset.done $0x0  }
0x18b: {  	v10 =	vor.u32 v10, v11;
	[sflag:s30] =	ssyncadd.s32 $0xFFFFE000  }
0x18c: {  	v11 =	vor.u32 v1, v10;
	v9 =	vld.idx.msk [tilespmem:v38+s17+$0x0], $0xffff  }
0x18d: {  	v41 =	vor.u32 s25, v2;
	_ =	sdelay $0x3  }
0x18e: {  	[tilespmem:v11+s22+$0x0] =	vst.idx.msk $0xffff, v9  }
0x18f: {  	v42 =	vor.u32 v3, v10;
	(v2sf) =	vpush v8, $0xD;
	v9 =	vld.idx.msk [tilespmem:v41+s17+$0x0], $0xffff  }
0x190: {  	v43 =	vor.u32 s25, v4;
	_ =	sdelay $0x3  }
0x191: {  	[tilespmem:v42+s22+$0x0] =	vst.idx.msk $0xffff, v9  }
0x192: {  	v44 =	vor.u32 v5, v10;
	v9 =	vld.idx.msk [tilespmem:v43+s17+$0x0], $0xffff  }
0x193: {  	v45 =	vor.u32 s25, v6;
	_ =	sdelay $0x3  }
0x194: {  	[tilespmem:v44+s22+$0x0] =	vst.idx.msk $0xffff, v9  }
0x195: {  	v10 =	vor.u32 v7, v10;
	v9 =	vld.idx.msk [tilespmem:v45+s17+$0x0], $0xffff;
	_ =	sdelay $0x2  }
0x196: {  	s25 =	spop (v2sf)  }
0x197: {  	s31 =	sand.u32 $0xFFFFF80, s25  }
0x198: {  	s26 =	sand.u32 $0x7F, s26;
	s13 =	sadd.s32 $0xFFFFFFF4, s4;
	s30 =	sadd.s32 s0, s31;
	[tilespmem:v10+s22+$0x0] =	vst.idx.msk $0xffff, v9  }
0x199: {  	v46 =	vor.u32 s26, v0;
	[tilespmem:s17], [sflag:$0x8] =	stream.strided.gather [hbm4b:s30+s9], $0x2000, s8, s9, $0x38;
	[tilespmem:$0x1E200] =	vst v63  }
0x19a: {  	v47 =	vmov s13;
	s30 =	simm.s32 $0x9  }
0x19b: {  	v48 =	vshll.u32 v47, $0x3;
	s31 =	simm.s32 $0x9;
	_ =	swait.ge [sflag:s30], $0x2000  }
0x19c: {  	v11 =	vand.u32 $0xC00, v48;
	v10 =	vand.u32 $0x73, v47;
	s30 =	simm.s32 $0x9;
	[sflag:s31] =	ssyncset.done $0x0  }
0x19d: {  	v10 =	vor.u32 v10, v11;
	[sflag:s30] =	ssyncadd.s32 $0xFFFFE000  }
0x19e: {  	v11 =	vor.u32 v1, v10;
	v9 =	vld.idx.msk [tilespmem:v46+s18+$0x0], $0xffff  }
0x19f: {  	v49 =	vor.u32 s26, v2;
	_ =	sdelay $0x3  }
0x1a0: {  	[tilespmem:v11+s22+$0x0] =	vst.idx.msk $0xffff, v9  }
0x1a1: {  	v50 =	vor.u32 v3, v10;
	(v2sf) =	vpush v8, $0xE;
	v9 =	vld.idx.msk [tilespmem:v49+s18+$0x0], $0xffff  }
0x1a2: {  	v51 =	vor.u32 s26, v4;
	_ =	sdelay $0x3  }
0x1a3: {  	[tilespmem:v50+s22+$0x0] =	vst.idx.msk $0xffff, v9  }
0x1a4: {  	v52 =	vor.u32 v5, v10;
	v9 =	vld.idx.msk [tilespmem:v51+s18+$0x0], $0xffff  }
0x1a5: {  	v53 =	vor.u32 s26, v6;
	_ =	sdelay $0x3  }
0x1a6: {  	[tilespmem:v52+s22+$0x0] =	vst.idx.msk $0xffff, v9  }
0x1a7: {  	v10 =	vor.u32 v7, v10;
	v9 =	vld.idx.msk [tilespmem:v53+s18+$0x0], $0xffff;
	_ =	sdelay $0x2  }
0x1a8: {  	s26 =	spop (v2sf)  }
0x1a9: {  	s31 =	sand.u32 $0xFFFFF80, s26  }
0x1aa: {  	s28 =	sand.u32 $0x7F, s28;
	s13 =	sadd.s32 $0xFFFFFFF5, s4;
	s30 =	sadd.s32 s0, s31;
	[tilespmem:v10+s22+$0x0] =	vst.idx.msk $0xffff, v9  }
0x1ab: {  	v54 =	vor.u32 s28, v0;
	[tilespmem:s18], [sflag:$0x9] =	stream.strided.gather [hbm4b:s30+s9], $0x2000, s8, s9, $0x38;
	[tilespmem:$0x1E200] =	vst v63  }
0x1ac: {  	v55 =	vmov s13;
	s30 =	simm.s32 $0xA  }
0x1ad: {  	v56 =	vshll.u32 v55, $0x3;
	s31 =	simm.s32 $0xA;
	_ =	swait.ge [sflag:s30], $0x2000  }
0x1ae: {  	v11 =	vand.u32 $0xC00, v56;
	v10 =	vand.u32 $0x74, v55;
	s30 =	simm.s32 $0xA;
	[sflag:s31] =	ssyncset.done $0x0  }
0x1af: {  	v10 =	vor.u32 v10, v11;
	[sflag:s30] =	ssyncadd.s32 $0xFFFFE000  }
0x1b0: {  	v11 =	vor.u32 v1, v10;
	v9 =	vld.idx.msk [tilespmem:v54+s19+$0x0], $0xffff  }
0x1b1: {  	v57 =	vor.u32 s28, v2;
	_ =	sdelay $0x3  }
0x1b2: {  	[tilespmem:v11+s22+$0x0] =	vst.idx.msk $0xffff, v9  }
0x1b3: {  	v58 =	vor.u32 v3, v10;
	(v2sf) =	vpush v8, $0xF;
	v9 =	vld.idx.msk [tilespmem:v57+s19+$0x0], $0xffff  }
0x1b4: {  	v8 =	vor.u32 s28, v4;
	_ =	sdelay $0x3  }
0x1b5: {  	[tilespmem:v58+s22+$0x0] =	vst.idx.msk $0xffff, v9  }
0x1b6: {  	v59 =	vor.u32 v5, v10;
	v8 =	vld.idx.msk [tilespmem:v8+s19+$0x0], $0xffff  }
0x1b7: {  	v60 =	vor.u32 s28, v6;
	_ =	sdelay $0x3  }
0x1b8: {  	[tilespmem:v59+s22+$0x0] =	vst.idx.msk $0xffff, v8  }
0x1b9: {  	v61 =	vor.u32 v7, v10;
	v8 =	vld.idx.msk [tilespmem:v60+s19+$0x0], $0xffff;
	_ =	sdelay $0x2  }
0x1ba: {  	s28 =	spop (v2sf)  }
0x1bb: {  	s29 =	sand.u32 $0x7F, s29;
	s31 =	sand.u32 $0xFFFFF80, s28  }
0x1bc: {  	s13 =	simm.s32 $0xB;
	s30 =	sadd.s32 s0, s31;
	s31 =	sadd.s32 $0xFFFFFFF6, s4;
	[tilespmem:v61+s22+$0x0] =	vst.idx.msk $0xffff, v8;
	v8 =	vor.u32 s29, v0  }
0x1bd: {  	v62 =	vmov s31;
	[tilespmem:s19], [sflag:$0xA] =	stream.strided.gather [hbm4b:s30+s9], $0x2000, s8, s9, $0x38;
	[tilespmem:$0x1E200] =	vst v63  }
0x1be: {  	v63 =	vshll.u32 v62, $0x3;
	_ =	swait.ge [sflag:s13], $0x2000  }
0x1bf: {  	v9 =	vand.u32 $0x75, v62;
	v10 =	vand.u32 $0xC00, v63;
	[sflag:s13] =	ssyncset.done $0x0  }
0x1c0: {  	s1 =	simm.s32 $0x14200;
	v9 =	vor.u32 v9, v10;
	[sflag:s13] =	ssyncadd.s32 $0xFFFFE000  }
0x1c1: {  	v10 =	vor.u32 v1, v9;
	v8 =	vld.idx.msk [tilespmem:v8+s1+$0x0], $0xffff  }
0x1c2: {  	v12 =	vor.u32 s29, v2;
	_ =	sdelay $0x3  }
0x1c3: {  	[tilespmem:v10+s22+$0x0] =	vst.idx.msk $0xffff, v8  }
0x1c4: {  	v13 =	vor.u32 v3, v9;
	v8 =	vld.idx.msk [tilespmem:v12+s1+$0x0], $0xffff  }
0x1c5: {  	v14 =	vor.u32 s29, v4;
	_ =	sdelay $0x3  }
0x1c6: {  	[tilespmem:v13+s22+$0x0] =	vst.idx.msk $0xffff, v8  }
0x1c7: {  	v15 =	vor.u32 v5, v9;
	v8 =	vld.idx.msk [tilespmem:v14+s1+$0x0], $0xffff  }
0x1c8: {  	v16 =	vor.u32 s29, v6;
	_ =	sdelay $0x3  }
0x1c9: {  	[tilespmem:v15+s22+$0x0] =	vst.idx.msk $0xffff, v8  }
0x1ca: {  	v9 =	vor.u32 v7, v9;
	v8 =	vld.idx.msk [tilespmem:v16+s1+$0x0], $0xffff;
	_ =	sdelay $0x2  }
0x1cb: {  	s6 =	sand.u32 $0x7F, s6  }
0x1cc: {  	v17 =	vor.u32 s6, v0;
	s1 =	sadd.s32 $0xFFFFFFF7, s4  }
0x1cd: {  	s13 =	simm.s32 $0x1;
	v18 =	vmov s1;
	[tilespmem:v9+s22+$0x0] =	vst.idx.msk $0xffff, v8  }
0x1ce: {  	v8 =	vshll.u32 v18, $0x3;
	_ =	swait.ge [sflag:s13], $0x2000  }
0x1cf: {  	v19 =	vand.u32 $0x76, v18;
	v8 =	vand.u32 $0xC00, v8;
	[sflag:s13] =	ssyncset.done $0x0  }
0x1d0: {  	v8 =	vor.u32 v19, v8;
	[sflag:s13] =	ssyncadd.s32 $0xFFFFE000  }
0x1d1: {  	v21 =	vor.u32 v1, v8;
	v20 =	vld.idx.msk [tilespmem:v17+s10+$0x0], $0xffff  }
0x1d2: {  	v22 =	vor.u32 s6, v2;
	_ =	sdelay $0x3  }
0x1d3: {  	[tilespmem:v21+s22+$0x0] =	vst.idx.msk $0xffff, v20  }
0x1d4: {  	v23 =	vor.u32 v3, v8;
	v9 =	vld.idx.msk [tilespmem:v22+s10+$0x0], $0xffff  }
0x1d5: {  	v24 =	vor.u32 s6, v4;
	_ =	sdelay $0x3  }
0x1d6: {  	[tilespmem:v23+s22+$0x0] =	vst.idx.msk $0xffff, v9  }
0x1d7: {  	v25 =	vor.u32 v5, v8;
	v9 =	vld.idx.msk [tilespmem:v24+s10+$0x0], $0xffff  }
0x1d8: {  	v26 =	vor.u32 s6, v6;
	_ =	sdelay $0x3  }
0x1d9: {  	[tilespmem:v25+s22+$0x0] =	vst.idx.msk $0xffff, v9  }
0x1da: {  	v8 =	vor.u32 v7, v8;
	v9 =	vld.idx.msk [tilespmem:v26+s10+$0x0], $0xffff;
	_ =	sdelay $0x2  }
0x1db: {  	s30 =	sand.u32 $0x7F, s7  }
0x1dc: {  	s31 =	sadd.s32 $0xFFFFFFF8, s4;
	v27 =	vor.u32 s30, v0  }
0x1dd: {  	v28 =	vmov s31;
	s29 =	simm.s32 $0x2;
	[tilespmem:v8+s22+$0x0] =	vst.idx.msk $0xffff, v9  }
0x1de: {  	v8 =	vshll.u32 v28, $0x3;
	_ =	swait.ge [sflag:s29], $0x2000  }
0x1df: {  	v29 =	vand.u32 $0x77, v28;
	v8 =	vand.u32 $0xC00, v8;
	[sflag:s29] =	ssyncset.done $0x0  }
0x1e0: {  	s1 =	simm.s32 $0x2200;
	v8 =	vor.u32 v29, v8;
	[sflag:s29] =	ssyncadd.s32 $0xFFFFE000  }
0x1e1: {  	v31 =	vor.u32 v1, v8;
	v30 =	vld.idx.msk [tilespmem:v27+s1+$0x0], $0xffff  }
0x1e2: {  	v32 =	vor.u32 s30, v2;
	_ =	sdelay $0x3  }
0x1e3: {  	[tilespmem:v31+s22+$0x0] =	vst.idx.msk $0xffff, v30  }
0x1e4: {  	v33 =	vor.u32 v3, v8;
	v9 =	vld.idx.msk [tilespmem:v32+s1+$0x0], $0xffff  }
0x1e5: {  	v34 =	vor.u32 s30, v4;
	_ =	sdelay $0x3  }
0x1e6: {  	[tilespmem:v33+s22+$0x0] =	vst.idx.msk $0xffff, v9  }
0x1e7: {  	v35 =	vor.u32 v5, v8;
	v9 =	vld.idx.msk [tilespmem:v34+s1+$0x0], $0xffff  }
0x1e8: {  	v36 =	vor.u32 s30, v6;
	_ =	sdelay $0x3  }
0x1e9: {  	[tilespmem:v35+s22+$0x0] =	vst.idx.msk $0xffff, v9  }
0x1ea: {  	v8 =	vor.u32 v7, v8;
	v9 =	vld.idx.msk [tilespmem:v36+s1+$0x0], $0xffff;
	_ =	sdelay $0x2  }
0x1eb: {  	s3 =	sand.u32 $0x7F, s3  }
0x1ec: {  	v37 =	vor.u32 s3, v0;
	s7 =	sadd.s32 $0xFFFFFFF9, s4  }
0x1ed: {  	v38 =	vmov s7;
	s13 =	simm.s32 $0x3;
	[tilespmem:v8+s22+$0x0] =	vst.idx.msk $0xffff, v9  }
0x1ee: {  	v8 =	vshll.u32 v38, $0x3;
	_ =	swait.ge [sflag:s13], $0x2000  }
0x1ef: {  	v39 =	vand.u32 $0x78, v38;
	v8 =	vand.u32 $0xC00, v8;
	[sflag:s13] =	ssyncset.done $0x0  }
0x1f0: {  	v8 =	vor.u32 v39, v8;
	[sflag:s13] =	ssyncadd.s32 $0xFFFFE000  }
0x1f1: {  	v41 =	vor.u32 v1, v8;
	v40 =	vld.idx.msk [tilespmem:v37+s11+$0x0], $0xffff  }
0x1f2: {  	v42 =	vor.u32 s3, v2;
	_ =	sdelay $0x3  }
0x1f3: {  	[tilespmem:v41+s22+$0x0] =	vst.idx.msk $0xffff, v40  }
0x1f4: {  	v43 =	vor.u32 v3, v8;
	v9 =	vld.idx.msk [tilespmem:v42+s11+$0x0], $0xffff  }
0x1f5: {  	v44 =	vor.u32 s3, v4;
	_ =	sdelay $0x3  }
0x1f6: {  	[tilespmem:v43+s22+$0x0] =	vst.idx.msk $0xffff, v9  }
0x1f7: {  	v45 =	vor.u32 v5, v8;
	v9 =	vld.idx.msk [tilespmem:v44+s11+$0x0], $0xffff  }
0x1f8: {  	v46 =	vor.u32 s3, v6;
	_ =	sdelay $0x3  }
0x1f9: {  	[tilespmem:v45+s22+$0x0] =	vst.idx.msk $0xffff, v9  }
0x1fa: {  	v8 =	vor.u32 v7, v8;
	v9 =	vld.idx.msk [tilespmem:v46+s11+$0x0], $0xffff;
	_ =	sdelay $0x2  }
0x1fb: {  	s2 =	sand.u32 $0x7F, s2  }
0x1fc: {  	v47 =	vor.u32 s2, v0;
	s30 =	sadd.s32 $0xFFFFFFFA, s4  }
0x1fd: {  	v48 =	vmov s30;
	s29 =	simm.s32 $0x4;
	[tilespmem:v8+s22+$0x0] =	vst.idx.msk $0xffff, v9  }
0x1fe: {  	v8 =	vshll.u32 v48, $0x3;
	_ =	swait.ge [sflag:s29], $0x2000  }
0x1ff: {  	v49 =	vand.u32 $0x79, v48;
	v8 =	vand.u32 $0xC00, v8;
	[sflag:s29] =	ssyncset.done $0x0  }
0x200: {  	v8 =	vor.u32 v49, v8;
	[sflag:s29] =	ssyncadd.s32 $0xFFFFE000  }
0x201: {  	v51 =	vor.u32 v1, v8;
	v50 =	vld.idx.msk [tilespmem:v47+s12+$0x0], $0xffff  }
0x202: {  	v52 =	vor.u32 s2, v2;
	_ =	sdelay $0x3  }
0x203: {  	[tilespmem:v51+s22+$0x0] =	vst.idx.msk $0xffff, v50  }
0x204: {  	v53 =	vor.u32 v3, v8;
	v9 =	vld.idx.msk [tilespmem:v52+s12+$0x0], $0xffff  }
0x205: {  	v54 =	vor.u32 s2, v4;
	_ =	sdelay $0x3  }
0x206: {  	[tilespmem:v53+s22+$0x0] =	vst.idx.msk $0xffff, v9  }
0x207: {  	v55 =	vor.u32 v5, v8;
	v9 =	vld.idx.msk [tilespmem:v54+s12+$0x0], $0xffff  }
0x208: {  	v56 =	vor.u32 s2, v6;
	_ =	sdelay $0x3  }
0x209: {  	[tilespmem:v55+s22+$0x0] =	vst.idx.msk $0xffff, v9  }
0x20a: {  	v8 =	vor.u32 v7, v8;
	v9 =	vld.idx.msk [tilespmem:v56+s12+$0x0], $0xffff;
	_ =	sdelay $0x2  }
0x20b: {  	s7 =	sand.u32 $0x7F, s21  }
0x20c: {  	v57 =	vor.u32 s7, v0;
	s13 =	sadd.s32 $0xFFFFFFFB, s4  }
0x20d: {  	s31 =	simm.s32 $0x5;
	v58 =	vmov s13;
	[tilespmem:v8+s22+$0x0] =	vst.idx.msk $0xffff, v9  }
0x20e: {  	v8 =	vshll.u32 v58, $0x3;
	_ =	swait.ge [sflag:s31], $0x2000  }
0x20f: {  	v59 =	vand.u32 $0x7A, v58;
	v8 =	vand.u32 $0xC00, v8;
	[sflag:s31] =	ssyncset.done $0x0  }
0x210: {  	v8 =	vor.u32 v59, v8;
	[sflag:s31] =	ssyncadd.s32 $0xFFFFE000  }
0x211: {  	v61 =	vor.u32 v1, v8;
	v60 =	vld.idx.msk [tilespmem:v57+s14+$0x0], $0xffff  }
0x212: {  	v62 =	vor.u32 s7, v2;
	_ =	sdelay $0x3  }
0x213: {  	[tilespmem:v61+s22+$0x0] =	vst.idx.msk $0xffff, v60  }
0x214: {  	v63 =	vor.u32 v3, v8;
	v9 =	vld.idx.msk [tilespmem:v62+s14+$0x0], $0xffff  }
0x215: {  	v12 =	vor.u32 s7, v4;
	_ =	sdelay $0x3  }
0x216: {  	[tilespmem:v63+s22+$0x0] =	vst.idx.msk $0xffff, v9  }
0x217: {  	v13 =	vor.u32 v5, v8;
	v9 =	vld.idx.msk [tilespmem:v12+s14+$0x0], $0xffff  }
0x218: {  	v14 =	vor.u32 s7, v6;
	_ =	sdelay $0x3  }
0x219: {  	[tilespmem:v13+s22+$0x0] =	vst.idx.msk $0xffff, v9  }
0x21a: {  	v8 =	vor.u32 v7, v8;
	v9 =	vld.idx.msk [tilespmem:v14+s14+$0x0], $0xffff;
	_ =	sdelay $0x2  }
0x21b: {  	s29 =	sand.u32 $0x7F, s23  }
0x21c: {  	s30 =	sadd.s32 $0xFFFFFFFC, s4;
	v15 =	vor.u32 s29, v0  }
0x21d: {  	s21 =	simm.s32 $0x6;
	v16 =	vmov s30;
	[tilespmem:v8+s22+$0x0] =	vst.idx.msk $0xffff, v9  }
0x21e: {  	v8 =	vshll.u32 v16, $0x3;
	_ =	swait.ge [sflag:s21], $0x2000  }
0x21f: {  	v17 =	vand.u32 $0x7B, v16;
	v8 =	vand.u32 $0xC00, v8;
	[sflag:s21] =	ssyncset.done $0x0  }
0x220: {  	v8 =	vor.u32 v17, v8;
	[sflag:s21] =	ssyncadd.s32 $0xFFFFE000  }
0x221: {  	v19 =	vor.u32 v1, v8;
	v18 =	vld.idx.msk [tilespmem:v15+s15+$0x0], $0xffff  }
0x222: {  	v20 =	vor.u32 s29, v2;
	_ =	sdelay $0x3  }
0x223: {  	[tilespmem:v19+s22+$0x0] =	vst.idx.msk $0xffff, v18  }
0x224: {  	v21 =	vor.u32 v3, v8;
	v9 =	vld.idx.msk [tilespmem:v20+s15+$0x0], $0xffff  }
0x225: {  	v22 =	vor.u32 s29, v4;
	_ =	sdelay $0x3  }
0x226: {  	[tilespmem:v21+s22+$0x0] =	vst.idx.msk $0xffff, v9  }
0x227: {  	v23 =	vor.u32 v5, v8;
	v9 =	vld.idx.msk [tilespmem:v22+s15+$0x0], $0xffff  }
0x228: {  	v24 =	vor.u32 s29, v6;
	_ =	sdelay $0x3  }
0x229: {  	[tilespmem:v23+s22+$0x0] =	vst.idx.msk $0xffff, v9  }
0x22a: {  	v8 =	vor.u32 v7, v8;
	v9 =	vld.idx.msk [tilespmem:v24+s15+$0x0], $0xffff;
	_ =	sdelay $0x2  }
0x22b: {  	s7 =	sand.u32 $0x7F, s24  }
0x22c: {  	v25 =	vor.u32 s7, v0;
	s13 =	sadd.s32 $0xFFFFFFFD, s4  }
0x22d: {  	v26 =	vmov s13;
	s31 =	simm.s32 $0x7;
	[tilespmem:v8+s22+$0x0] =	vst.idx.msk $0xffff, v9  }
0x22e: {  	v8 =	vshll.u32 v26, $0x3;
	_ =	swait.ge [sflag:s31], $0x2000  }
0x22f: {  	v27 =	vand.u32 $0x7C, v26;
	v8 =	vand.u32 $0xC00, v8;
	[sflag:s31] =	ssyncset.done $0x0  }
0x230: {  	v8 =	vor.u32 v27, v8;
	[sflag:s31] =	ssyncadd.s32 $0xFFFFE000  }
0x231: {  	v29 =	vor.u32 v1, v8;
	v28 =	vld.idx.msk [tilespmem:v25+s16+$0x0], $0xffff  }
0x232: {  	v30 =	vor.u32 s7, v2;
	_ =	sdelay $0x3  }
0x233: {  	[tilespmem:v29+s22+$0x0] =	vst.idx.msk $0xffff, v28  }
0x234: {  	v31 =	vor.u32 v3, v8;
	v9 =	vld.idx.msk [tilespmem:v30+s16+$0x0], $0xffff  }
0x235: {  	v32 =	vor.u32 s7, v4;
	_ =	sdelay $0x3  }
0x236: {  	[tilespmem:v31+s22+$0x0] =	vst.idx.msk $0xffff, v9  }
0x237: {  	v33 =	vor.u32 v5, v8;
	v9 =	vld.idx.msk [tilespmem:v32+s16+$0x0], $0xffff  }
0x238: {  	v34 =	vor.u32 s7, v6;
	_ =	sdelay $0x3  }
0x239: {  	[tilespmem:v33+s22+$0x0] =	vst.idx.msk $0xffff, v9  }
0x23a: {  	v8 =	vor.u32 v7, v8;
	v9 =	vld.idx.msk [tilespmem:v34+s16+$0x0], $0xffff;
	_ =	sdelay $0x2  }
0x23b: {  	s23 =	sand.u32 $0x7F, s25  }
0x23c: {  	s24 =	sadd.s32 $0xFFFFFFFE, s4;
	v35 =	vor.u32 s23, v0  }
0x23d: {  	v36 =	vmov s24;
	s21 =	simm.s32 $0x8;
	[tilespmem:v8+s22+$0x0] =	vst.idx.msk $0xffff, v9  }
0x23e: {  	v8 =	vshll.u32 v36, $0x3;
	_ =	swait.ge [sflag:s21], $0x2000  }
0x23f: {  	v37 =	vand.u32 $0x7D, v36;
	v8 =	vand.u32 $0xC00, v8;
	[sflag:s21] =	ssyncset.done $0x0  }
0x240: {  	v8 =	vor.u32 v37, v8;
	[sflag:s21] =	ssyncadd.s32 $0xFFFFE000  }
0x241: {  	v39 =	vor.u32 v1, v8;
	v38 =	vld.idx.msk [tilespmem:v35+s17+$0x0], $0xffff  }
0x242: {  	v40 =	vor.u32 s23, v2;
	_ =	sdelay $0x3  }
0x243: {  	[tilespmem:v39+s22+$0x0] =	vst.idx.msk $0xffff, v38  }
0x244: {  	v41 =	vor.u32 v3, v8;
	v9 =	vld.idx.msk [tilespmem:v40+s17+$0x0], $0xffff  }
0x245: {  	v42 =	vor.u32 s23, v4;
	_ =	sdelay $0x3  }
0x246: {  	[tilespmem:v41+s22+$0x0] =	vst.idx.msk $0xffff, v9  }
0x247: {  	v43 =	vor.u32 v5, v8;
	v9 =	vld.idx.msk [tilespmem:v42+s17+$0x0], $0xffff  }
0x248: {  	v44 =	vor.u32 s23, v6;
	_ =	sdelay $0x3  }
0x249: {  	[tilespmem:v43+s22+$0x0] =	vst.idx.msk $0xffff, v9  }
0x24a: {  	v8 =	vor.u32 v7, v8;
	v9 =	vld.idx.msk [tilespmem:v44+s17+$0x0], $0xffff;
	_ =	sdelay $0x2  }
0x24b: {  	s26 =	sand.u32 $0x7F, s26  }
0x24c: {  	v45 =	vor.u32 s26, v0;
	s29 =	sadd.s32 $0xFFFFFFFF, s4  }
0x24d: {  	s25 =	simm.s32 $0x9;
	v46 =	vmov s29;
	[tilespmem:v8+s22+$0x0] =	vst.idx.msk $0xffff, v9  }
0x24e: {  	v8 =	vshll.u32 v46, $0x3;
	_ =	swait.ge [sflag:s25], $0x2000  }
0x24f: {  	v47 =	vand.u32 $0x7E, v46;
	v8 =	vand.u32 $0xC00, v8;
	[sflag:s25] =	ssyncset.done $0x0  }
0x250: {  	v8 =	vor.u32 v47, v8;
	[sflag:s25] =	ssyncadd.s32 $0xFFFFE000  }
0x251: {  	v49 =	vor.u32 v1, v8;
	v48 =	vld.idx.msk [tilespmem:v45+s18+$0x0], $0xffff  }
0x252: {  	v50 =	vor.u32 s26, v2;
	_ =	sdelay $0x3  }
0x253: {  	[tilespmem:v49+s22+$0x0] =	vst.idx.msk $0xffff, v48  }
0x254: {  	v51 =	vor.u32 v3, v8;
	v9 =	vld.idx.msk [tilespmem:v50+s18+$0x0], $0xffff  }
0x255: {  	v52 =	vor.u32 s26, v4;
	_ =	sdelay $0x3  }
0x256: {  	[tilespmem:v51+s22+$0x0] =	vst.idx.msk $0xffff, v9  }
0x257: {  	v53 =	vor.u32 v5, v8;
	v9 =	vld.idx.msk [tilespmem:v52+s18+$0x0], $0xffff  }
0x258: {  	v54 =	vor.u32 s26, v6;
	_ =	sdelay $0x3  }
0x259: {  	[tilespmem:v53+s22+$0x0] =	vst.idx.msk $0xffff, v9  }
0x25a: {  	v8 =	vor.u32 v7, v8;
	v9 =	vld.idx.msk [tilespmem:v54+s18+$0x0], $0xffff;
	_ =	sdelay $0x2  }
0x25b: {  	s31 =	sand.u32 $0x7F, s28  }
0x25c: {  	v55 =	vor.u32 s31, v0  }
0x25d: {  	s30 =	simm.s32 $0xA;
	[tilespmem:v8+s22+$0x0] =	vst.idx.msk $0xffff, v9;
	v8 =	vmov s4  }
0x25e: {  	_ =	swait.ge [sflag:s30], $0x2000;
	v56 =	vshll.u32 v8, $0x3  }
0x25f: {  	v8 =	vand.u32 $0x7F, v8;
	[sflag:s30] =	ssyncset.done $0x0;
	v9 =	vand.u32 $0xC00, v56  }
0x260: {  	[sflag:s30] =	ssyncadd.s32 $0xFFFFE000;
	v8 =	vor.u32 v8, v9  }
0x261: {  	v57 =	vld.idx.msk [tilespmem:v55+s19+$0x0], $0xffff;
	v58 =	vor.u32 v1, v8  }
0x262: {  	v59 =	vor.u32 s31, v2;
	_ =	sdelay $0x3  }
0x263: {  	[tilespmem:v58+s22+$0x0] =	vst.idx.msk $0xffff, v57  }
0x264: {  	v60 =	vor.u32 v3, v8;
	v9 =	vld.idx.msk [tilespmem:v59+s19+$0x0], $0xffff  }
0x265: {  	v61 =	vor.u32 s31, v4;
	_ =	sdelay $0x3  }
0x266: {  	[tilespmem:v60+s22+$0x0] =	vst.idx.msk $0xffff, v9  }
0x267: {  	v62 =	vor.u32 v5, v8;
	v9 =	vld.idx.msk [tilespmem:v61+s19+$0x0], $0xffff  }
0x268: {  	v63 =	vor.u32 s31, v6;
	_ =	sdelay $0x3  }
0x269: {  	[tilespmem:v62+s22+$0x0] =	vst.idx.msk $0xffff, v9  }
0x26a: {  	p0 =	sne.s32 s4, $0x1FF;
	v8 =	vor.u32 v7, v8;
	v9 =	vld.idx.msk [tilespmem:v63+s19+$0x0], $0xffff  }
.Ltmp0:
0x26b: {  	_ = 	snop;
	(pc) =	sbr.rel @p0 .LBB2_2-.Ltmp0, $2  }
0x26c: {  	_ =	sdelay $0x2  }
0x26d: {  	s5 =	sadd.s32 $0x20, s5;
	s4 =	sadd.s32 $0x20, s4;
	[tilespmem:v8+s22+$0x0] =	vst.idx.msk $0xffff, v9  }
0x26e: {  	s2 =	rddreg [dreg:$0x5];
	s3 =	simm.s32 $0x1000;
	s4 =	simm.s32 $0x20000  }
0x26f: {  	[hbm4b:s2+s3] =	stream.strided.scatter [tilespmem:s22], [sflag:$0xC], $0x8000, s4, s3, $0x38;
	[tilespmem:$0x1E200] =	vst v63  }
0x270: {  	s4 =	simm.s32 $0xC  }
0x271: {  	_ =	swait.ge [sflag:s4], $0x8000  }
0x272: {  	s30 =	rddreg [dreg:$0x7]  }
0x273: {  	s31 =	rddreg [dreg:$0x6];
	s3 =	sadd.s32 $0x1, s30  }
0x274: {  	p0 =	sne.s32 s3, s31  }
.Ltmp1:
0x275: {  	_ = 	snop;
	(pc) =	sbr.rel @p0 .LBB2_1-.Ltmp1, $3  }
0x276: {  	_ =	sdelay $0x1  }
0x277: {  	[sflag:s4] =	ssyncset.done $0x0  }
0x278: {  	[sflag:s4] =	ssyncadd.s32 $0xFFFF8000  }
0x279: {  	_ =	sfence.sel $0x180000  }
0x27a: {  	[bflag:$0x0] =	sbarrier.arrive $0xFFFF  }
0x27b: {  	_ =	strace $0x90000047  }
0x27c: {  	s0 =	stileid.u32;
	[bflag:$0x2] =	sbarrier.arrive $0xFFFF  }
0x27d: {  	p0 =	sne.s32 s0, $0x0;
	s0 =	rddreg [dreg:$0x3]  }
0x27e: {  	s0 =	sadd.s32 @!p0 $0x100000, s0  }
0x27f: {  	[sflag:s0] =	ssyncadd.tile.s32 @!p0 $0x1;
	_ =	shalt  }
.Lfunc_end2:
_tile_overlayer_lowered:
.L_overlay_start_2:
0x280: {  	(tag) =	ssettag $0x2  }
0x281: {  	s0 =	rddreg [dreg:$0x0];
	s2 =	stileid.u32  }
0x282: {  	s1 =	rddreg [dreg:$0x1];
	p0 =	sne.s32 s2, $0x0  }
0x283: {  	s3 =	rddreg [dreg:$0x2];
	[bflag:$0x3] =	sbarrier.arrive $0xFFFF;
	s2 =	simm.s32 @!p0 $0x1C0C  }
0x284: {  	[timem:s3], [sflag:s2] =	dma.local @!p0 [hbm:s0], s1  }
0x285: {  	s0 =	simm.s32 @!p0 $0xC  }
0x286: {  	_ =	swait.ge @!p0 [sflag:s0], s1  }
0x287: {  	s1 =	ssub.s32 @!p0 $0x0, s1;
	[sflag:s0] =	ssyncset.done @!p0 $0x0  }
0x288: {  	[sflag:s0] =	ssyncadd.s32 @!p0 s1  }
0x289: {  	[bflag:$0x3] =	sbarrier.arrive $0xFFFF  }
0x28a: {  	_ =	shalt  }

</sc_bundles>
